<compile_context>
chip_gen: v7x
topology: tpu7x:2x2x1
jax: 0.10.2.dev20260603
libtpu: 0.0.44.dev20260713+nightly
codegen_flags: <defaults>
</compile_context>

<pallas_src>
import functools

import jax
import jax.numpy as jnp
from jax import lax
from jax.experimental import pallas as pl
from jax.experimental.pallas import tpu as pltpu
from jax.experimental.pallas import tpu_sc as plsc

N = 10000
E = 320000
D = 128
H = D // 2

NC = 2
NS = 16

C = 80
CHUNKS = E // (NS * C)
ZC = 80
NZROW = N // ZC
ZFULL = NZROW // NS
ZREM = NZROW - ZFULL * NS


def _proj_body(x_ref, wk_ref, wq_ref, wv_ref, ws_ref, bk_ref, bq_ref, bv_ref,
               bb_ref, klo_o, qlo_o, vlo_o, slo_o, khi_o, qhi_o, vhi_o, shi_o):
    xb = x_ref[...]
    k = jnp.dot(xb, wk_ref[...], preferred_element_type=jnp.float32) + bk_ref[...]
    q = jnp.dot(xb, wq_ref[...], preferred_element_type=jnp.float32) + bq_ref[...]
    v = jnp.dot(xb, wv_ref[...], preferred_element_type=jnp.float32) + bv_ref[...]
    s = jnp.dot(xb, ws_ref[...], preferred_element_type=jnp.float32) + bb_ref[...]
    klo_o[...] = k[:, :H]
    khi_o[...] = k[:, H:]
    qlo_o[...] = q[:, :H]
    qhi_o[...] = q[:, H:]
    vlo_o[...] = v[:, :H]
    vhi_o[...] = v[:, H:]
    slo_o[...] = s[:, :H]
    shi_o[...] = s[:, H:]


def _sc_body(klo, qlo, vlo, slo, khi, qhi, vhi, shi, src_hbm, dst_hbm, out_hbm,
             aggr, sidx, didx, kb0, qb0, vb0, kb1, qb1, vb1, kb2, qb2, vb2,
             gs0, gs1, gs2, ss0, ss1, ss2):
    cid = lax.axis_index("c")
    sid = lax.axis_index("s")

    kb = (kb0, kb1, kb2)
    qb = (qb0, qb1, qb2)
    vb = (vb0, vb1, vb2)
    gsem = (gs0, gs1, gs2)
    ssem = (ss0, ss1, ss2)

    EPT = CHUNKS * C

    def do_half(kt, qt, vt, st):
        pltpu.sync_copy(src_hbm.at[pl.ds(sid * EPT, EPT)], sidx)
        pltpu.sync_copy(dst_hbm.at[pl.ds(sid * EPT, EPT)], didx)

        def szero(t, _):
            r0 = (sid + NS * t) * ZC
            pltpu.sync_copy(st.at[pl.ds(r0, ZC)], aggr.at[pl.ds(r0, ZC)])
            return 0
        lax.fori_loop(0, ZFULL, szero, 0)

        @pl.when(sid < ZREM)
        def _():
            r0 = (sid + NS * ZFULL) * ZC
            pltpu.sync_copy(st.at[pl.ds(r0, ZC)], aggr.at[pl.ds(r0, ZC)])

        plsc.subcore_barrier()

        def dix(t):
            return didx.at[pl.ds(pl.multiple_of(t * C, 8), C)]

        def six(t):
            return sidx.at[pl.ds(pl.multiple_of(t * C, 8), C)]

        def issue(b, t):
            pltpu.async_copy(kt.at[dix(t)], kb[b], gsem[b])
            pltpu.async_copy(qt.at[six(t)], qb[b], gsem[b])
            pltpu.async_copy(vt.at[six(t)], vb[b], gsem[b])

        def wait_gathers(b, t):
            pltpu.make_async_copy(kt.at[dix(t)], kb[b], gsem[b]).wait()
            pltpu.make_async_copy(qt.at[six(t)], qb[b], gsem[b]).wait()
            pltpu.make_async_copy(vt.at[six(t)], vb[b], gsem[b]).wait()

        PROBE_NO_COMPUTE = True

        def compute(b):
            if PROBE_NO_COMPUTE:
                return
            def row(r, _):
                for j in range(H // 16):
                    sl = pl.ds(j * 16, 16)
                    z = kb[b][r, sl] + qb[b][r, sl]
                    vb[b][r, sl] = vb[b][r, sl] / (1.0 + jnp.exp(-z))
                return 0
            lax.fori_loop(0, C, row, 0)

        def scatter_start(b, t):
            pltpu.async_copy(vb[b], aggr.at[dix(t)], ssem[b], add=True)

        def scatter_wait(b, t):
            pltpu.make_async_copy(vb[b], aggr.at[dix(t)], ssem[b]).wait()

        def chunk_normal(b, t):
            bn = (b + 1) % 3
            scatter_wait(bn, t - 2)
            issue(bn, t + 1)
            wait_gathers(b, t)
            compute(b)
            scatter_start(b, t)

        issue(0, 0)
        issue(1, 1)
        wait_gathers(0, 0)
        compute(0)
        scatter_start(0, 0)
        issue(2, 2)
        wait_gathers(1, 1)
        compute(1)
        scatter_start(1, 1)
        chunk_normal(2, 2)
        chunk_normal(0, 3)

        def group(g, _):
            t0 = 4 + 3 * g
            chunk_normal(1, t0)
            chunk_normal(2, t0 + 1)
            chunk_normal(0, t0 + 2)
            return 0
        lax.fori_loop(0, (CHUNKS - 7) // 3, group, 0)

        chunk_normal(1, CHUNKS - 3)
        chunk_normal(2, CHUNKS - 2)
        scatter_wait(1, CHUNKS - 3)
        wait_gathers(0, CHUNKS - 1)
        compute(0)
        scatter_start(0, CHUNKS - 1)
        scatter_wait(2, CHUNKS - 2)
        scatter_wait(0, CHUNKS - 1)

        plsc.subcore_barrier()

    @pl.when(cid == 0)
    def _():
        do_half(klo, qlo, vlo, slo)

    @pl.when(cid == 1)
    def _():
        do_half(khi, qhi, vhi, shi)

    def ochunk(t, _):
        r0 = (sid + NS * t) * ZC
        pltpu.sync_copy(aggr.at[pl.ds(r0, ZC)], out_hbm.at[cid, pl.ds(r0, ZC)])
        return 0
    lax.fori_loop(0, ZFULL, ochunk, 0)

    @pl.when(sid < ZREM)
    def _():
        r0 = (sid + NS * ZFULL) * ZC
        pltpu.sync_copy(aggr.at[pl.ds(r0, ZC)], out_hbm.at[cid, pl.ds(r0, ZC)])


@functools.cache
def _get_sc_call():
    return pl.kernel(
        _sc_body,
        out_type=jax.ShapeDtypeStruct((2, N, H), jnp.float32),
        mesh=plsc.VectorSubcoreMesh(core_axis_name="c", subcore_axis_name="s",
                                    num_cores=NC, num_subcores=NS),
        scratch_types=(
            [pltpu.VMEM_SHARED((N, H), jnp.float32),
             pltpu.VMEM((CHUNKS * C,), jnp.int32),
             pltpu.VMEM((CHUNKS * C,), jnp.int32)]
            + [pltpu.VMEM((C, H), jnp.float32)] * 9
            + [pltpu.SemaphoreType.DMA] * 6
        ),
        compiler_params=pltpu.CompilerParams(use_tc_tiling_on_sc=False),
    )


ROWS_BLK = 1000

_proj_call = pl.pallas_call(
    _proj_body,
    grid=(N // ROWS_BLK,),
    in_specs=[
        pl.BlockSpec((ROWS_BLK, D), lambda i: (i, 0)),
        pl.BlockSpec((D, D), lambda i: (0, 0)),
        pl.BlockSpec((D, D), lambda i: (0, 0)),
        pl.BlockSpec((D, D), lambda i: (0, 0)),
        pl.BlockSpec((D, D), lambda i: (0, 0)),
        pl.BlockSpec((1, D), lambda i: (0, 0)),
        pl.BlockSpec((1, D), lambda i: (0, 0)),
        pl.BlockSpec((1, D), lambda i: (0, 0)),
        pl.BlockSpec((1, D), lambda i: (0, 0)),
    ],
    out_specs=[pl.BlockSpec((ROWS_BLK, H), lambda i: (i, 0))] * 8,
    out_shape=[jax.ShapeDtypeStruct((N, H), jnp.float32)] * 8,
)


@jax.jit
def kernel(x, edge_index, W_key, b_key, W_query, b_query, W_value, b_value,
           W_skip, bias):
    klo, qlo, vlo, slo, khi, qhi, vhi, shi = _proj_call(
        x, W_key.T, W_query.T, W_value.T, W_skip.T,
        b_key.reshape(1, D), b_query.reshape(1, D), b_value.reshape(1, D),
        bias.reshape(1, D))
    out3 = _get_sc_call()(
        klo, qlo, vlo, slo, khi, qhi, vhi, shi,
        edge_index[0], edge_index[1])
    return jnp.concatenate([out3[0], out3[1]], axis=1)

# --- scband reference (transcript-rebuilt; emitter-appended) ---
"""Pipeline reference for scband-res-gated-gcnconv-graph-gym-layer-50440095924339 (READ-ONLY COPY).

The authoritative reference and input builder live on the scoring server;
editing this copy changes nothing except your own understanding.
"""

import jax, jax.numpy as jnp
import numpy as np

N = 10000
E = 320000
D_IN = 128
D_OUT = 128


def setup_inputs(seed: int = 0) -> dict:
    key = jax.random.key(seed)
    ks = jax.random.split(key, 12)
    x = jax.random.normal(ks[0], (N, D_IN), dtype=jnp.float32)
    edge_index = jax.random.randint(ks[1], (2, E), 0, N)
    scale = 1.0 / np.sqrt(D_IN)
    W_key = jax.random.uniform(ks[2], (D_OUT, D_IN), minval=-scale, maxval=scale, dtype=jnp.float32)
    b_key = jax.random.uniform(ks[3], (D_OUT,), minval=-scale, maxval=scale, dtype=jnp.float32)
    W_query = jax.random.uniform(ks[4], (D_OUT, D_IN), minval=-scale, maxval=scale, dtype=jnp.float32)
    b_query = jax.random.uniform(ks[5], (D_OUT,), minval=-scale, maxval=scale, dtype=jnp.float32)
    W_value = jax.random.uniform(ks[6], (D_OUT, D_IN), minval=-scale, maxval=scale, dtype=jnp.float32)
    b_value = jax.random.uniform(ks[7], (D_OUT,), minval=-scale, maxval=scale, dtype=jnp.float32)
    W_skip = jax.random.uniform(ks[8], (D_OUT, D_IN), minval=-scale, maxval=scale, dtype=jnp.float32)
    bias = jax.random.uniform(ks[9], (D_OUT,), minval=-scale, maxval=scale, dtype=jnp.float32)
    return {"x": x, "edge_index": edge_index, "W_key": W_key, "b_key": b_key,
            "W_query": W_query, "b_query": b_query, "W_value": W_value, "b_value": b_value,
            "W_skip": W_skip, "bias": bias}


def reference(x, edge_index, W_key, b_key, W_query, b_query, W_value, b_value, W_skip, bias):
    # PyG ResGatedGraphConv (source_to_target flow):
    #   k = lin_key(x)   gathered at dst (x_i)
    #   q = lin_query(x) gathered at src (x_j)
    #   v = lin_value(x) gathered at src (x_j)
    #   message = sigmoid(k_i + q_j) * v_j, sum-aggregated at dst
    #   out = aggr + lin_skip(x) + bias  (lin_skip has no bias)
    k = x @ W_key.T + b_key
    q = x @ W_query.T + b_query
    v = x @ W_value.T + b_value
    src = edge_index[0]
    dst = edge_index[1]
    gate = jax.nn.sigmoid(jnp.take(k, dst, axis=0) + jnp.take(q, src, axis=0))
    msg = gate * jnp.take(v, src, axis=0)
    aggr = jax.ops.segment_sum(msg, dst, num_segments=N)
    out = aggr + x @ W_skip.T + bias
    return out

if __name__ == "__main__":
    import jax
    _d = setup_inputs()
    print(jax.jit(kernel)(*tuple(_d.values())))

</pallas_src>

<mosaic_0001>
#map = affine_map<(d0, d1) -> (0, 0)>
#map1 = affine_map<(d0, d1) -> (0)>
#map2 = affine_map<(d0, d1) -> (0, 0, 0)>
module attributes {stable_mosaic.version = 14 : i64} {
  func.func @_sc_body(%arg0: i32, %arg1: i32, %arg2: memref<10000x64xf32, #tpu.memory_space<hbm>>, %arg3: memref<10000x64xf32, #tpu.memory_space<hbm>>, %arg4: memref<10000x64xf32, #tpu.memory_space<hbm>>, %arg5: memref<10000x64xf32, #tpu.memory_space<hbm>>, %arg6: memref<10000x64xf32, #tpu.memory_space<hbm>>, %arg7: memref<10000x64xf32, #tpu.memory_space<hbm>>, %arg8: memref<10000x64xf32, #tpu.memory_space<hbm>>, %arg9: memref<10000x64xf32, #tpu.memory_space<hbm>>, %arg10: memref<320000xi32, #tpu.memory_space<hbm>>, %arg11: memref<320000xi32, #tpu.memory_space<hbm>>, %arg12: memref<2x10000x64xf32, #tpu.memory_space<hbm>>, %arg13: memref<10000x64xf32, #tpu.memory_space<vmem_shared>>, %arg14: memref<20000xi32, #tpu.memory_space<vmem>>, %arg15: memref<20000xi32, #tpu.memory_space<vmem>>, %arg16: memref<80x64xf32, #tpu.memory_space<vmem>>, %arg17: memref<80x64xf32, #tpu.memory_space<vmem>>, %arg18: memref<80x64xf32, #tpu.memory_space<vmem>>, %arg19: memref<80x64xf32, #tpu.memory_space<vmem>>, %arg20: memref<80x64xf32, #tpu.memory_space<vmem>>, %arg21: memref<80x64xf32, #tpu.memory_space<vmem>>, %arg22: memref<80x64xf32, #tpu.memory_space<vmem>>, %arg23: memref<80x64xf32, #tpu.memory_space<vmem>>, %arg24: memref<80x64xf32, #tpu.memory_space<vmem>>, %arg25: memref<!tpu.dma_semaphore, #tpu.memory_space<semaphore_mem>>, %arg26: memref<!tpu.dma_semaphore, #tpu.memory_space<semaphore_mem>>, %arg27: memref<!tpu.dma_semaphore, #tpu.memory_space<semaphore_mem>>, %arg28: memref<!tpu.dma_semaphore, #tpu.memory_space<semaphore_mem>>, %arg29: memref<!tpu.dma_semaphore, #tpu.memory_space<semaphore_mem>>, %arg30: memref<!tpu.dma_semaphore, #tpu.memory_space<semaphore_mem>>) attributes {dimension_semantics = [#tpu.dimension_semantics<core_parallel>, #tpu.dimension_semantics<subcore_parallel>], iteration_bounds = array<i64: 2, 16>, scalar_prefetch = 0 : i64, scratch_operands = 18 : i64, tpu.core_type = #tpu.core_type<sc_vector_subcore>, window_params = [{transform_indices = #map}, {transform_indices = #map}, {transform_indices = #map}, {transform_indices = #map}, {transform_indices = #map}, {transform_indices = #map}, {transform_indices = #map}, {transform_indices = #map}, {transform_indices = #map1}, {transform_indices = #map1}, {transform_indices = #map2}]} {
    %eq3A = arith.constant 0 : i32
    %eq3A_0 = arith.cmpi eq, %arg0, %eq3A : i32
    %convert_element_type3A = arith.extui %eq3A_0 : i1 to i32
    %cond3A = arith.constant 0 : i32
    %cond3A_1 = arith.cmpi ne, %convert_element_type3A, %cond3A : i32
    scf.if %cond3A_1 {
      %mul3A = arith.constant 20000 : i32
      %mul3A_17 = arith.muli %arg1, %mul3A : i32
      "tpu.region"() ({
        %run_scoped3A = tpu.sem_alloc : memref<!tpu.dma_semaphore, #tpu.memory_space<semaphore_mem>>
        %dma_start3A_373 = tpu.memref_slice %arg10[%mul3A_17] : memref<320000xi32, #tpu.memory_space<hbm>> -> memref<20000xi32, #tpu.memory_space<hbm>>
        %dma_start3A_374 = tpu.memref_slice %arg10[%mul3A_17] : memref<320000xi32, #tpu.memory_space<hbm>> -> memref<20000xi32, #tpu.memory_space<hbm>>
        tpu.enqueue_dma source(%dma_start3A_374 : memref<20000xi32, #tpu.memory_space<hbm>>) target(%arg14 : memref<20000xi32, #tpu.memory_space<vmem>>) target_semaphore(%run_scoped3A : memref<!tpu.dma_semaphore, #tpu.memory_space<semaphore_mem>>)
        %dma_wait3A_375 = tpu.memref_slice %arg10[%mul3A_17] : memref<320000xi32, #tpu.memory_space<hbm>> -> memref<20000xi32, #tpu.memory_space<hbm>>
        %dma_wait3A_376 = tpu.memref_slice %arg10[%mul3A_17] : memref<320000xi32, #tpu.memory_space<hbm>> -> memref<20000xi32, #tpu.memory_space<hbm>>
        tpu.wait_dma2 semaphore(%run_scoped3A : memref<!tpu.dma_semaphore, #tpu.memory_space<semaphore_mem>>) src(%dma_wait3A_376 : memref<20000xi32, #tpu.memory_space<hbm>>) dst(%arg14 : memref<20000xi32, #tpu.memory_space<vmem>>)
        tpu.yield
      }) : () -> ()
      %mul3A_18 = arith.constant 20000 : i32
      %mul3A_19 = arith.muli %arg1, %mul3A_18 : i32
      "tpu.region"() ({
        %run_scoped3A = tpu.sem_alloc : memref<!tpu.dma_semaphore, #tpu.memory_space<semaphore_mem>>
        %dma_start3A_373 = tpu.memref_slice %arg11[%mul3A_19] : memref<320000xi32, #tpu.memory_space<hbm>> -> memref<20000xi32, #tpu.memory_space<hbm>>
        %dma_start3A_374 = tpu.memref_slice %arg11[%mul3A_19] : memref<320000xi32, #tpu.memory_space<hbm>> -> memref<20000xi32, #tpu.memory_space<hbm>>
        tpu.enqueue_dma source(%dma_start3A_374 : memref<20000xi32, #tpu.memory_space<hbm>>) target(%arg15 : memref<20000xi32, #tpu.memory_space<vmem>>) target_semaphore(%run_scoped3A : memref<!tpu.dma_semaphore, #tpu.memory_space<semaphore_mem>>)
        %dma_wait3A_375 = tpu.memref_slice %arg11[%mul3A_19] : memref<320000xi32, #tpu.memory_space<hbm>> -> memref<20000xi32, #tpu.memory_space<hbm>>
        %dma_wait3A_376 = tpu.memref_slice %arg11[%mul3A_19] : memref<320000xi32, #tpu.memory_space<hbm>> -> memref<20000xi32, #tpu.memory_space<hbm>>
        tpu.wait_dma2 semaphore(%run_scoped3A : memref<!tpu.dma_semaphore, #tpu.memory_space<semaphore_mem>>) src(%dma_wait3A_376 : memref<20000xi32, #tpu.memory_space<hbm>>) dst(%arg15 : memref<20000xi32, #tpu.memory_space<vmem>>)
        tpu.yield
      }) : () -> ()
      %scan3A_20 = arith.constant 0 : i32
      %scan3A_21 = arith.constant 0 : i32
      %scan3A_22 = arith.constant 7 : i32
      %scan3A_23 = arith.addi %scan3A_21, %scan3A_22 : i32
      %scan3A_24 = arith.constant 1 : i32
      %scan3A_25 = scf.for %scan3A_373 = %scan3A_21 to %scan3A_23 step %scan3A_24 iter_args(%scan3A_374 = %scan3A_20) -> (i32)  : i32 {
        %mul3A_375 = arith.constant 16 : i32
        %mul3A_376 = arith.muli %mul3A_375, %scan3A_373 : i32
        %add3A = arith.addi %arg1, %mul3A_376 : i32
        %mul3A_377 = arith.constant 80 : i32
        %mul3A_378 = arith.muli %add3A, %mul3A_377 : i32
        "tpu.region"() ({
          %run_scoped3A = tpu.sem_alloc : memref<!tpu.dma_semaphore, #tpu.memory_space<semaphore_mem>>
          %dma_start3A_380 = arith.constant 0 : i32
          %dma_start3A_381 = tpu.memref_slice %arg13[%mul3A_378, %dma_start3A_380] : memref<10000x64xf32, #tpu.memory_space<vmem_shared>> -> memref<80x64xf32, #tpu.memory_space<vmem_shared>>
          %dma_start3A_382 = arith.constant 0 : i32
          %dma_start3A_383 = tpu.memref_slice %arg5[%mul3A_378, %dma_start3A_382] : memref<10000x64xf32, #tpu.memory_space<hbm>> -> memref<80x64xf32, #tpu.memory_space<hbm>>
          tpu.enqueue_dma source(%dma_start3A_383 : memref<80x64xf32, #tpu.memory_space<hbm>>) target(%dma_start3A_381 : memref<80x64xf32, #tpu.memory_space<vmem_shared>>) target_semaphore(%run_scoped3A : memref<!tpu.dma_semaphore, #tpu.memory_space<semaphore_mem>>)
          %dma_wait3A_384 = arith.constant 0 : i32
          %dma_wait3A_385 = tpu.memref_slice %arg13[%mul3A_378, %dma_wait3A_384] : memref<10000x64xf32, #tpu.memory_space<vmem_shared>> -> memref<80x64xf32, #tpu.memory_space<vmem_shared>>
          %dma_wait3A_386 = arith.constant 0 : i32
          %dma_wait3A_387 = tpu.memref_slice %arg5[%mul3A_378, %dma_wait3A_386] : memref<10000x64xf32, #tpu.memory_space<hbm>> -> memref<80x64xf32, #tpu.memory_space<hbm>>
          tpu.wait_dma2 semaphore(%run_scoped3A : memref<!tpu.dma_semaphore, #tpu.memory_space<semaphore_mem>>) src(%dma_wait3A_387 : memref<80x64xf32, #tpu.memory_space<hbm>>) dst(%dma_wait3A_385 : memref<80x64xf32, #tpu.memory_space<vmem_shared>>)
          tpu.yield
        }) : () -> ()
        %scan3A_379 = arith.constant 0 : i32
        scf.yield %scan3A_379 : i32
      }
      %scan3A_26 = arith.constant 7 : i32
      %lt3A_27 = arith.constant 13 : i32
      %lt3A_28 = arith.cmpi slt, %arg1, %lt3A_27 : i32
      %convert_element_type3A_29 = arith.extui %lt3A_28 : i1 to i32
      %cond3A_30 = arith.constant 0 : i32
      %cond3A_31 = arith.cmpi ne, %convert_element_type3A_29, %cond3A_30 : i32
      scf.if %cond3A_31 {
        %add3A = arith.constant 112 : i32
        %add3A_373 = arith.addi %arg1, %add3A : i32
        %mul3A_374 = arith.constant 80 : i32
        %mul3A_375 = arith.muli %add3A_373, %mul3A_374 : i32
        "tpu.region"() ({
          %run_scoped3A = tpu.sem_alloc : memref<!tpu.dma_semaphore, #tpu.memory_space<semaphore_mem>>
          %dma_start3A_376 = arith.constant 0 : i32
          %dma_start3A_377 = tpu.memref_slice %arg13[%mul3A_375, %dma_start3A_376] : memref<10000x64xf32, #tpu.memory_space<vmem_shared>> -> memref<80x64xf32, #tpu.memory_space<vmem_shared>>
          %dma_start3A_378 = arith.constant 0 : i32
          %dma_start3A_379 = tpu.memref_slice %arg5[%mul3A_375, %dma_start3A_378] : memref<10000x64xf32, #tpu.memory_space<hbm>> -> memref<80x64xf32, #tpu.memory_space<hbm>>
          tpu.enqueue_dma source(%dma_start3A_379 : memref<80x64xf32, #tpu.memory_space<hbm>>) target(%dma_start3A_377 : memref<80x64xf32, #tpu.memory_space<vmem_shared>>) target_semaphore(%run_scoped3A : memref<!tpu.dma_semaphore, #tpu.memory_space<semaphore_mem>>)
          %dma_wait3A_380 = arith.constant 0 : i32
          %dma_wait3A_381 = tpu.memref_slice %arg13[%mul3A_375, %dma_wait3A_380] : memref<10000x64xf32, #tpu.memory_space<vmem_shared>> -> memref<80x64xf32, #tpu.memory_space<vmem_shared>>
          %dma_wait3A_382 = arith.constant 0 : i32
          %dma_wait3A_383 = tpu.memref_slice %arg5[%mul3A_375, %dma_wait3A_382] : memref<10000x64xf32, #tpu.memory_space<hbm>> -> memref<80x64xf32, #tpu.memory_space<hbm>>
          tpu.wait_dma2 semaphore(%run_scoped3A : memref<!tpu.dma_semaphore, #tpu.memory_space<semaphore_mem>>) src(%dma_wait3A_383 : memref<80x64xf32, #tpu.memory_space<hbm>>) dst(%dma_wait3A_381 : memref<80x64xf32, #tpu.memory_space<vmem_shared>>)
          tpu.yield
        }) : () -> ()
      } else {
      }
      %barrier3A = arith.constant 0 : index
      tpu.barrier barrier_id(%barrier3A)
      %multiple_of3A = arith.constant 0 : i32
      %multiple_of3A_32 = tpu.assume_multiple %multiple_of3A, 8 : i32
      %dma_start3A = tpu.memref_slice %arg15[%multiple_of3A_32] : memref<20000xi32, #tpu.memory_space<vmem>> -> memref<80xi32, #tpu.memory_space<vmem>>
      %dma_start3A_33 = arith.constant 0 : i32
      %dma_start3A_34 = arith.constant 0 : i32
      %dma_start3A_35 = tpu.memref_slice %arg2[%dma_start3A_33, %dma_start3A_34] : memref<10000x64xf32, #tpu.memory_space<hbm>> -> memref<10000x64xf32, #tpu.memory_space<hbm>>
      tpu.enqueue_indirect_dma source(%dma_start3A_35 : memref<10000x64xf32, #tpu.memory_space<hbm>>) target(%arg16 : memref<80x64xf32, #tpu.memory_space<vmem>>) offsets(%dma_start3A : memref<80xi32, #tpu.memory_space<vmem>>) semaphore(%arg25 : memref<!tpu.dma_semaphore, #tpu.memory_space<semaphore_mem>>)
      %multiple_of3A_36 = arith.constant 0 : i32
      %multiple_of3A_37 = tpu.assume_multiple %multiple_of3A_36, 8 : i32
      %dma_start3A_38 = tpu.memref_slice %arg14[%multiple_of3A_37] : memref<20000xi32, #tpu.memory_space<vmem>> -> memref<80xi32, #tpu.memory_space<vmem>>
      %dma_start3A_39 = arith.constant 0 : i32
      %dma_start3A_40 = arith.constant 0 : i32
      %dma_start3A_41 = tpu.memref_slice %arg3[%dma_start3A_39, %dma_start3A_40] : memref<10000x64xf32, #tpu.memory_space<hbm>> -> memref<10000x64xf32, #tpu.memory_space<hbm>>
      tpu.enqueue_indirect_dma source(%dma_start3A_41 : memref<10000x64xf32, #tpu.memory_space<hbm>>) target(%arg17 : memref<80x64xf32, #tpu.memory_space<vmem>>) offsets(%dma_start3A_38 : memref<80xi32, #tpu.memory_space<vmem>>) semaphore(%arg25 : memref<!tpu.dma_semaphore, #tpu.memory_space<semaphore_mem>>)
      %multiple_of3A_42 = arith.constant 0 : i32
      %multiple_of3A_43 = tpu.assume_multiple %multiple_of3A_42, 8 : i32
      %dma_start3A_44 = tpu.memref_slice %arg14[%multiple_of3A_43] : memref<20000xi32, #tpu.memory_space<vmem>> -> memref<80xi32, #tpu.memory_space<vmem>>
      %dma_start3A_45 = arith.constant 0 : i32
      %dma_start3A_46 = arith.constant 0 : i32
      %dma_start3A_47 = tpu.memref_slice %arg4[%dma_start3A_45, %dma_start3A_46] : memref<10000x64xf32, #tpu.memory_space<hbm>> -> memref<10000x64xf32, #tpu.memory_space<hbm>>
      tpu.enqueue_indirect_dma source(%dma_start3A_47 : memref<10000x64xf32, #tpu.memory_space<hbm>>) target(%arg18 : memref<80x64xf32, #tpu.memory_space<vmem>>) offsets(%dma_start3A_44 : memref<80xi32, #tpu.memory_space<vmem>>) semaphore(%arg25 : memref<!tpu.dma_semaphore, #tpu.memory_space<semaphore_mem>>)
      %multiple_of3A_48 = arith.constant 80 : i32
      %multiple_of3A_49 = tpu.assume_multiple %multiple_of3A_48, 8 : i32
      %dma_start3A_50 = tpu.memref_slice %arg15[%multiple_of3A_49] : memref<20000xi32, #tpu.memory_space<vmem>> -> memref<80xi32, #tpu.memory_space<vmem>>
      %dma_start3A_51 = arith.constant 0 : i32
      %dma_start3A_52 = arith.constant 0 : i32
      %dma_start3A_53 = tpu.memref_slice %arg2[%dma_start3A_51, %dma_start3A_52] : memref<10000x64xf32, #tpu.memory_space<hbm>> -> memref<10000x64xf32, #tpu.memory_space<hbm>>
      tpu.enqueue_indirect_dma source(%dma_start3A_53 : memref<10000x64xf32, #tpu.memory_space<hbm>>) target(%arg19 : memref<80x64xf32, #tpu.memory_space<vmem>>) offsets(%dma_start3A_50 : memref<80xi32, #tpu.memory_space<vmem>>) semaphore(%arg26 : memref<!tpu.dma_semaphore, #tpu.memory_space<semaphore_mem>>)
      %multiple_of3A_54 = arith.constant 80 : i32
      %multiple_of3A_55 = tpu.assume_multiple %multiple_of3A_54, 8 : i32
      %dma_start3A_56 = tpu.memref_slice %arg14[%multiple_of3A_55] : memref<20000xi32, #tpu.memory_space<vmem>> -> memref<80xi32, #tpu.memory_space<vmem>>
      %dma_start3A_57 = arith.constant 0 : i32
      %dma_start3A_58 = arith.constant 0 : i32
      %dma_start3A_59 = tpu.memref_slice %arg3[%dma_start3A_57, %dma_start3A_58] : memref<10000x64xf32, #tpu.memory_space<hbm>> -> memref<10000x64xf32, #tpu.memory_space<hbm>>
      tpu.enqueue_indirect_dma source(%dma_start3A_59 : memref<10000x64xf32, #tpu.memory_space<hbm>>) target(%arg20 : memref<80x64xf32, #tpu.memory_space<vmem>>) offsets(%dma_start3A_56 : memref<80xi32, #tpu.memory_space<vmem>>) semaphore(%arg26 : memref<!tpu.dma_semaphore, #tpu.memory_space<semaphore_mem>>)
      %multiple_of3A_60 = arith.constant 80 : i32
      %multiple_of3A_61 = tpu.assume_multiple %multiple_of3A_60, 8 : i32
      %dma_start3A_62 = tpu.memref_slice %arg14[%multiple_of3A_61] : memref<20000xi32, #tpu.memory_space<vmem>> -> memref<80xi32, #tpu.memory_space<vmem>>
      %dma_start3A_63 = arith.constant 0 : i32
      %dma_start3A_64 = arith.constant 0 : i32
      %dma_start3A_65 = tpu.memref_slice %arg4[%dma_start3A_63, %dma_start3A_64] : memref<10000x64xf32, #tpu.memory_space<hbm>> -> memref<10000x64xf32, #tpu.memory_space<hbm>>
      tpu.enqueue_indirect_dma source(%dma_start3A_65 : memref<10000x64xf32, #tpu.memory_space<hbm>>) target(%arg21 : memref<80x64xf32, #tpu.memory_space<vmem>>) offsets(%dma_start3A_62 : memref<80xi32, #tpu.memory_space<vmem>>) semaphore(%arg26 : memref<!tpu.dma_semaphore, #tpu.memory_space<semaphore_mem>>)
      %multiple_of3A_66 = arith.constant 0 : i32
      %multiple_of3A_67 = tpu.assume_multiple %multiple_of3A_66, 8 : i32
      %dma_wait3A = tpu.memref_slice %arg15[%multiple_of3A_67] : memref<20000xi32, #tpu.memory_space<vmem>> -> memref<80xi32, #tpu.memory_space<vmem>>
      %dma_wait3A_68 = arith.constant 0 : i32
      %dma_wait3A_69 = arith.constant 0 : i32
      %dma_wait3A_70 = tpu.memref_slice %arg2[%dma_wait3A_68, %dma_wait3A_69] : memref<10000x64xf32, #tpu.memory_space<hbm>> -> memref<10000x64xf32, #tpu.memory_space<hbm>>
      tpu.wait_indirect_dma semaphore(%arg25 : memref<!tpu.dma_semaphore, #tpu.memory_space<semaphore_mem>>) src(%dma_wait3A_70 : memref<10000x64xf32, #tpu.memory_space<hbm>>) dst(%arg16 : memref<80x64xf32, #tpu.memory_space<vmem>>)
      %multiple_of3A_71 = arith.constant 0 : i32
      %multiple_of3A_72 = tpu.assume_multiple %multiple_of3A_71, 8 : i32
      %dma_wait3A_73 = tpu.memref_slice %arg14[%multiple_of3A_72] : memref<20000xi32, #tpu.memory_space<vmem>> -> memref<80xi32, #tpu.memory_space<vmem>>
      %dma_wait3A_74 = arith.constant 0 : i32
      %dma_wait3A_75 = arith.constant 0 : i32
      %dma_wait3A_76 = tpu.memref_slice %arg3[%dma_wait3A_74, %dma_wait3A_75] : memref<10000x64xf32, #tpu.memory_space<hbm>> -> memref<10000x64xf32, #tpu.memory_space<hbm>>
      tpu.wait_indirect_dma semaphore(%arg25 : memref<!tpu.dma_semaphore, #tpu.memory_space<semaphore_mem>>) src(%dma_wait3A_76 : memref<10000x64xf32, #tpu.memory_space<hbm>>) dst(%arg17 : memref<80x64xf32, #tpu.memory_space<vmem>>)
      %multiple_of3A_77 = arith.constant 0 : i32
      %multiple_of3A_78 = tpu.assume_multiple %multiple_of3A_77, 8 : i32
      %dma_wait3A_79 = tpu.memref_slice %arg14[%multiple_of3A_78] : memref<20000xi32, #tpu.memory_space<vmem>> -> memref<80xi32, #tpu.memory_space<vmem>>
      %dma_wait3A_80 = arith.constant 0 : i32
      %dma_wait3A_81 = arith.constant 0 : i32
      %dma_wait3A_82 = tpu.memref_slice %arg4[%dma_wait3A_80, %dma_wait3A_81] : memref<10000x64xf32, #tpu.memory_space<hbm>> -> memref<10000x64xf32, #tpu.memory_space<hbm>>
      tpu.wait_indirect_dma semaphore(%arg25 : memref<!tpu.dma_semaphore, #tpu.memory_space<semaphore_mem>>) src(%dma_wait3A_82 : memref<10000x64xf32, #tpu.memory_space<hbm>>) dst(%arg18 : memref<80x64xf32, #tpu.memory_space<vmem>>)
      %multiple_of3A_83 = arith.constant 0 : i32
      %multiple_of3A_84 = tpu.assume_multiple %multiple_of3A_83, 8 : i32
      %dma_start3A_85 = tpu.memref_slice %arg15[%multiple_of3A_84] : memref<20000xi32, #tpu.memory_space<vmem>> -> memref<80xi32, #tpu.memory_space<vmem>>
      %dma_start3A_86 = arith.constant 0 : i32
      %dma_start3A_87 = arith.constant 0 : i32
      %dma_start3A_88 = tpu.memref_slice %arg13[%dma_start3A_86, %dma_start3A_87] : memref<10000x64xf32, #tpu.memory_space<vmem_shared>> -> memref<10000x64xf32, #tpu.memory_space<vmem_shared>>
      tpu.enqueue_indirect_dma source(%arg18 : memref<80x64xf32, #tpu.memory_space<vmem>>) target(%dma_start3A_88 : memref<10000x64xf32, #tpu.memory_space<vmem_shared>>) offsets(%dma_start3A_85 : memref<80xi32, #tpu.memory_space<vmem>>) semaphore(%arg28 : memref<!tpu.dma_semaphore, #tpu.memory_space<semaphore_mem>>) {add = true}
      %multiple_of3A_89 = arith.constant 160 : i32
      %multiple_of3A_90 = tpu.assume_multiple %multiple_of3A_89, 8 : i32
      %dma_start3A_91 = tpu.memref_slice %arg15[%multiple_of3A_90] : memref<20000xi32, #tpu.memory_space<vmem>> -> memref<80xi32, #tpu.memory_space<vmem>>
      %dma_start3A_92 = arith.constant 0 : i32
      %dma_start3A_93 = arith.constant 0 : i32
      %dma_start3A_94 = tpu.memref_slice %arg2[%dma_start3A_92, %dma_start3A_93] : memref<10000x64xf32, #tpu.memory_space<hbm>> -> memref<10000x64xf32, #tpu.memory_space<hbm>>
      tpu.enqueue_indirect_dma source(%dma_start3A_94 : memref<10000x64xf32, #tpu.memory_space<hbm>>) target(%arg22 : memref<80x64xf32, #tpu.memory_space<vmem>>) offsets(%dma_start3A_91 : memref<80xi32, #tpu.memory_space<vmem>>) semaphore(%arg27 : memref<!tpu.dma_semaphore, #tpu.memory_space<semaphore_mem>>)
      %multiple_of3A_95 = arith.constant 160 : i32
      %multiple_of3A_96 = tpu.assume_multiple %multiple_of3A_95, 8 : i32
      %dma_start3A_97 = tpu.memref_slice %arg14[%multiple_of3A_96] : memref<20000xi32, #tpu.memory_space<vmem>> -> memref<80xi32, #tpu.memory_space<vmem>>
      %dma_start3A_98 = arith.constant 0 : i32
      %dma_start3A_99 = arith.constant 0 : i32
      %dma_start3A_100 = tpu.memref_slice %arg3[%dma_start3A_98, %dma_start3A_99] : memref<10000x64xf32, #tpu.memory_space<hbm>> -> memref<10000x64xf32, #tpu.memory_space<hbm>>
      tpu.enqueue_indirect_dma source(%dma_start3A_100 : memref<10000x64xf32, #tpu.memory_space<hbm>>) target(%arg23 : memref<80x64xf32, #tpu.memory_space<vmem>>) offsets(%dma_start3A_97 : memref<80xi32, #tpu.memory_space<vmem>>) semaphore(%arg27 : memref<!tpu.dma_semaphore, #tpu.memory_space<semaphore_mem>>)
      %multiple_of3A_101 = arith.constant 160 : i32
      %multiple_of3A_102 = tpu.assume_multiple %multiple_of3A_101, 8 : i32
      %dma_start3A_103 = tpu.memref_slice %arg14[%multiple_of3A_102] : memref<20000xi32, #tpu.memory_space<vmem>> -> memref<80xi32, #tpu.memory_space<vmem>>
      %dma_start3A_104 = arith.constant 0 : i32
      %dma_start3A_105 = arith.constant 0 : i32
      %dma_start3A_106 = tpu.memref_slice %arg4[%dma_start3A_104, %dma_start3A_105] : memref<10000x64xf32, #tpu.memory_space<hbm>> -> memref<10000x64xf32, #tpu.memory_space<hbm>>
      tpu.enqueue_indirect_dma source(%dma_start3A_106 : memref<10000x64xf32, #tpu.memory_space<hbm>>) target(%arg24 : memref<80x64xf32, #tpu.memory_space<vmem>>) offsets(%dma_start3A_103 : memref<80xi32, #tpu.memory_space<vmem>>) semaphore(%arg27 : memref<!tpu.dma_semaphore, #tpu.memory_space<semaphore_mem>>)
      %multiple_of3A_107 = arith.constant 80 : i32
      %multiple_of3A_108 = tpu.assume_multiple %multiple_of3A_107, 8 : i32
      %dma_wait3A_109 = tpu.memref_slice %arg15[%multiple_of3A_108] : memref<20000xi32, #tpu.memory_space<vmem>> -> memref<80xi32, #tpu.memory_space<vmem>>
      %dma_wait3A_110 = arith.constant 0 : i32
      %dma_wait3A_111 = arith.constant 0 : i32
      %dma_wait3A_112 = tpu.memref_slice %arg2[%dma_wait3A_110, %dma_wait3A_111] : memref<10000x64xf32, #tpu.memory_space<hbm>> -> memref<10000x64xf32, #tpu.memory_space<hbm>>
      tpu.wait_indirect_dma semaphore(%arg26 : memref<!tpu.dma_semaphore, #tpu.memory_space<semaphore_mem>>) src(%dma_wait3A_112 : memref<10000x64xf32, #tpu.memory_space<hbm>>) dst(%arg19 : memref<80x64xf32, #tpu.memory_space<vmem>>)
      %multiple_of3A_113 = arith.constant 80 : i32
      %multiple_of3A_114 = tpu.assume_multiple %multiple_of3A_113, 8 : i32
      %dma_wait3A_115 = tpu.memref_slice %arg14[%multiple_of3A_114] : memref<20000xi32, #tpu.memory_space<vmem>> -> memref<80xi32, #tpu.memory_space<vmem>>
      %dma_wait3A_116 = arith.constant 0 : i32
      %dma_wait3A_117 = arith.constant 0 : i32
      %dma_wait3A_118 = tpu.memref_slice %arg3[%dma_wait3A_116, %dma_wait3A_117] : memref<10000x64xf32, #tpu.memory_space<hbm>> -> memref<10000x64xf32, #tpu.memory_space<hbm>>
      tpu.wait_indirect_dma semaphore(%arg26 : memref<!tpu.dma_semaphore, #tpu.memory_space<semaphore_mem>>) src(%dma_wait3A_118 : memref<10000x64xf32, #tpu.memory_space<hbm>>) dst(%arg20 : memref<80x64xf32, #tpu.memory_space<vmem>>)
      %multiple_of3A_119 = arith.constant 80 : i32
      %multiple_of3A_120 = tpu.assume_multiple %multiple_of3A_119, 8 : i32
      %dma_wait3A_121 = tpu.memref_slice %arg14[%multiple_of3A_120] : memref<20000xi32, #tpu.memory_space<vmem>> -> memref<80xi32, #tpu.memory_space<vmem>>
      %dma_wait3A_122 = arith.constant 0 : i32
      %dma_wait3A_123 = arith.constant 0 : i32
      %dma_wait3A_124 = tpu.memref_slice %arg4[%dma_wait3A_122, %dma_wait3A_123] : memref<10000x64xf32, #tpu.memory_space<hbm>> -> memref<10000x64xf32, #tpu.memory_space<hbm>>
      tpu.wait_indirect_dma semaphore(%arg26 : memref<!tpu.dma_semaphore, #tpu.memory_space<semaphore_mem>>) src(%dma_wait3A_124 : memref<10000x64xf32, #tpu.memory_space<hbm>>) dst(%arg21 : memref<80x64xf32, #tpu.memory_space<vmem>>)
      %multiple_of3A_125 = arith.constant 80 : i32
      %multiple_of3A_126 = tpu.assume_multiple %multiple_of3A_125, 8 : i32
      %dma_start3A_127 = tpu.memref_slice %arg15[%multiple_of3A_126] : memref<20000xi32, #tpu.memory_space<vmem>> -> memref<80xi32, #tpu.memory_space<vmem>>
      %dma_start3A_128 = arith.constant 0 : i32
      %dma_start3A_129 = arith.constant 0 : i32
      %dma_start3A_130 = tpu.memref_slice %arg13[%dma_start3A_128, %dma_start3A_129] : memref<10000x64xf32, #tpu.memory_space<vmem_shared>> -> memref<10000x64xf32, #tpu.memory_space<vmem_shared>>
      tpu.enqueue_indirect_dma source(%arg21 : memref<80x64xf32, #tpu.memory_space<vmem>>) target(%dma_start3A_130 : memref<10000x64xf32, #tpu.memory_space<vmem_shared>>) offsets(%dma_start3A_127 : memref<80xi32, #tpu.memory_space<vmem>>) semaphore(%arg29 : memref<!tpu.dma_semaphore, #tpu.memory_space<semaphore_mem>>) {add = true}
      %multiple_of3A_131 = arith.constant 0 : i32
      %multiple_of3A_132 = tpu.assume_multiple %multiple_of3A_131, 8 : i32
      %dma_wait3A_133 = tpu.memref_slice %arg15[%multiple_of3A_132] : memref<20000xi32, #tpu.memory_space<vmem>> -> memref<80xi32, #tpu.memory_space<vmem>>
      %dma_wait3A_134 = arith.constant 0 : i32
      %dma_wait3A_135 = arith.constant 0 : i32
      %dma_wait3A_136 = tpu.memref_slice %arg13[%dma_wait3A_134, %dma_wait3A_135] : memref<10000x64xf32, #tpu.memory_space<vmem_shared>> -> memref<10000x64xf32, #tpu.memory_space<vmem_shared>>
      tpu.wait_indirect_dma semaphore(%arg28 : memref<!tpu.dma_semaphore, #tpu.memory_space<semaphore_mem>>) src(%arg18 : memref<80x64xf32, #tpu.memory_space<vmem>>) dst(%dma_wait3A_136 : memref<10000x64xf32, #tpu.memory_space<vmem_shared>>)
      %multiple_of3A_137 = arith.constant 240 : i32
      %multiple_of3A_138 = tpu.assume_multiple %multiple_of3A_137, 8 : i32
      %dma_start3A_139 = tpu.memref_slice %arg15[%multiple_of3A_138] : memref<20000xi32, #tpu.memory_space<vmem>> -> memref<80xi32, #tpu.memory_space<vmem>>
      %dma_start3A_140 = arith.constant 0 : i32
      %dma_start3A_141 = arith.constant 0 : i32
      %dma_start3A_142 = tpu.memref_slice %arg2[%dma_start3A_140, %dma_start3A_141] : memref<10000x64xf32, #tpu.memory_space<hbm>> -> memref<10000x64xf32, #tpu.memory_space<hbm>>
      tpu.enqueue_indirect_dma source(%dma_start3A_142 : memref<10000x64xf32, #tpu.memory_space<hbm>>) target(%arg16 : memref<80x64xf32, #tpu.memory_space<vmem>>) offsets(%dma_start3A_139 : memref<80xi32, #tpu.memory_space<vmem>>) semaphore(%arg25 : memref<!tpu.dma_semaphore, #tpu.memory_space<semaphore_mem>>)
      %multiple_of3A_143 = arith.constant 240 : i32
      %multiple_of3A_144 = tpu.assume_multiple %multiple_of3A_143, 8 : i32
      %dma_start3A_145 = tpu.memref_slice %arg14[%multiple_of3A_144] : memref<20000xi32, #tpu.memory_space<vmem>> -> memref<80xi32, #tpu.memory_space<vmem>>
      %dma_start3A_146 = arith.constant 0 : i32
      %dma_start3A_147 = arith.constant 0 : i32
      %dma_start3A_148 = tpu.memref_slice %arg3[%dma_start3A_146, %dma_start3A_147] : memref<10000x64xf32, #tpu.memory_space<hbm>> -> memref<10000x64xf32, #tpu.memory_space<hbm>>
      tpu.enqueue_indirect_dma source(%dma_start3A_148 : memref<10000x64xf32, #tpu.memory_space<hbm>>) target(%arg17 : memref<80x64xf32, #tpu.memory_space<vmem>>) offsets(%dma_start3A_145 : memref<80xi32, #tpu.memory_space<vmem>>) semaphore(%arg25 : memref<!tpu.dma_semaphore, #tpu.memory_space<semaphore_mem>>)
      %multiple_of3A_149 = arith.constant 240 : i32
      %multiple_of3A_150 = tpu.assume_multiple %multiple_of3A_149, 8 : i32
      %dma_start3A_151 = tpu.memref_slice %arg14[%multiple_of3A_150] : memref<20000xi32, #tpu.memory_space<vmem>> -> memref<80xi32, #tpu.memory_space<vmem>>
      %dma_start3A_152 = arith.constant 0 : i32
      %dma_start3A_153 = arith.constant 0 : i32
      %dma_start3A_154 = tpu.memref_slice %arg4[%dma_start3A_152, %dma_start3A_153] : memref<10000x64xf32, #tpu.memory_space<hbm>> -> memref<10000x64xf32, #tpu.memory_space<hbm>>
      tpu.enqueue_indirect_dma source(%dma_start3A_154 : memref<10000x64xf32, #tpu.memory_space<hbm>>) target(%arg18 : memref<80x64xf32, #tpu.memory_space<vmem>>) offsets(%dma_start3A_151 : memref<80xi32, #tpu.memory_space<vmem>>) semaphore(%arg25 : memref<!tpu.dma_semaphore, #tpu.memory_space<semaphore_mem>>)
      %multiple_of3A_155 = arith.constant 160 : i32
      %multiple_of3A_156 = tpu.assume_multiple %multiple_of3A_155, 8 : i32
      %dma_wait3A_157 = tpu.memref_slice %arg15[%multiple_of3A_156] : memref<20000xi32, #tpu.memory_space<vmem>> -> memref<80xi32, #tpu.memory_space<vmem>>
      %dma_wait3A_158 = arith.constant 0 : i32
      %dma_wait3A_159 = arith.constant 0 : i32
      %dma_wait3A_160 = tpu.memref_slice %arg2[%dma_wait3A_158, %dma_wait3A_159] : memref<10000x64xf32, #tpu.memory_space<hbm>> -> memref<10000x64xf32, #tpu.memory_space<hbm>>
      tpu.wait_indirect_dma semaphore(%arg27 : memref<!tpu.dma_semaphore, #tpu.memory_space<semaphore_mem>>) src(%dma_wait3A_160 : memref<10000x64xf32, #tpu.memory_space<hbm>>) dst(%arg22 : memref<80x64xf32, #tpu.memory_space<vmem>>)
      %multiple_of3A_161 = arith.constant 160 : i32
      %multiple_of3A_162 = tpu.assume_multiple %multiple_of3A_161, 8 : i32
      %dma_wait3A_163 = tpu.memref_slice %arg14[%multiple_of3A_162] : memref<20000xi32, #tpu.memory_space<vmem>> -> memref<80xi32, #tpu.memory_space<vmem>>
      %dma_wait3A_164 = arith.constant 0 : i32
      %dma_wait3A_165 = arith.constant 0 : i32
      %dma_wait3A_166 = tpu.memref_slice %arg3[%dma_wait3A_164, %dma_wait3A_165] : memref<10000x64xf32, #tpu.memory_space<hbm>> -> memref<10000x64xf32, #tpu.memory_space<hbm>>
      tpu.wait_indirect_dma semaphore(%arg27 : memref<!tpu.dma_semaphore, #tpu.memory_space<semaphore_mem>>) src(%dma_wait3A_166 : memref<10000x64xf32, #tpu.memory_space<hbm>>) dst(%arg23 : memref<80x64xf32, #tpu.memory_space<vmem>>)
      %multiple_of3A_167 = arith.constant 160 : i32
      %multiple_of3A_168 = tpu.assume_multiple %multiple_of3A_167, 8 : i32
      %dma_wait3A_169 = tpu.memref_slice %arg14[%multiple_of3A_168] : memref<20000xi32, #tpu.memory_space<vmem>> -> memref<80xi32, #tpu.memory_space<vmem>>
      %dma_wait3A_170 = arith.constant 0 : i32
      %dma_wait3A_171 = arith.constant 0 : i32
      %dma_wait3A_172 = tpu.memref_slice %arg4[%dma_wait3A_170, %dma_wait3A_171] : memref<10000x64xf32, #tpu.memory_space<hbm>> -> memref<10000x64xf32, #tpu.memory_space<hbm>>
      tpu.wait_indirect_dma semaphore(%arg27 : memref<!tpu.dma_semaphore, #tpu.memory_space<semaphore_mem>>) src(%dma_wait3A_172 : memref<10000x64xf32, #tpu.memory_space<hbm>>) dst(%arg24 : memref<80x64xf32, #tpu.memory_space<vmem>>)
      %multiple_of3A_173 = arith.constant 160 : i32
      %multiple_of3A_174 = tpu.assume_multiple %multiple_of3A_173, 8 : i32
      %dma_start3A_175 = tpu.memref_slice %arg15[%multiple_of3A_174] : memref<20000xi32, #tpu.memory_space<vmem>> -> memref<80xi32, #tpu.memory_space<vmem>>
      %dma_start3A_176 = arith.constant 0 : i32
      %dma_start3A_177 = arith.constant 0 : i32
      %dma_start3A_178 = tpu.memref_slice %arg13[%dma_start3A_176, %dma_start3A_177] : memref<10000x64xf32, #tpu.memory_space<vmem_shared>> -> memref<10000x64xf32, #tpu.memory_space<vmem_shared>>
      tpu.enqueue_indirect_dma source(%arg24 : memref<80x64xf32, #tpu.memory_space<vmem>>) target(%dma_start3A_178 : memref<10000x64xf32, #tpu.memory_space<vmem_shared>>) offsets(%dma_start3A_175 : memref<80xi32, #tpu.memory_space<vmem>>) semaphore(%arg30 : memref<!tpu.dma_semaphore, #tpu.memory_space<semaphore_mem>>) {add = true}
      %multiple_of3A_179 = arith.constant 80 : i32
      %multiple_of3A_180 = tpu.assume_multiple %multiple_of3A_179, 8 : i32
      %dma_wait3A_181 = tpu.memref_slice %arg15[%multiple_of3A_180] : memref<20000xi32, #tpu.memory_space<vmem>> -> memref<80xi32, #tpu.memory_space<vmem>>
      %dma_wait3A_182 = arith.constant 0 : i32
      %dma_wait3A_183 = arith.constant 0 : i32
      %dma_wait3A_184 = tpu.memref_slice %arg13[%dma_wait3A_182, %dma_wait3A_183] : memref<10000x64xf32, #tpu.memory_space<vmem_shared>> -> memref<10000x64xf32, #tpu.memory_space<vmem_shared>>
      tpu.wait_indirect_dma semaphore(%arg29 : memref<!tpu.dma_semaphore, #tpu.memory_space<semaphore_mem>>) src(%arg21 : memref<80x64xf32, #tpu.memory_space<vmem>>) dst(%dma_wait3A_184 : memref<10000x64xf32, #tpu.memory_space<vmem_shared>>)
      %multiple_of3A_185 = arith.constant 320 : i32
      %multiple_of3A_186 = tpu.assume_multiple %multiple_of3A_185, 8 : i32
      %dma_start3A_187 = tpu.memref_slice %arg15[%multiple_of3A_186] : memref<20000xi32, #tpu.memory_space<vmem>> -> memref<80xi32, #tpu.memory_space<vmem>>
      %dma_start3A_188 = arith.constant 0 : i32
      %dma_start3A_189 = arith.constant 0 : i32
      %dma_start3A_190 = tpu.memref_slice %arg2[%dma_start3A_188, %dma_start3A_189] : memref<10000x64xf32, #tpu.memory_space<hbm>> -> memref<10000x64xf32, #tpu.memory_space<hbm>>
      tpu.enqueue_indirect_dma source(%dma_start3A_190 : memref<10000x64xf32, #tpu.memory_space<hbm>>) target(%arg19 : memref<80x64xf32, #tpu.memory_space<vmem>>) offsets(%dma_start3A_187 : memref<80xi32, #tpu.memory_space<vmem>>) semaphore(%arg26 : memref<!tpu.dma_semaphore, #tpu.memory_space<semaphore_mem>>)
      %multiple_of3A_191 = arith.constant 320 : i32
      %multiple_of3A_192 = tpu.assume_multiple %multiple_of3A_191, 8 : i32
      %dma_start3A_193 = tpu.memref_slice %arg14[%multiple_of3A_192] : memref<20000xi32, #tpu.memory_space<vmem>> -> memref<80xi32, #tpu.memory_space<vmem>>
      %dma_start3A_194 = arith.constant 0 : i32
      %dma_start3A_195 = arith.constant 0 : i32
      %dma_start3A_196 = tpu.memref_slice %arg3[%dma_start3A_194, %dma_start3A_195] : memref<10000x64xf32, #tpu.memory_space<hbm>> -> memref<10000x64xf32, #tpu.memory_space<hbm>>
      tpu.enqueue_indirect_dma source(%dma_start3A_196 : memref<10000x64xf32, #tpu.memory_space<hbm>>) target(%arg20 : memref<80x64xf32, #tpu.memory_space<vmem>>) offsets(%dma_start3A_193 : memref<80xi32, #tpu.memory_space<vmem>>) semaphore(%arg26 : memref<!tpu.dma_semaphore, #tpu.memory_space<semaphore_mem>>)
      %multiple_of3A_197 = arith.constant 320 : i32
      %multiple_of3A_198 = tpu.assume_multiple %multiple_of3A_197, 8 : i32
      %dma_start3A_199 = tpu.memref_slice %arg14[%multiple_of3A_198] : memref<20000xi32, #tpu.memory_space<vmem>> -> memref<80xi32, #tpu.memory_space<vmem>>
      %dma_start3A_200 = arith.constant 0 : i32
      %dma_start3A_201 = arith.constant 0 : i32
      %dma_start3A_202 = tpu.memref_slice %arg4[%dma_start3A_200, %dma_start3A_201] : memref<10000x64xf32, #tpu.memory_space<hbm>> -> memref<10000x64xf32, #tpu.memory_space<hbm>>
      tpu.enqueue_indirect_dma source(%dma_start3A_202 : memref<10000x64xf32, #tpu.memory_space<hbm>>) target(%arg21 : memref<80x64xf32, #tpu.memory_space<vmem>>) offsets(%dma_start3A_199 : memref<80xi32, #tpu.memory_space<vmem>>) semaphore(%arg26 : memref<!tpu.dma_semaphore, #tpu.memory_space<semaphore_mem>>)
      %multiple_of3A_203 = arith.constant 240 : i32
      %multiple_of3A_204 = tpu.assume_multiple %multiple_of3A_203, 8 : i32
      %dma_wait3A_205 = tpu.memref_slice %arg15[%multiple_of3A_204] : memref<20000xi32, #tpu.memory_space<vmem>> -> memref<80xi32, #tpu.memory_space<vmem>>
      %dma_wait3A_206 = arith.constant 0 : i32
      %dma_wait3A_207 = arith.constant 0 : i32
      %dma_wait3A_208 = tpu.memref_slice %arg2[%dma_wait3A_206, %dma_wait3A_207] : memref<10000x64xf32, #tpu.memory_space<hbm>> -> memref<10000x64xf32, #tpu.memory_space<hbm>>
      tpu.wait_indirect_dma semaphore(%arg25 : memref<!tpu.dma_semaphore, #tpu.memory_space<semaphore_mem>>) src(%dma_wait3A_208 : memref<10000x64xf32, #tpu.memory_space<hbm>>) dst(%arg16 : memref<80x64xf32, #tpu.memory_space<vmem>>)
      %multiple_of3A_209 = arith.constant 240 : i32
      %multiple_of3A_210 = tpu.assume_multiple %multiple_of3A_209, 8 : i32
      %dma_wait3A_211 = tpu.memref_slice %arg14[%multiple_of3A_210] : memref<20000xi32, #tpu.memory_space<vmem>> -> memref<80xi32, #tpu.memory_space<vmem>>
      %dma_wait3A_212 = arith.constant 0 : i32
      %dma_wait3A_213 = arith.constant 0 : i32
      %dma_wait3A_214 = tpu.memref_slice %arg3[%dma_wait3A_212, %dma_wait3A_213] : memref<10000x64xf32, #tpu.memory_space<hbm>> -> memref<10000x64xf32, #tpu.memory_space<hbm>>
      tpu.wait_indirect_dma semaphore(%arg25 : memref<!tpu.dma_semaphore, #tpu.memory_space<semaphore_mem>>) src(%dma_wait3A_214 : memref<10000x64xf32, #tpu.memory_space<hbm>>) dst(%arg17 : memref<80x64xf32, #tpu.memory_space<vmem>>)
      %multiple_of3A_215 = arith.constant 240 : i32
      %multiple_of3A_216 = tpu.assume_multiple %multiple_of3A_215, 8 : i32
      %dma_wait3A_217 = tpu.memref_slice %arg14[%multiple_of3A_216] : memref<20000xi32, #tpu.memory_space<vmem>> -> memref<80xi32, #tpu.memory_space<vmem>>
      %dma_wait3A_218 = arith.constant 0 : i32
      %dma_wait3A_219 = arith.constant 0 : i32
      %dma_wait3A_220 = tpu.memref_slice %arg4[%dma_wait3A_218, %dma_wait3A_219] : memref<10000x64xf32, #tpu.memory_space<hbm>> -> memref<10000x64xf32, #tpu.memory_space<hbm>>
      tpu.wait_indirect_dma semaphore(%arg25 : memref<!tpu.dma_semaphore, #tpu.memory_space<semaphore_mem>>) src(%dma_wait3A_220 : memref<10000x64xf32, #tpu.memory_space<hbm>>) dst(%arg18 : memref<80x64xf32, #tpu.memory_space<vmem>>)
      %multiple_of3A_221 = arith.constant 240 : i32
      %multiple_of3A_222 = tpu.assume_multiple %multiple_of3A_221, 8 : i32
      %dma_start3A_223 = tpu.memref_slice %arg15[%multiple_of3A_222] : memref<20000xi32, #tpu.memory_space<vmem>> -> memref<80xi32, #tpu.memory_space<vmem>>
      %dma_start3A_224 = arith.constant 0 : i32
      %dma_start3A_225 = arith.constant 0 : i32
      %dma_start3A_226 = tpu.memref_slice %arg13[%dma_start3A_224, %dma_start3A_225] : memref<10000x64xf32, #tpu.memory_space<vmem_shared>> -> memref<10000x64xf32, #tpu.memory_space<vmem_shared>>
      tpu.enqueue_indirect_dma source(%arg18 : memref<80x64xf32, #tpu.memory_space<vmem>>) target(%dma_start3A_226 : memref<10000x64xf32, #tpu.memory_space<vmem_shared>>) offsets(%dma_start3A_223 : memref<80xi32, #tpu.memory_space<vmem>>) semaphore(%arg28 : memref<!tpu.dma_semaphore, #tpu.memory_space<semaphore_mem>>) {add = true}
      %scan3A_227 = arith.constant 0 : i32
      %scan3A_228 = arith.constant 0 : i32
      %scan3A_229 = arith.constant 81 : i32
      %scan3A_230 = arith.addi %scan3A_228, %scan3A_229 : i32
      %scan3A_231 = arith.constant 1 : i32
      %scan3A_232 = scf.for %scan3A_373 = %scan3A_228 to %scan3A_230 step %scan3A_231 iter_args(%scan3A_374 = %scan3A_227) -> (i32)  : i32 {
        %mul3A_375 = arith.constant 3 : i32
        %mul3A_376 = arith.muli %mul3A_375, %scan3A_373 : i32
        %add3A = arith.constant 4 : i32
        %add3A_377 = arith.addi %add3A, %mul3A_376 : i32
        %sub3A = arith.constant 2 : i32
        %sub3A_378 = arith.subi %add3A_377, %sub3A : i32
        %mul3A_379 = arith.constant 80 : i32
        %mul3A_380 = arith.muli %sub3A_378, %mul3A_379 : i32
        %multiple_of3A_381 = tpu.assume_multiple %mul3A_380, 8 : i32
        %dma_wait3A_382 = tpu.memref_slice %arg15[%multiple_of3A_381] : memref<20000xi32, #tpu.memory_space<vmem>> -> memref<80xi32, #tpu.memory_space<vmem>>
        %dma_wait3A_383 = arith.constant 0 : i32
        %dma_wait3A_384 = arith.constant 0 : i32
        %dma_wait3A_385 = tpu.memref_slice %arg13[%dma_wait3A_383, %dma_wait3A_384] : memref<10000x64xf32, #tpu.memory_space<vmem_shared>> -> memref<10000x64xf32, #tpu.memory_space<vmem_shared>>
        tpu.wait_indirect_dma semaphore(%arg30 : memref<!tpu.dma_semaphore, #tpu.memory_space<semaphore_mem>>) src(%arg24 : memref<80x64xf32, #tpu.memory_space<vmem>>) dst(%dma_wait3A_385 : memref<10000x64xf32, #tpu.memory_space<vmem_shared>>)
        %add3A_386 = arith.constant 1 : i32
        %add3A_387 = arith.addi %add3A_377, %add3A_386 : i32
        %mul3A_388 = arith.constant 80 : i32
        %mul3A_389 = arith.muli %add3A_387, %mul3A_388 : i32
        %multiple_of3A_390 = tpu.assume_multiple %mul3A_389, 8 : i32
        %dma_start3A_391 = tpu.memref_slice %arg15[%multiple_of3A_390] : memref<20000xi32, #tpu.memory_space<vmem>> -> memref<80xi32, #tpu.memory_space<vmem>>
        %dma_start3A_392 = arith.constant 0 : i32
        %dma_start3A_393 = arith.constant 0 : i32
        %dma_start3A_394 = tpu.memref_slice %arg2[%dma_start3A_392, %dma_start3A_393] : memref<10000x64xf32, #tpu.memory_space<hbm>> -> memref<10000x64xf32, #tpu.memory_space<hbm>>
        tpu.enqueue_indirect_dma source(%dma_start3A_394 : memref<10000x64xf32, #tpu.memory_space<hbm>>) target(%arg22 : memref<80x64xf32, #tpu.memory_space<vmem>>) offsets(%dma_start3A_391 : memref<80xi32, #tpu.memory_space<vmem>>) semaphore(%arg27 : memref<!tpu.dma_semaphore, #tpu.memory_space<semaphore_mem>>)
        %mul3A_395 = arith.constant 80 : i32
        %mul3A_396 = arith.muli %add3A_387, %mul3A_395 : i32
        %multiple_of3A_397 = tpu.assume_multiple %mul3A_396, 8 : i32
        %dma_start3A_398 = tpu.memref_slice %arg14[%multiple_of3A_397] : memref<20000xi32, #tpu.memory_space<vmem>> -> memref<80xi32, #tpu.memory_space<vmem>>
        %dma_start3A_399 = arith.constant 0 : i32
        %dma_start3A_400 = arith.constant 0 : i32
        %dma_start3A_401 = tpu.memref_slice %arg3[%dma_start3A_399, %dma_start3A_400] : memref<10000x64xf32, #tpu.memory_space<hbm>> -> memref<10000x64xf32, #tpu.memory_space<hbm>>
        tpu.enqueue_indirect_dma source(%dma_start3A_401 : memref<10000x64xf32, #tpu.memory_space<hbm>>) target(%arg23 : memref<80x64xf32, #tpu.memory_space<vmem>>) offsets(%dma_start3A_398 : memref<80xi32, #tpu.memory_space<vmem>>) semaphore(%arg27 : memref<!tpu.dma_semaphore, #tpu.memory_space<semaphore_mem>>)
        %mul3A_402 = arith.constant 80 : i32
        %mul3A_403 = arith.muli %add3A_387, %mul3A_402 : i32
        %multiple_of3A_404 = tpu.assume_multiple %mul3A_403, 8 : i32
        %dma_start3A_405 = tpu.memref_slice %arg14[%multiple_of3A_404] : memref<20000xi32, #tpu.memory_space<vmem>> -> memref<80xi32, #tpu.memory_space<vmem>>
        %dma_start3A_406 = arith.constant 0 : i32
        %dma_start3A_407 = arith.constant 0 : i32
        %dma_start3A_408 = tpu.memref_slice %arg4[%dma_start3A_406, %dma_start3A_407] : memref<10000x64xf32, #tpu.memory_space<hbm>> -> memref<10000x64xf32, #tpu.memory_space<hbm>>
        tpu.enqueue_indirect_dma source(%dma_start3A_408 : memref<10000x64xf32, #tpu.memory_space<hbm>>) target(%arg24 : memref<80x64xf32, #tpu.memory_space<vmem>>) offsets(%dma_start3A_405 : memref<80xi32, #tpu.memory_space<vmem>>) semaphore(%arg27 : memref<!tpu.dma_semaphore, #tpu.memory_space<semaphore_mem>>)
        %mul3A_409 = arith.constant 80 : i32
        %mul3A_410 = arith.muli %add3A_377, %mul3A_409 : i32
        %multiple_of3A_411 = tpu.assume_multiple %mul3A_410, 8 : i32
        %dma_wait3A_412 = tpu.memref_slice %arg15[%multiple_of3A_411] : memref<20000xi32, #tpu.memory_space<vmem>> -> memref<80xi32, #tpu.memory_space<vmem>>
        %dma_wait3A_413 = arith.constant 0 : i32
        %dma_wait3A_414 = arith.constant 0 : i32
        %dma_wait3A_415 = tpu.memref_slice %arg2[%dma_wait3A_413, %dma_wait3A_414] : memref<10000x64xf32, #tpu.memory_space<hbm>> -> memref<10000x64xf32, #tpu.memory_space<hbm>>
        tpu.wait_indirect_dma semaphore(%arg26 : memref<!tpu.dma_semaphore, #tpu.memory_space<semaphore_mem>>) src(%dma_wait3A_415 : memref<10000x64xf32, #tpu.memory_space<hbm>>) dst(%arg19 : memref<80x64xf32, #tpu.memory_space<vmem>>)
        %mul3A_416 = arith.constant 80 : i32
        %mul3A_417 = arith.muli %add3A_377, %mul3A_416 : i32
        %multiple_of3A_418 = tpu.assume_multiple %mul3A_417, 8 : i32
        %dma_wait3A_419 = tpu.memref_slice %arg14[%multiple_of3A_418] : memref<20000xi32, #tpu.memory_space<vmem>> -> memref<80xi32, #tpu.memory_space<vmem>>
        %dma_wait3A_420 = arith.constant 0 : i32
        %dma_wait3A_421 = arith.constant 0 : i32
        %dma_wait3A_422 = tpu.memref_slice %arg3[%dma_wait3A_420, %dma_wait3A_421] : memref<10000x64xf32, #tpu.memory_space<hbm>> -> memref<10000x64xf32, #tpu.memory_space<hbm>>
        tpu.wait_indirect_dma semaphore(%arg26 : memref<!tpu.dma_semaphore, #tpu.memory_space<semaphore_mem>>) src(%dma_wait3A_422 : memref<10000x64xf32, #tpu.memory_space<hbm>>) dst(%arg20 : memref<80x64xf32, #tpu.memory_space<vmem>>)
        %mul3A_423 = arith.constant 80 : i32
        %mul3A_424 = arith.muli %add3A_377, %mul3A_423 : i32
        %multiple_of3A_425 = tpu.assume_multiple %mul3A_424, 8 : i32
        %dma_wait3A_426 = tpu.memref_slice %arg14[%multiple_of3A_425] : memref<20000xi32, #tpu.memory_space<vmem>> -> memref<80xi32, #tpu.memory_space<vmem>>
        %dma_wait3A_427 = arith.constant 0 : i32
        %dma_wait3A_428 = arith.constant 0 : i32
        %dma_wait3A_429 = tpu.memref_slice %arg4[%dma_wait3A_427, %dma_wait3A_428] : memref<10000x64xf32, #tpu.memory_space<hbm>> -> memref<10000x64xf32, #tpu.memory_space<hbm>>
        tpu.wait_indirect_dma semaphore(%arg26 : memref<!tpu.dma_semaphore, #tpu.memory_space<semaphore_mem>>) src(%dma_wait3A_429 : memref<10000x64xf32, #tpu.memory_space<hbm>>) dst(%arg21 : memref<80x64xf32, #tpu.memory_space<vmem>>)
        %mul3A_430 = arith.constant 80 : i32
        %mul3A_431 = arith.muli %add3A_377, %mul3A_430 : i32
        %multiple_of3A_432 = tpu.assume_multiple %mul3A_431, 8 : i32
        %dma_start3A_433 = tpu.memref_slice %arg15[%multiple_of3A_432] : memref<20000xi32, #tpu.memory_space<vmem>> -> memref<80xi32, #tpu.memory_space<vmem>>
        %dma_start3A_434 = arith.constant 0 : i32
        %dma_start3A_435 = arith.constant 0 : i32
        %dma_start3A_436 = tpu.memref_slice %arg13[%dma_start3A_434, %dma_start3A_435] : memref<10000x64xf32, #tpu.memory_space<vmem_shared>> -> memref<10000x64xf32, #tpu.memory_space<vmem_shared>>
        tpu.enqueue_indirect_dma source(%arg21 : memref<80x64xf32, #tpu.memory_space<vmem>>) target(%dma_start3A_436 : memref<10000x64xf32, #tpu.memory_space<vmem_shared>>) offsets(%dma_start3A_433 : memref<80xi32, #tpu.memory_space<vmem>>) semaphore(%arg29 : memref<!tpu.dma_semaphore, #tpu.memory_space<semaphore_mem>>) {add = true}
        %add3A_437 = arith.constant 1 : i32
        %add3A_438 = arith.addi %add3A_377, %add3A_437 : i32
        %sub3A_439 = arith.constant 2 : i32
        %sub3A_440 = arith.subi %add3A_438, %sub3A_439 : i32
        %mul3A_441 = arith.constant 80 : i32
        %mul3A_442 = arith.muli %sub3A_440, %mul3A_441 : i32
        %multiple_of3A_443 = tpu.assume_multiple %mul3A_442, 8 : i32
        %dma_wait3A_444 = tpu.memref_slice %arg15[%multiple_of3A_443] : memref<20000xi32, #tpu.memory_space<vmem>> -> memref<80xi32, #tpu.memory_space<vmem>>
        %dma_wait3A_445 = arith.constant 0 : i32
        %dma_wait3A_446 = arith.constant 0 : i32
        %dma_wait3A_447 = tpu.memref_slice %arg13[%dma_wait3A_445, %dma_wait3A_446] : memref<10000x64xf32, #tpu.memory_space<vmem_shared>> -> memref<10000x64xf32, #tpu.memory_space<vmem_shared>>
        tpu.wait_indirect_dma semaphore(%arg28 : memref<!tpu.dma_semaphore, #tpu.memory_space<semaphore_mem>>) src(%arg18 : memref<80x64xf32, #tpu.memory_space<vmem>>) dst(%dma_wait3A_447 : memref<10000x64xf32, #tpu.memory_space<vmem_shared>>)
        %add3A_448 = arith.constant 1 : i32
        %add3A_449 = arith.addi %add3A_438, %add3A_448 : i32
        %mul3A_450 = arith.constant 80 : i32
        %mul3A_451 = arith.muli %add3A_449, %mul3A_450 : i32
        %multiple_of3A_452 = tpu.assume_multiple %mul3A_451, 8 : i32
        %dma_start3A_453 = tpu.memref_slice %arg15[%multiple_of3A_452] : memref<20000xi32, #tpu.memory_space<vmem>> -> memref<80xi32, #tpu.memory_space<vmem>>
        %dma_start3A_454 = arith.constant 0 : i32
        %dma_start3A_455 = arith.constant 0 : i32
        %dma_start3A_456 = tpu.memref_slice %arg2[%dma_start3A_454, %dma_start3A_455] : memref<10000x64xf32, #tpu.memory_space<hbm>> -> memref<10000x64xf32, #tpu.memory_space<hbm>>
        tpu.enqueue_indirect_dma source(%dma_start3A_456 : memref<10000x64xf32, #tpu.memory_space<hbm>>) target(%arg16 : memref<80x64xf32, #tpu.memory_space<vmem>>) offsets(%dma_start3A_453 : memref<80xi32, #tpu.memory_space<vmem>>) semaphore(%arg25 : memref<!tpu.dma_semaphore, #tpu.memory_space<semaphore_mem>>)
        %mul3A_457 = arith.constant 80 : i32
        %mul3A_458 = arith.muli %add3A_449, %mul3A_457 : i32
        %multiple_of3A_459 = tpu.assume_multiple %mul3A_458, 8 : i32
        %dma_start3A_460 = tpu.memref_slice %arg14[%multiple_of3A_459] : memref<20000xi32, #tpu.memory_space<vmem>> -> memref<80xi32, #tpu.memory_space<vmem>>
        %dma_start3A_461 = arith.constant 0 : i32
        %dma_start3A_462 = arith.constant 0 : i32
        %dma_start3A_463 = tpu.memref_slice %arg3[%dma_start3A_461, %dma_start3A_462] : memref<10000x64xf32, #tpu.memory_space<hbm>> -> memref<10000x64xf32, #tpu.memory_space<hbm>>
        tpu.enqueue_indirect_dma source(%dma_start3A_463 : memref<10000x64xf32, #tpu.memory_space<hbm>>) target(%arg17 : memref<80x64xf32, #tpu.memory_space<vmem>>) offsets(%dma_start3A_460 : memref<80xi32, #tpu.memory_space<vmem>>) semaphore(%arg25 : memref<!tpu.dma_semaphore, #tpu.memory_space<semaphore_mem>>)
        %mul3A_464 = arith.constant 80 : i32
        %mul3A_465 = arith.muli %add3A_449, %mul3A_464 : i32
        %multiple_of3A_466 = tpu.assume_multiple %mul3A_465, 8 : i32
        %dma_start3A_467 = tpu.memref_slice %arg14[%multiple_of3A_466] : memref<20000xi32, #tpu.memory_space<vmem>> -> memref<80xi32, #tpu.memory_space<vmem>>
        %dma_start3A_468 = arith.constant 0 : i32
        %dma_start3A_469 = arith.constant 0 : i32
        %dma_start3A_470 = tpu.memref_slice %arg4[%dma_start3A_468, %dma_start3A_469] : memref<10000x64xf32, #tpu.memory_space<hbm>> -> memref<10000x64xf32, #tpu.memory_space<hbm>>
        tpu.enqueue_indirect_dma source(%dma_start3A_470 : memref<10000x64xf32, #tpu.memory_space<hbm>>) target(%arg18 : memref<80x64xf32, #tpu.memory_space<vmem>>) offsets(%dma_start3A_467 : memref<80xi32, #tpu.memory_space<vmem>>) semaphore(%arg25 : memref<!tpu.dma_semaphore, #tpu.memory_space<semaphore_mem>>)
        %mul3A_471 = arith.constant 80 : i32
        %mul3A_472 = arith.muli %add3A_438, %mul3A_471 : i32
        %multiple_of3A_473 = tpu.assume_multiple %mul3A_472, 8 : i32
        %dma_wait3A_474 = tpu.memref_slice %arg15[%multiple_of3A_473] : memref<20000xi32, #tpu.memory_space<vmem>> -> memref<80xi32, #tpu.memory_space<vmem>>
        %dma_wait3A_475 = arith.constant 0 : i32
        %dma_wait3A_476 = arith.constant 0 : i32
        %dma_wait3A_477 = tpu.memref_slice %arg2[%dma_wait3A_475, %dma_wait3A_476] : memref<10000x64xf32, #tpu.memory_space<hbm>> -> memref<10000x64xf32, #tpu.memory_space<hbm>>
        tpu.wait_indirect_dma semaphore(%arg27 : memref<!tpu.dma_semaphore, #tpu.memory_space<semaphore_mem>>) src(%dma_wait3A_477 : memref<10000x64xf32, #tpu.memory_space<hbm>>) dst(%arg22 : memref<80x64xf32, #tpu.memory_space<vmem>>)
        %mul3A_478 = arith.constant 80 : i32
        %mul3A_479 = arith.muli %add3A_438, %mul3A_478 : i32
        %multiple_of3A_480 = tpu.assume_multiple %mul3A_479, 8 : i32
        %dma_wait3A_481 = tpu.memref_slice %arg14[%multiple_of3A_480] : memref<20000xi32, #tpu.memory_space<vmem>> -> memref<80xi32, #tpu.memory_space<vmem>>
        %dma_wait3A_482 = arith.constant 0 : i32
        %dma_wait3A_483 = arith.constant 0 : i32
        %dma_wait3A_484 = tpu.memref_slice %arg3[%dma_wait3A_482, %dma_wait3A_483] : memref<10000x64xf32, #tpu.memory_space<hbm>> -> memref<10000x64xf32, #tpu.memory_space<hbm>>
        tpu.wait_indirect_dma semaphore(%arg27 : memref<!tpu.dma_semaphore, #tpu.memory_space<semaphore_mem>>) src(%dma_wait3A_484 : memref<10000x64xf32, #tpu.memory_space<hbm>>) dst(%arg23 : memref<80x64xf32, #tpu.memory_space<vmem>>)
        %mul3A_485 = arith.constant 80 : i32
        %mul3A_486 = arith.muli %add3A_438, %mul3A_485 : i32
        %multiple_of3A_487 = tpu.assume_multiple %mul3A_486, 8 : i32
        %dma_wait3A_488 = tpu.memref_slice %arg14[%multiple_of3A_487] : memref<20000xi32, #tpu.memory_space<vmem>> -> memref<80xi32, #tpu.memory_space<vmem>>
        %dma_wait3A_489 = arith.constant 0 : i32
        %dma_wait3A_490 = arith.constant 0 : i32
        %dma_wait3A_491 = tpu.memref_slice %arg4[%dma_wait3A_489, %dma_wait3A_490] : memref<10000x64xf32, #tpu.memory_space<hbm>> -> memref<10000x64xf32, #tpu.memory_space<hbm>>
        tpu.wait_indirect_dma semaphore(%arg27 : memref<!tpu.dma_semaphore, #tpu.memory_space<semaphore_mem>>) src(%dma_wait3A_491 : memref<10000x64xf32, #tpu.memory_space<hbm>>) dst(%arg24 : memref<80x64xf32, #tpu.memory_space<vmem>>)
        %mul3A_492 = arith.constant 80 : i32
        %mul3A_493 = arith.muli %add3A_438, %mul3A_492 : i32
        %multiple_of3A_494 = tpu.assume_multiple %mul3A_493, 8 : i32
        %dma_start3A_495 = tpu.memref_slice %arg15[%multiple_of3A_494] : memref<20000xi32, #tpu.memory_space<vmem>> -> memref<80xi32, #tpu.memory_space<vmem>>
        %dma_start3A_496 = arith.constant 0 : i32
        %dma_start3A_497 = arith.constant 0 : i32
        %dma_start3A_498 = tpu.memref_slice %arg13[%dma_start3A_496, %dma_start3A_497] : memref<10000x64xf32, #tpu.memory_space<vmem_shared>> -> memref<10000x64xf32, #tpu.memory_space<vmem_shared>>
        tpu.enqueue_indirect_dma source(%arg24 : memref<80x64xf32, #tpu.memory_space<vmem>>) target(%dma_start3A_498 : memref<10000x64xf32, #tpu.memory_space<vmem_shared>>) offsets(%dma_start3A_495 : memref<80xi32, #tpu.memory_space<vmem>>) semaphore(%arg30 : memref<!tpu.dma_semaphore, #tpu.memory_space<semaphore_mem>>) {add = true}
        %add3A_499 = arith.constant 2 : i32
        %add3A_500 = arith.addi %add3A_377, %add3A_499 : i32
        %sub3A_501 = arith.constant 2 : i32
        %sub3A_502 = arith.subi %add3A_500, %sub3A_501 : i32
        %mul3A_503 = arith.constant 80 : i32
        %mul3A_504 = arith.muli %sub3A_502, %mul3A_503 : i32
        %multiple_of3A_505 = tpu.assume_multiple %mul3A_504, 8 : i32
        %dma_wait3A_506 = tpu.memref_slice %arg15[%multiple_of3A_505] : memref<20000xi32, #tpu.memory_space<vmem>> -> memref<80xi32, #tpu.memory_space<vmem>>
        %dma_wait3A_507 = arith.constant 0 : i32
        %dma_wait3A_508 = arith.constant 0 : i32
        %dma_wait3A_509 = tpu.memref_slice %arg13[%dma_wait3A_507, %dma_wait3A_508] : memref<10000x64xf32, #tpu.memory_space<vmem_shared>> -> memref<10000x64xf32, #tpu.memory_space<vmem_shared>>
        tpu.wait_indirect_dma semaphore(%arg29 : memref<!tpu.dma_semaphore, #tpu.memory_space<semaphore_mem>>) src(%arg21 : memref<80x64xf32, #tpu.memory_space<vmem>>) dst(%dma_wait3A_509 : memref<10000x64xf32, #tpu.memory_space<vmem_shared>>)
        %add3A_510 = arith.constant 1 : i32
        %add3A_511 = arith.addi %add3A_500, %add3A_510 : i32
        %mul3A_512 = arith.constant 80 : i32
        %mul3A_513 = arith.muli %add3A_511, %mul3A_512 : i32
        %multiple_of3A_514 = tpu.assume_multiple %mul3A_513, 8 : i32
        %dma_start3A_515 = tpu.memref_slice %arg15[%multiple_of3A_514] : memref<20000xi32, #tpu.memory_space<vmem>> -> memref<80xi32, #tpu.memory_space<vmem>>
        %dma_start3A_516 = arith.constant 0 : i32
        %dma_start3A_517 = arith.constant 0 : i32
        %dma_start3A_518 = tpu.memref_slice %arg2[%dma_start3A_516, %dma_start3A_517] : memref<10000x64xf32, #tpu.memory_space<hbm>> -> memref<10000x64xf32, #tpu.memory_space<hbm>>
        tpu.enqueue_indirect_dma source(%dma_start3A_518 : memref<10000x64xf32, #tpu.memory_space<hbm>>) target(%arg19 : memref<80x64xf32, #tpu.memory_space<vmem>>) offsets(%dma_start3A_515 : memref<80xi32, #tpu.memory_space<vmem>>) semaphore(%arg26 : memref<!tpu.dma_semaphore, #tpu.memory_space<semaphore_mem>>)
        %mul3A_519 = arith.constant 80 : i32
        %mul3A_520 = arith.muli %add3A_511, %mul3A_519 : i32
        %multiple_of3A_521 = tpu.assume_multiple %mul3A_520, 8 : i32
        %dma_start3A_522 = tpu.memref_slice %arg14[%multiple_of3A_521] : memref<20000xi32, #tpu.memory_space<vmem>> -> memref<80xi32, #tpu.memory_space<vmem>>
        %dma_start3A_523 = arith.constant 0 : i32
        %dma_start3A_524 = arith.constant 0 : i32
        %dma_start3A_525 = tpu.memref_slice %arg3[%dma_start3A_523, %dma_start3A_524] : memref<10000x64xf32, #tpu.memory_space<hbm>> -> memref<10000x64xf32, #tpu.memory_space<hbm>>
        tpu.enqueue_indirect_dma source(%dma_start3A_525 : memref<10000x64xf32, #tpu.memory_space<hbm>>) target(%arg20 : memref<80x64xf32, #tpu.memory_space<vmem>>) offsets(%dma_start3A_522 : memref<80xi32, #tpu.memory_space<vmem>>) semaphore(%arg26 : memref<!tpu.dma_semaphore, #tpu.memory_space<semaphore_mem>>)
        %mul3A_526 = arith.constant 80 : i32
        %mul3A_527 = arith.muli %add3A_511, %mul3A_526 : i32
        %multiple_of3A_528 = tpu.assume_multiple %mul3A_527, 8 : i32
        %dma_start3A_529 = tpu.memref_slice %arg14[%multiple_of3A_528] : memref<20000xi32, #tpu.memory_space<vmem>> -> memref<80xi32, #tpu.memory_space<vmem>>
        %dma_start3A_530 = arith.constant 0 : i32
        %dma_start3A_531 = arith.constant 0 : i32
        %dma_start3A_532 = tpu.memref_slice %arg4[%dma_start3A_530, %dma_start3A_531] : memref<10000x64xf32, #tpu.memory_space<hbm>> -> memref<10000x64xf32, #tpu.memory_space<hbm>>
        tpu.enqueue_indirect_dma source(%dma_start3A_532 : memref<10000x64xf32, #tpu.memory_space<hbm>>) target(%arg21 : memref<80x64xf32, #tpu.memory_space<vmem>>) offsets(%dma_start3A_529 : memref<80xi32, #tpu.memory_space<vmem>>) semaphore(%arg26 : memref<!tpu.dma_semaphore, #tpu.memory_space<semaphore_mem>>)
        %mul3A_533 = arith.constant 80 : i32
        %mul3A_534 = arith.muli %add3A_500, %mul3A_533 : i32
        %multiple_of3A_535 = tpu.assume_multiple %mul3A_534, 8 : i32
        %dma_wait3A_536 = tpu.memref_slice %arg15[%multiple_of3A_535] : memref<20000xi32, #tpu.memory_space<vmem>> -> memref<80xi32, #tpu.memory_space<vmem>>
        %dma_wait3A_537 = arith.constant 0 : i32
        %dma_wait3A_538 = arith.constant 0 : i32
        %dma_wait3A_539 = tpu.memref_slice %arg2[%dma_wait3A_537, %dma_wait3A_538] : memref<10000x64xf32, #tpu.memory_space<hbm>> -> memref<10000x64xf32, #tpu.memory_space<hbm>>
        tpu.wait_indirect_dma semaphore(%arg25 : memref<!tpu.dma_semaphore, #tpu.memory_space<semaphore_mem>>) src(%dma_wait3A_539 : memref<10000x64xf32, #tpu.memory_space<hbm>>) dst(%arg16 : memref<80x64xf32, #tpu.memory_space<vmem>>)
        %mul3A_540 = arith.constant 80 : i32
        %mul3A_541 = arith.muli %add3A_500, %mul3A_540 : i32
        %multiple_of3A_542 = tpu.assume_multiple %mul3A_541, 8 : i32
        %dma_wait3A_543 = tpu.memref_slice %arg14[%multiple_of3A_542] : memref<20000xi32, #tpu.memory_space<vmem>> -> memref<80xi32, #tpu.memory_space<vmem>>
        %dma_wait3A_544 = arith.constant 0 : i32
        %dma_wait3A_545 = arith.constant 0 : i32
        %dma_wait3A_546 = tpu.memref_slice %arg3[%dma_wait3A_544, %dma_wait3A_545] : memref<10000x64xf32, #tpu.memory_space<hbm>> -> memref<10000x64xf32, #tpu.memory_space<hbm>>
        tpu.wait_indirect_dma semaphore(%arg25 : memref<!tpu.dma_semaphore, #tpu.memory_space<semaphore_mem>>) src(%dma_wait3A_546 : memref<10000x64xf32, #tpu.memory_space<hbm>>) dst(%arg17 : memref<80x64xf32, #tpu.memory_space<vmem>>)
        %mul3A_547 = arith.constant 80 : i32
        %mul3A_548 = arith.muli %add3A_500, %mul3A_547 : i32
        %multiple_of3A_549 = tpu.assume_multiple %mul3A_548, 8 : i32
        %dma_wait3A_550 = tpu.memref_slice %arg14[%multiple_of3A_549] : memref<20000xi32, #tpu.memory_space<vmem>> -> memref<80xi32, #tpu.memory_space<vmem>>
        %dma_wait3A_551 = arith.constant 0 : i32
        %dma_wait3A_552 = arith.constant 0 : i32
        %dma_wait3A_553 = tpu.memref_slice %arg4[%dma_wait3A_551, %dma_wait3A_552] : memref<10000x64xf32, #tpu.memory_space<hbm>> -> memref<10000x64xf32, #tpu.memory_space<hbm>>
        tpu.wait_indirect_dma semaphore(%arg25 : memref<!tpu.dma_semaphore, #tpu.memory_space<semaphore_mem>>) src(%dma_wait3A_553 : memref<10000x64xf32, #tpu.memory_space<hbm>>) dst(%arg18 : memref<80x64xf32, #tpu.memory_space<vmem>>)
        %mul3A_554 = arith.constant 80 : i32
        %mul3A_555 = arith.muli %add3A_500, %mul3A_554 : i32
        %multiple_of3A_556 = tpu.assume_multiple %mul3A_555, 8 : i32
        %dma_start3A_557 = tpu.memref_slice %arg15[%multiple_of3A_556] : memref<20000xi32, #tpu.memory_space<vmem>> -> memref<80xi32, #tpu.memory_space<vmem>>
        %dma_start3A_558 = arith.constant 0 : i32
        %dma_start3A_559 = arith.constant 0 : i32
        %dma_start3A_560 = tpu.memref_slice %arg13[%dma_start3A_558, %dma_start3A_559] : memref<10000x64xf32, #tpu.memory_space<vmem_shared>> -> memref<10000x64xf32, #tpu.memory_space<vmem_shared>>
        tpu.enqueue_indirect_dma source(%arg18 : memref<80x64xf32, #tpu.memory_space<vmem>>) target(%dma_start3A_560 : memref<10000x64xf32, #tpu.memory_space<vmem_shared>>) offsets(%dma_start3A_557 : memref<80xi32, #tpu.memory_space<vmem>>) semaphore(%arg28 : memref<!tpu.dma_semaphore, #tpu.memory_space<semaphore_mem>>) {add = true}
        %scan3A_561 = arith.constant 0 : i32
        scf.yield %scan3A_561 : i32
      }
      %scan3A_233 = arith.constant 81 : i32
      %multiple_of3A_234 = arith.constant 19600 : i32
      %multiple_of3A_235 = tpu.assume_multiple %multiple_of3A_234, 8 : i32
      %dma_wait3A_236 = tpu.memref_slice %arg15[%multiple_of3A_235] : memref<20000xi32, #tpu.memory_space<vmem>> -> memref<80xi32, #tpu.memory_space<vmem>>
      %dma_wait3A_237 = arith.constant 0 : i32
      %dma_wait3A_238 = arith.constant 0 : i32
      %dma_wait3A_239 = tpu.memref_slice %arg13[%dma_wait3A_237, %dma_wait3A_238] : memref<10000x64xf32, #tpu.memory_space<vmem_shared>> -> memref<10000x64xf32, #tpu.memory_space<vmem_shared>>
      tpu.wait_indirect_dma semaphore(%arg30 : memref<!tpu.dma_semaphore, #tpu.memory_space<semaphore_mem>>) src(%arg24 : memref<80x64xf32, #tpu.memory_space<vmem>>) dst(%dma_wait3A_239 : memref<10000x64xf32, #tpu.memory_space<vmem_shared>>)
      %multiple_of3A_240 = arith.constant 19840 : i32
      %multiple_of3A_241 = tpu.assume_multiple %multiple_of3A_240, 8 : i32
      %dma_start3A_242 = tpu.memref_slice %arg15[%multiple_of3A_241] : memref<20000xi32, #tpu.memory_space<vmem>> -> memref<80xi32, #tpu.memory_space<vmem>>
      %dma_start3A_243 = arith.constant 0 : i32
      %dma_start3A_244 = arith.constant 0 : i32
      %dma_start3A_245 = tpu.memref_slice %arg2[%dma_start3A_243, %dma_start3A_244] : memref<10000x64xf32, #tpu.memory_space<hbm>> -> memref<10000x64xf32, #tpu.memory_space<hbm>>
      tpu.enqueue_indirect_dma source(%dma_start3A_245 : memref<10000x64xf32, #tpu.memory_space<hbm>>) target(%arg22 : memref<80x64xf32, #tpu.memory_space<vmem>>) offsets(%dma_start3A_242 : memref<80xi32, #tpu.memory_space<vmem>>) semaphore(%arg27 : memref<!tpu.dma_semaphore, #tpu.memory_space<semaphore_mem>>)
      %multiple_of3A_246 = arith.constant 19840 : i32
      %multiple_of3A_247 = tpu.assume_multiple %multiple_of3A_246, 8 : i32
      %dma_start3A_248 = tpu.memref_slice %arg14[%multiple_of3A_247] : memref<20000xi32, #tpu.memory_space<vmem>> -> memref<80xi32, #tpu.memory_space<vmem>>
      %dma_start3A_249 = arith.constant 0 : i32
      %dma_start3A_250 = arith.constant 0 : i32
      %dma_start3A_251 = tpu.memref_slice %arg3[%dma_start3A_249, %dma_start3A_250] : memref<10000x64xf32, #tpu.memory_space<hbm>> -> memref<10000x64xf32, #tpu.memory_space<hbm>>
      tpu.enqueue_indirect_dma source(%dma_start3A_251 : memref<10000x64xf32, #tpu.memory_space<hbm>>) target(%arg23 : memref<80x64xf32, #tpu.memory_space<vmem>>) offsets(%dma_start3A_248 : memref<80xi32, #tpu.memory_space<vmem>>) semaphore(%arg27 : memref<!tpu.dma_semaphore, #tpu.memory_space<semaphore_mem>>)
      %multiple_of3A_252 = arith.constant 19840 : i32
      %multiple_of3A_253 = tpu.assume_multiple %multiple_of3A_252, 8 : i32
      %dma_start3A_254 = tpu.memref_slice %arg14[%multiple_of3A_253] : memref<20000xi32, #tpu.memory_space<vmem>> -> memref<80xi32, #tpu.memory_space<vmem>>
      %dma_start3A_255 = arith.constant 0 : i32
      %dma_start3A_256 = arith.constant 0 : i32
      %dma_start3A_257 = tpu.memref_slice %arg4[%dma_start3A_255, %dma_start3A_256] : memref<10000x64xf32, #tpu.memory_space<hbm>> -> memref<10000x64xf32, #tpu.memory_space<hbm>>
      tpu.enqueue_indirect_dma source(%dma_start3A_257 : memref<10000x64xf32, #tpu.memory_space<hbm>>) target(%arg24 : memref<80x64xf32, #tpu.memory_space<vmem>>) offsets(%dma_start3A_254 : memref<80xi32, #tpu.memory_space<vmem>>) semaphore(%arg27 : memref<!tpu.dma_semaphore, #tpu.memory_space<semaphore_mem>>)
      %multiple_of3A_258 = arith.constant 19760 : i32
      %multiple_of3A_259 = tpu.assume_multiple %multiple_of3A_258, 8 : i32
      %dma_wait3A_260 = tpu.memref_slice %arg15[%multiple_of3A_259] : memref<20000xi32, #tpu.memory_space<vmem>> -> memref<80xi32, #tpu.memory_space<vmem>>
      %dma_wait3A_261 = arith.constant 0 : i32
      %dma_wait3A_262 = arith.constant 0 : i32
      %dma_wait3A_263 = tpu.memref_slice %arg2[%dma_wait3A_261, %dma_wait3A_262] : memref<10000x64xf32, #tpu.memory_space<hbm>> -> memref<10000x64xf32, #tpu.memory_space<hbm>>
      tpu.wait_indirect_dma semaphore(%arg26 : memref<!tpu.dma_semaphore, #tpu.memory_space<semaphore_mem>>) src(%dma_wait3A_263 : memref<10000x64xf32, #tpu.memory_space<hbm>>) dst(%arg19 : memref<80x64xf32, #tpu.memory_space<vmem>>)
      %multiple_of3A_264 = arith.constant 19760 : i32
      %multiple_of3A_265 = tpu.assume_multiple %multiple_of3A_264, 8 : i32
      %dma_wait3A_266 = tpu.memref_slice %arg14[%multiple_of3A_265] : memref<20000xi32, #tpu.memory_space<vmem>> -> memref<80xi32, #tpu.memory_space<vmem>>
      %dma_wait3A_267 = arith.constant 0 : i32
      %dma_wait3A_268 = arith.constant 0 : i32
      %dma_wait3A_269 = tpu.memref_slice %arg3[%dma_wait3A_267, %dma_wait3A_268] : memref<10000x64xf32, #tpu.memory_space<hbm>> -> memref<10000x64xf32, #tpu.memory_space<hbm>>
      tpu.wait_indirect_dma semaphore(%arg26 : memref<!tpu.dma_semaphore, #tpu.memory_space<semaphore_mem>>) src(%dma_wait3A_269 : memref<10000x64xf32, #tpu.memory_space<hbm>>) dst(%arg20 : memref<80x64xf32, #tpu.memory_space<vmem>>)
      %multiple_of3A_270 = arith.constant 19760 : i32
      %multiple_of3A_271 = tpu.assume_multiple %multiple_of3A_270, 8 : i32
      %dma_wait3A_272 = tpu.memref_slice %arg14[%multiple_of3A_271] : memref<20000xi32, #tpu.memory_space<vmem>> -> memref<80xi32, #tpu.memory_space<vmem>>
      %dma_wait3A_273 = arith.constant 0 : i32
      %dma_wait3A_274 = arith.constant 0 : i32
      %dma_wait3A_275 = tpu.memref_slice %arg4[%dma_wait3A_273, %dma_wait3A_274] : memref<10000x64xf32, #tpu.memory_space<hbm>> -> memref<10000x64xf32, #tpu.memory_space<hbm>>
      tpu.wait_indirect_dma semaphore(%arg26 : memref<!tpu.dma_semaphore, #tpu.memory_space<semaphore_mem>>) src(%dma_wait3A_275 : memref<10000x64xf32, #tpu.memory_space<hbm>>) dst(%arg21 : memref<80x64xf32, #tpu.memory_space<vmem>>)
      %multiple_of3A_276 = arith.constant 19760 : i32
      %multiple_of3A_277 = tpu.assume_multiple %multiple_of3A_276, 8 : i32
      %dma_start3A_278 = tpu.memref_slice %arg15[%multiple_of3A_277] : memref<20000xi32, #tpu.memory_space<vmem>> -> memref<80xi32, #tpu.memory_space<vmem>>
      %dma_start3A_279 = arith.constant 0 : i32
      %dma_start3A_280 = arith.constant 0 : i32
      %dma_start3A_281 = tpu.memref_slice %arg13[%dma_start3A_279, %dma_start3A_280] : memref<10000x64xf32, #tpu.memory_space<vmem_shared>> -> memref<10000x64xf32, #tpu.memory_space<vmem_shared>>
      tpu.enqueue_indirect_dma source(%arg21 : memref<80x64xf32, #tpu.memory_space<vmem>>) target(%dma_start3A_281 : memref<10000x64xf32, #tpu.memory_space<vmem_shared>>) offsets(%dma_start3A_278 : memref<80xi32, #tpu.memory_space<vmem>>) semaphore(%arg29 : memref<!tpu.dma_semaphore, #tpu.memory_space<semaphore_mem>>) {add = true}
      %multiple_of3A_282 = arith.constant 19680 : i32
      %multiple_of3A_283 = tpu.assume_multiple %multiple_of3A_282, 8 : i32
      %dma_wait3A_284 = tpu.memref_slice %arg15[%multiple_of3A_283] : memref<20000xi32, #tpu.memory_space<vmem>> -> memref<80xi32, #tpu.memory_space<vmem>>
      %dma_wait3A_285 = arith.constant 0 : i32
      %dma_wait3A_286 = arith.constant 0 : i32
      %dma_wait3A_287 = tpu.memref_slice %arg13[%dma_wait3A_285, %dma_wait3A_286] : memref<10000x64xf32, #tpu.memory_space<vmem_shared>> -> memref<10000x64xf32, #tpu.memory_space<vmem_shared>>
      tpu.wait_indirect_dma semaphore(%arg28 : memref<!tpu.dma_semaphore, #tpu.memory_space<semaphore_mem>>) src(%arg18 : memref<80x64xf32, #tpu.memory_space<vmem>>) dst(%dma_wait3A_287 : memref<10000x64xf32, #tpu.memory_space<vmem_shared>>)
      %multiple_of3A_288 = arith.constant 19920 : i32
      %multiple_of3A_289 = tpu.assume_multiple %multiple_of3A_288, 8 : i32
      %dma_start3A_290 = tpu.memref_slice %arg15[%multiple_of3A_289] : memref<20000xi32, #tpu.memory_space<vmem>> -> memref<80xi32, #tpu.memory_space<vmem>>
      %dma_start3A_291 = arith.constant 0 : i32
      %dma_start3A_292 = arith.constant 0 : i32
      %dma_start3A_293 = tpu.memref_slice %arg2[%dma_start3A_291, %dma_start3A_292] : memref<10000x64xf32, #tpu.memory_space<hbm>> -> memref<10000x64xf32, #tpu.memory_space<hbm>>
      tpu.enqueue_indirect_dma source(%dma_start3A_293 : memref<10000x64xf32, #tpu.memory_space<hbm>>) target(%arg16 : memref<80x64xf32, #tpu.memory_space<vmem>>) offsets(%dma_start3A_290 : memref<80xi32, #tpu.memory_space<vmem>>) semaphore(%arg25 : memref<!tpu.dma_semaphore, #tpu.memory_space<semaphore_mem>>)
      %multiple_of3A_294 = arith.constant 19920 : i32
      %multiple_of3A_295 = tpu.assume_multiple %multiple_of3A_294, 8 : i32
      %dma_start3A_296 = tpu.memref_slice %arg14[%multiple_of3A_295] : memref<20000xi32, #tpu.memory_space<vmem>> -> memref<80xi32, #tpu.memory_space<vmem>>
      %dma_start3A_297 = arith.constant 0 : i32
      %dma_start3A_298 = arith.constant 0 : i32
      %dma_start3A_299 = tpu.memref_slice %arg3[%dma_start3A_297, %dma_start3A_298] : memref<10000x64xf32, #tpu.memory_space<hbm>> -> memref<10000x64xf32, #tpu.memory_space<hbm>>
      tpu.enqueue_indirect_dma source(%dma_start3A_299 : memref<10000x64xf32, #tpu.memory_space<hbm>>) target(%arg17 : memref<80x64xf32, #tpu.memory_space<vmem>>) offsets(%dma_start3A_296 : memref<80xi32, #tpu.memory_space<vmem>>) semaphore(%arg25 : memref<!tpu.dma_semaphore, #tpu.memory_space<semaphore_mem>>)
      %multiple_of3A_300 = arith.constant 19920 : i32
      %multiple_of3A_301 = tpu.assume_multiple %multiple_of3A_300, 8 : i32
      %dma_start3A_302 = tpu.memref_slice %arg14[%multiple_of3A_301] : memref<20000xi32, #tpu.memory_space<vmem>> -> memref<80xi32, #tpu.memory_space<vmem>>
      %dma_start3A_303 = arith.constant 0 : i32
      %dma_start3A_304 = arith.constant 0 : i32
      %dma_start3A_305 = tpu.memref_slice %arg4[%dma_start3A_303, %dma_start3A_304] : memref<10000x64xf32, #tpu.memory_space<hbm>> -> memref<10000x64xf32, #tpu.memory_space<hbm>>
      tpu.enqueue_indirect_dma source(%dma_start3A_305 : memref<10000x64xf32, #tpu.memory_space<hbm>>) target(%arg18 : memref<80x64xf32, #tpu.memory_space<vmem>>) offsets(%dma_start3A_302 : memref<80xi32, #tpu.memory_space<vmem>>) semaphore(%arg25 : memref<!tpu.dma_semaphore, #tpu.memory_space<semaphore_mem>>)
      %multiple_of3A_306 = arith.constant 19840 : i32
      %multiple_of3A_307 = tpu.assume_multiple %multiple_of3A_306, 8 : i32
      %dma_wait3A_308 = tpu.memref_slice %arg15[%multiple_of3A_307] : memref<20000xi32, #tpu.memory_space<vmem>> -> memref<80xi32, #tpu.memory_space<vmem>>
      %dma_wait3A_309 = arith.constant 0 : i32
      %dma_wait3A_310 = arith.constant 0 : i32
      %dma_wait3A_311 = tpu.memref_slice %arg2[%dma_wait3A_309, %dma_wait3A_310] : memref<10000x64xf32, #tpu.memory_space<hbm>> -> memref<10000x64xf32, #tpu.memory_space<hbm>>
      tpu.wait_indirect_dma semaphore(%arg27 : memref<!tpu.dma_semaphore, #tpu.memory_space<semaphore_mem>>) src(%dma_wait3A_311 : memref<10000x64xf32, #tpu.memory_space<hbm>>) dst(%arg22 : memref<80x64xf32, #tpu.memory_space<vmem>>)
      %multiple_of3A_312 = arith.constant 19840 : i32
      %multiple_of3A_313 = tpu.assume_multiple %multiple_of3A_312, 8 : i32
      %dma_wait3A_314 = tpu.memref_slice %arg14[%multiple_of3A_313] : memref<20000xi32, #tpu.memory_space<vmem>> -> memref<80xi32, #tpu.memory_space<vmem>>
      %dma_wait3A_315 = arith.constant 0 : i32
      %dma_wait3A_316 = arith.constant 0 : i32
      %dma_wait3A_317 = tpu.memref_slice %arg3[%dma_wait3A_315, %dma_wait3A_316] : memref<10000x64xf32, #tpu.memory_space<hbm>> -> memref<10000x64xf32, #tpu.memory_space<hbm>>
      tpu.wait_indirect_dma semaphore(%arg27 : memref<!tpu.dma_semaphore, #tpu.memory_space<semaphore_mem>>) src(%dma_wait3A_317 : memref<10000x64xf32, #tpu.memory_space<hbm>>) dst(%arg23 : memref<80x64xf32, #tpu.memory_space<vmem>>)
      %multiple_of3A_318 = arith.constant 19840 : i32
      %multiple_of3A_319 = tpu.assume_multiple %multiple_of3A_318, 8 : i32
      %dma_wait3A_320 = tpu.memref_slice %arg14[%multiple_of3A_319] : memref<20000xi32, #tpu.memory_space<vmem>> -> memref<80xi32, #tpu.memory_space<vmem>>
      %dma_wait3A_321 = arith.constant 0 : i32
      %dma_wait3A_322 = arith.constant 0 : i32
      %dma_wait3A_323 = tpu.memref_slice %arg4[%dma_wait3A_321, %dma_wait3A_322] : memref<10000x64xf32, #tpu.memory_space<hbm>> -> memref<10000x64xf32, #tpu.memory_space<hbm>>
      tpu.wait_indirect_dma semaphore(%arg27 : memref<!tpu.dma_semaphore, #tpu.memory_space<semaphore_mem>>) src(%dma_wait3A_323 : memref<10000x64xf32, #tpu.memory_space<hbm>>) dst(%arg24 : memref<80x64xf32, #tpu.memory_space<vmem>>)
      %multiple_of3A_324 = arith.constant 19840 : i32
      %multiple_of3A_325 = tpu.assume_multiple %multiple_of3A_324, 8 : i32
      %dma_start3A_326 = tpu.memref_slice %arg15[%multiple_of3A_325] : memref<20000xi32, #tpu.memory_space<vmem>> -> memref<80xi32, #tpu.memory_space<vmem>>
      %dma_start3A_327 = arith.constant 0 : i32
      %dma_start3A_328 = arith.constant 0 : i32
      %dma_start3A_329 = tpu.memref_slice %arg13[%dma_start3A_327, %dma_start3A_328] : memref<10000x64xf32, #tpu.memory_space<vmem_shared>> -> memref<10000x64xf32, #tpu.memory_space<vmem_shared>>
      tpu.enqueue_indirect_dma source(%arg24 : memref<80x64xf32, #tpu.memory_space<vmem>>) target(%dma_start3A_329 : memref<10000x64xf32, #tpu.memory_space<vmem_shared>>) offsets(%dma_start3A_326 : memref<80xi32, #tpu.memory_space<vmem>>) semaphore(%arg30 : memref<!tpu.dma_semaphore, #tpu.memory_space<semaphore_mem>>) {add = true}
      %multiple_of3A_330 = arith.constant 19760 : i32
      %multiple_of3A_331 = tpu.assume_multiple %multiple_of3A_330, 8 : i32
      %dma_wait3A_332 = tpu.memref_slice %arg15[%multiple_of3A_331] : memref<20000xi32, #tpu.memory_space<vmem>> -> memref<80xi32, #tpu.memory_space<vmem>>
      %dma_wait3A_333 = arith.constant 0 : i32
      %dma_wait3A_334 = arith.constant 0 : i32
      %dma_wait3A_335 = tpu.memref_slice %arg13[%dma_wait3A_333, %dma_wait3A_334] : memref<10000x64xf32, #tpu.memory_space<vmem_shared>> -> memref<10000x64xf32, #tpu.memory_space<vmem_shared>>
      tpu.wait_indirect_dma semaphore(%arg29 : memref<!tpu.dma_semaphore, #tpu.memory_space<semaphore_mem>>) src(%arg21 : memref<80x64xf32, #tpu.memory_space<vmem>>) dst(%dma_wait3A_335 : memref<10000x64xf32, #tpu.memory_space<vmem_shared>>)
      %multiple_of3A_336 = arith.constant 19920 : i32
      %multiple_of3A_337 = tpu.assume_multiple %multiple_of3A_336, 8 : i32
      %dma_wait3A_338 = tpu.memref_slice %arg15[%multiple_of3A_337] : memref<20000xi32, #tpu.memory_space<vmem>> -> memref<80xi32, #tpu.memory_space<vmem>>
      %dma_wait3A_339 = arith.constant 0 : i32
      %dma_wait3A_340 = arith.constant 0 : i32
      %dma_wait3A_341 = tpu.memref_slice %arg2[%dma_wait3A_339, %dma_wait3A_340] : memref<10000x64xf32, #tpu.memory_space<hbm>> -> memref<10000x64xf32, #tpu.memory_space<hbm>>
      tpu.wait_indirect_dma semaphore(%arg25 : memref<!tpu.dma_semaphore, #tpu.memory_space<semaphore_mem>>) src(%dma_wait3A_341 : memref<10000x64xf32, #tpu.memory_space<hbm>>) dst(%arg16 : memref<80x64xf32, #tpu.memory_space<vmem>>)
      %multiple_of3A_342 = arith.constant 19920 : i32
      %multiple_of3A_343 = tpu.assume_multiple %multiple_of3A_342, 8 : i32
      %dma_wait3A_344 = tpu.memref_slice %arg14[%multiple_of3A_343] : memref<20000xi32, #tpu.memory_space<vmem>> -> memref<80xi32, #tpu.memory_space<vmem>>
      %dma_wait3A_345 = arith.constant 0 : i32
      %dma_wait3A_346 = arith.constant 0 : i32
      %dma_wait3A_347 = tpu.memref_slice %arg3[%dma_wait3A_345, %dma_wait3A_346] : memref<10000x64xf32, #tpu.memory_space<hbm>> -> memref<10000x64xf32, #tpu.memory_space<hbm>>
      tpu.wait_indirect_dma semaphore(%arg25 : memref<!tpu.dma_semaphore, #tpu.memory_space<semaphore_mem>>) src(%dma_wait3A_347 : memref<10000x64xf32, #tpu.memory_space<hbm>>) dst(%arg17 : memref<80x64xf32, #tpu.memory_space<vmem>>)
      %multiple_of3A_348 = arith.constant 19920 : i32
      %multiple_of3A_349 = tpu.assume_multiple %multiple_of3A_348, 8 : i32
      %dma_wait3A_350 = tpu.memref_slice %arg14[%multiple_of3A_349] : memref<20000xi32, #tpu.memory_space<vmem>> -> memref<80xi32, #tpu.memory_space<vmem>>
      %dma_wait3A_351 = arith.constant 0 : i32
      %dma_wait3A_352 = arith.constant 0 : i32
      %dma_wait3A_353 = tpu.memref_slice %arg4[%dma_wait3A_351, %dma_wait3A_352] : memref<10000x64xf32, #tpu.memory_space<hbm>> -> memref<10000x64xf32, #tpu.memory_space<hbm>>
      tpu.wait_indirect_dma semaphore(%arg25 : memref<!tpu.dma_semaphore, #tpu.memory_space<semaphore_mem>>) src(%dma_wait3A_353 : memref<10000x64xf32, #tpu.memory_space<hbm>>) dst(%arg18 : memref<80x64xf32, #tpu.memory_space<vmem>>)
      %multiple_of3A_354 = arith.constant 19920 : i32
      %multiple_of3A_355 = tpu.assume_multiple %multiple_of3A_354, 8 : i32
      %dma_start3A_356 = tpu.memref_slice %arg15[%multiple_of3A_355] : memref<20000xi32, #tpu.memory_space<vmem>> -> memref<80xi32, #tpu.memory_space<vmem>>
      %dma_start3A_357 = arith.constant 0 : i32
      %dma_start3A_358 = arith.constant 0 : i32
      %dma_start3A_359 = tpu.memref_slice %arg13[%dma_start3A_357, %dma_start3A_358] : memref<10000x64xf32, #tpu.memory_space<vmem_shared>> -> memref<10000x64xf32, #tpu.memory_space<vmem_shared>>
      tpu.enqueue_indirect_dma source(%arg18 : memref<80x64xf32, #tpu.memory_space<vmem>>) target(%dma_start3A_359 : memref<10000x64xf32, #tpu.memory_space<vmem_shared>>) offsets(%dma_start3A_356 : memref<80xi32, #tpu.memory_space<vmem>>) semaphore(%arg28 : memref<!tpu.dma_semaphore, #tpu.memory_space<semaphore_mem>>) {add = true}
      %multiple_of3A_360 = arith.constant 19840 : i32
      %multiple_of3A_361 = tpu.assume_multiple %multiple_of3A_360, 8 : i32
      %dma_wait3A_362 = tpu.memref_slice %arg15[%multiple_of3A_361] : memref<20000xi32, #tpu.memory_space<vmem>> -> memref<80xi32, #tpu.memory_space<vmem>>
      %dma_wait3A_363 = arith.constant 0 : i32
      %dma_wait3A_364 = arith.constant 0 : i32
      %dma_wait3A_365 = tpu.memref_slice %arg13[%dma_wait3A_363, %dma_wait3A_364] : memref<10000x64xf32, #tpu.memory_space<vmem_shared>> -> memref<10000x64xf32, #tpu.memory_space<vmem_shared>>
      tpu.wait_indirect_dma semaphore(%arg30 : memref<!tpu.dma_semaphore, #tpu.memory_space<semaphore_mem>>) src(%arg24 : memref<80x64xf32, #tpu.memory_space<vmem>>) dst(%dma_wait3A_365 : memref<10000x64xf32, #tpu.memory_space<vmem_shared>>)
      %multiple_of3A_366 = arith.constant 19920 : i32
      %multiple_of3A_367 = tpu.assume_multiple %multiple_of3A_366, 8 : i32
      %dma_wait3A_368 = tpu.memref_slice %arg15[%multiple_of3A_367] : memref<20000xi32, #tpu.memory_space<vmem>> -> memref<80xi32, #tpu.memory_space<vmem>>
      %dma_wait3A_369 = arith.constant 0 : i32
      %dma_wait3A_370 = arith.constant 0 : i32
      %dma_wait3A_371 = tpu.memref_slice %arg13[%dma_wait3A_369, %dma_wait3A_370] : memref<10000x64xf32, #tpu.memory_space<vmem_shared>> -> memref<10000x64xf32, #tpu.memory_space<vmem_shared>>
      tpu.wait_indirect_dma semaphore(%arg28 : memref<!tpu.dma_semaphore, #tpu.memory_space<semaphore_mem>>) src(%arg18 : memref<80x64xf32, #tpu.memory_space<vmem>>) dst(%dma_wait3A_371 : memref<10000x64xf32, #tpu.memory_space<vmem_shared>>)
      %barrier3A_372 = arith.constant 0 : index
      tpu.barrier barrier_id(%barrier3A_372)
    } else {
    }
    %eq3A_2 = arith.constant 1 : i32
    %eq3A_3 = arith.cmpi eq, %arg0, %eq3A_2 : i32
    %convert_element_type3A_4 = arith.extui %eq3A_3 : i1 to i32
    %cond3A_5 = arith.constant 0 : i32
    %cond3A_6 = arith.cmpi ne, %convert_element_type3A_4, %cond3A_5 : i32
    scf.if %cond3A_6 {
      %mul3A = arith.constant 20000 : i32
      %mul3A_17 = arith.muli %arg1, %mul3A : i32
      "tpu.region"() ({
        %run_scoped3A = tpu.sem_alloc : memref<!tpu.dma_semaphore, #tpu.memory_space<semaphore_mem>>
        %dma_start3A_373 = tpu.memref_slice %arg10[%mul3A_17] : memref<320000xi32, #tpu.memory_space<hbm>> -> memref<20000xi32, #tpu.memory_space<hbm>>
        %dma_start3A_374 = tpu.memref_slice %arg10[%mul3A_17] : memref<320000xi32, #tpu.memory_space<hbm>> -> memref<20000xi32, #tpu.memory_space<hbm>>
        tpu.enqueue_dma source(%dma_start3A_374 : memref<20000xi32, #tpu.memory_space<hbm>>) target(%arg14 : memref<20000xi32, #tpu.memory_space<vmem>>) target_semaphore(%run_scoped3A : memref<!tpu.dma_semaphore, #tpu.memory_space<semaphore_mem>>)
        %dma_wait3A_375 = tpu.memref_slice %arg10[%mul3A_17] : memref<320000xi32, #tpu.memory_space<hbm>> -> memref<20000xi32, #tpu.memory_space<hbm>>
        %dma_wait3A_376 = tpu.memref_slice %arg10[%mul3A_17] : memref<320000xi32, #tpu.memory_space<hbm>> -> memref<20000xi32, #tpu.memory_space<hbm>>
        tpu.wait_dma2 semaphore(%run_scoped3A : memref<!tpu.dma_semaphore, #tpu.memory_space<semaphore_mem>>) src(%dma_wait3A_376 : memref<20000xi32, #tpu.memory_space<hbm>>) dst(%arg14 : memref<20000xi32, #tpu.memory_space<vmem>>)
        tpu.yield
      }) : () -> ()
      %mul3A_18 = arith.constant 20000 : i32
      %mul3A_19 = arith.muli %arg1, %mul3A_18 : i32
      "tpu.region"() ({
        %run_scoped3A = tpu.sem_alloc : memref<!tpu.dma_semaphore, #tpu.memory_space<semaphore_mem>>
        %dma_start3A_373 = tpu.memref_slice %arg11[%mul3A_19] : memref<320000xi32, #tpu.memory_space<hbm>> -> memref<20000xi32, #tpu.memory_space<hbm>>
        %dma_start3A_374 = tpu.memref_slice %arg11[%mul3A_19] : memref<320000xi32, #tpu.memory_space<hbm>> -> memref<20000xi32, #tpu.memory_space<hbm>>
        tpu.enqueue_dma source(%dma_start3A_374 : memref<20000xi32, #tpu.memory_space<hbm>>) target(%arg15 : memref<20000xi32, #tpu.memory_space<vmem>>) target_semaphore(%run_scoped3A : memref<!tpu.dma_semaphore, #tpu.memory_space<semaphore_mem>>)
        %dma_wait3A_375 = tpu.memref_slice %arg11[%mul3A_19] : memref<320000xi32, #tpu.memory_space<hbm>> -> memref<20000xi32, #tpu.memory_space<hbm>>
        %dma_wait3A_376 = tpu.memref_slice %arg11[%mul3A_19] : memref<320000xi32, #tpu.memory_space<hbm>> -> memref<20000xi32, #tpu.memory_space<hbm>>
        tpu.wait_dma2 semaphore(%run_scoped3A : memref<!tpu.dma_semaphore, #tpu.memory_space<semaphore_mem>>) src(%dma_wait3A_376 : memref<20000xi32, #tpu.memory_space<hbm>>) dst(%arg15 : memref<20000xi32, #tpu.memory_space<vmem>>)
        tpu.yield
      }) : () -> ()
      %scan3A_20 = arith.constant 0 : i32
      %scan3A_21 = arith.constant 0 : i32
      %scan3A_22 = arith.constant 7 : i32
      %scan3A_23 = arith.addi %scan3A_21, %scan3A_22 : i32
      %scan3A_24 = arith.constant 1 : i32
      %scan3A_25 = scf.for %scan3A_373 = %scan3A_21 to %scan3A_23 step %scan3A_24 iter_args(%scan3A_374 = %scan3A_20) -> (i32)  : i32 {
        %mul3A_375 = arith.constant 16 : i32
        %mul3A_376 = arith.muli %mul3A_375, %scan3A_373 : i32
        %add3A = arith.addi %arg1, %mul3A_376 : i32
        %mul3A_377 = arith.constant 80 : i32
        %mul3A_378 = arith.muli %add3A, %mul3A_377 : i32
        "tpu.region"() ({
          %run_scoped3A = tpu.sem_alloc : memref<!tpu.dma_semaphore, #tpu.memory_space<semaphore_mem>>
          %dma_start3A_380 = arith.constant 0 : i32
          %dma_start3A_381 = tpu.memref_slice %arg13[%mul3A_378, %dma_start3A_380] : memref<10000x64xf32, #tpu.memory_space<vmem_shared>> -> memref<80x64xf32, #tpu.memory_space<vmem_shared>>
          %dma_start3A_382 = arith.constant 0 : i32
          %dma_start3A_383 = tpu.memref_slice %arg9[%mul3A_378, %dma_start3A_382] : memref<10000x64xf32, #tpu.memory_space<hbm>> -> memref<80x64xf32, #tpu.memory_space<hbm>>
          tpu.enqueue_dma source(%dma_start3A_383 : memref<80x64xf32, #tpu.memory_space<hbm>>) target(%dma_start3A_381 : memref<80x64xf32, #tpu.memory_space<vmem_shared>>) target_semaphore(%run_scoped3A : memref<!tpu.dma_semaphore, #tpu.memory_space<semaphore_mem>>)
          %dma_wait3A_384 = arith.constant 0 : i32
          %dma_wait3A_385 = tpu.memref_slice %arg13[%mul3A_378, %dma_wait3A_384] : memref<10000x64xf32, #tpu.memory_space<vmem_shared>> -> memref<80x64xf32, #tpu.memory_space<vmem_shared>>
          %dma_wait3A_386 = arith.constant 0 : i32
          %dma_wait3A_387 = tpu.memref_slice %arg9[%mul3A_378, %dma_wait3A_386] : memref<10000x64xf32, #tpu.memory_space<hbm>> -> memref<80x64xf32, #tpu.memory_space<hbm>>
          tpu.wait_dma2 semaphore(%run_scoped3A : memref<!tpu.dma_semaphore, #tpu.memory_space<semaphore_mem>>) src(%dma_wait3A_387 : memref<80x64xf32, #tpu.memory_space<hbm>>) dst(%dma_wait3A_385 : memref<80x64xf32, #tpu.memory_space<vmem_shared>>)
          tpu.yield
        }) : () -> ()
        %scan3A_379 = arith.constant 0 : i32
        scf.yield %scan3A_379 : i32
      }
      %scan3A_26 = arith.constant 7 : i32
      %lt3A_27 = arith.constant 13 : i32
      %lt3A_28 = arith.cmpi slt, %arg1, %lt3A_27 : i32
      %convert_element_type3A_29 = arith.extui %lt3A_28 : i1 to i32
      %cond3A_30 = arith.constant 0 : i32
      %cond3A_31 = arith.cmpi ne, %convert_element_type3A_29, %cond3A_30 : i32
      scf.if %cond3A_31 {
        %add3A = arith.constant 112 : i32
        %add3A_373 = arith.addi %arg1, %add3A : i32
        %mul3A_374 = arith.constant 80 : i32
        %mul3A_375 = arith.muli %add3A_373, %mul3A_374 : i32
        "tpu.region"() ({
          %run_scoped3A = tpu.sem_alloc : memref<!tpu.dma_semaphore, #tpu.memory_space<semaphore_mem>>
          %dma_start3A_376 = arith.constant 0 : i32
          %dma_start3A_377 = tpu.memref_slice %arg13[%mul3A_375, %dma_start3A_376] : memref<10000x64xf32, #tpu.memory_space<vmem_shared>> -> memref<80x64xf32, #tpu.memory_space<vmem_shared>>
          %dma_start3A_378 = arith.constant 0 : i32
          %dma_start3A_379 = tpu.memref_slice %arg9[%mul3A_375, %dma_start3A_378] : memref<10000x64xf32, #tpu.memory_space<hbm>> -> memref<80x64xf32, #tpu.memory_space<hbm>>
          tpu.enqueue_dma source(%dma_start3A_379 : memref<80x64xf32, #tpu.memory_space<hbm>>) target(%dma_start3A_377 : memref<80x64xf32, #tpu.memory_space<vmem_shared>>) target_semaphore(%run_scoped3A : memref<!tpu.dma_semaphore, #tpu.memory_space<semaphore_mem>>)
          %dma_wait3A_380 = arith.constant 0 : i32
          %dma_wait3A_381 = tpu.memref_slice %arg13[%mul3A_375, %dma_wait3A_380] : memref<10000x64xf32, #tpu.memory_space<vmem_shared>> -> memref<80x64xf32, #tpu.memory_space<vmem_shared>>
          %dma_wait3A_382 = arith.constant 0 : i32
          %dma_wait3A_383 = tpu.memref_slice %arg9[%mul3A_375, %dma_wait3A_382] : memref<10000x64xf32, #tpu.memory_space<hbm>> -> memref<80x64xf32, #tpu.memory_space<hbm>>
          tpu.wait_dma2 semaphore(%run_scoped3A : memref<!tpu.dma_semaphore, #tpu.memory_space<semaphore_mem>>) src(%dma_wait3A_383 : memref<80x64xf32, #tpu.memory_space<hbm>>) dst(%dma_wait3A_381 : memref<80x64xf32, #tpu.memory_space<vmem_shared>>)
          tpu.yield
        }) : () -> ()
      } else {
      }
      %barrier3A = arith.constant 0 : index
      tpu.barrier barrier_id(%barrier3A)
      %multiple_of3A = arith.constant 0 : i32
      %multiple_of3A_32 = tpu.assume_multiple %multiple_of3A, 8 : i32
      %dma_start3A = tpu.memref_slice %arg15[%multiple_of3A_32] : memref<20000xi32, #tpu.memory_space<vmem>> -> memref<80xi32, #tpu.memory_space<vmem>>
      %dma_start3A_33 = arith.constant 0 : i32
      %dma_start3A_34 = arith.constant 0 : i32
      %dma_start3A_35 = tpu.memref_slice %arg6[%dma_start3A_33, %dma_start3A_34] : memref<10000x64xf32, #tpu.memory_space<hbm>> -> memref<10000x64xf32, #tpu.memory_space<hbm>>
      tpu.enqueue_indirect_dma source(%dma_start3A_35 : memref<10000x64xf32, #tpu.memory_space<hbm>>) target(%arg16 : memref<80x64xf32, #tpu.memory_space<vmem>>) offsets(%dma_start3A : memref<80xi32, #tpu.memory_space<vmem>>) semaphore(%arg25 : memref<!tpu.dma_semaphore, #tpu.memory_space<semaphore_mem>>)
      %multiple_of3A_36 = arith.constant 0 : i32
      %multiple_of3A_37 = tpu.assume_multiple %multiple_of3A_36, 8 : i32
      %dma_start3A_38 = tpu.memref_slice %arg14[%multiple_of3A_37] : memref<20000xi32, #tpu.memory_space<vmem>> -> memref<80xi32, #tpu.memory_space<vmem>>
      %dma_start3A_39 = arith.constant 0 : i32
      %dma_start3A_40 = arith.constant 0 : i32
      %dma_start3A_41 = tpu.memref_slice %arg7[%dma_start3A_39, %dma_start3A_40] : memref<10000x64xf32, #tpu.memory_space<hbm>> -> memref<10000x64xf32, #tpu.memory_space<hbm>>
      tpu.enqueue_indirect_dma source(%dma_start3A_41 : memref<10000x64xf32, #tpu.memory_space<hbm>>) target(%arg17 : memref<80x64xf32, #tpu.memory_space<vmem>>) offsets(%dma_start3A_38 : memref<80xi32, #tpu.memory_space<vmem>>) semaphore(%arg25 : memref<!tpu.dma_semaphore, #tpu.memory_space<semaphore_mem>>)
      %multiple_of3A_42 = arith.constant 0 : i32
      %multiple_of3A_43 = tpu.assume_multiple %multiple_of3A_42, 8 : i32
      %dma_start3A_44 = tpu.memref_slice %arg14[%multiple_of3A_43] : memref<20000xi32, #tpu.memory_space<vmem>> -> memref<80xi32, #tpu.memory_space<vmem>>
      %dma_start3A_45 = arith.constant 0 : i32
      %dma_start3A_46 = arith.constant 0 : i32
      %dma_start3A_47 = tpu.memref_slice %arg8[%dma_start3A_45, %dma_start3A_46] : memref<10000x64xf32, #tpu.memory_space<hbm>> -> memref<10000x64xf32, #tpu.memory_space<hbm>>
      tpu.enqueue_indirect_dma source(%dma_start3A_47 : memref<10000x64xf32, #tpu.memory_space<hbm>>) target(%arg18 : memref<80x64xf32, #tpu.memory_space<vmem>>) offsets(%dma_start3A_44 : memref<80xi32, #tpu.memory_space<vmem>>) semaphore(%arg25 : memref<!tpu.dma_semaphore, #tpu.memory_space<semaphore_mem>>)
      %multiple_of3A_48 = arith.constant 80 : i32
      %multiple_of3A_49 = tpu.assume_multiple %multiple_of3A_48, 8 : i32
      %dma_start3A_50 = tpu.memref_slice %arg15[%multiple_of3A_49] : memref<20000xi32, #tpu.memory_space<vmem>> -> memref<80xi32, #tpu.memory_space<vmem>>
      %dma_start3A_51 = arith.constant 0 : i32
      %dma_start3A_52 = arith.constant 0 : i32
      %dma_start3A_53 = tpu.memref_slice %arg6[%dma_start3A_51, %dma_start3A_52] : memref<10000x64xf32, #tpu.memory_space<hbm>> -> memref<10000x64xf32, #tpu.memory_space<hbm>>
      tpu.enqueue_indirect_dma source(%dma_start3A_53 : memref<10000x64xf32, #tpu.memory_space<hbm>>) target(%arg19 : memref<80x64xf32, #tpu.memory_space<vmem>>) offsets(%dma_start3A_50 : memref<80xi32, #tpu.memory_space<vmem>>) semaphore(%arg26 : memref<!tpu.dma_semaphore, #tpu.memory_space<semaphore_mem>>)
      %multiple_of3A_54 = arith.constant 80 : i32
      %multiple_of3A_55 = tpu.assume_multiple %multiple_of3A_54, 8 : i32
      %dma_start3A_56 = tpu.memref_slice %arg14[%multiple_of3A_55] : memref<20000xi32, #tpu.memory_space<vmem>> -> memref<80xi32, #tpu.memory_space<vmem>>
      %dma_start3A_57 = arith.constant 0 : i32
      %dma_start3A_58 = arith.constant 0 : i32
      %dma_start3A_59 = tpu.memref_slice %arg7[%dma_start3A_57, %dma_start3A_58] : memref<10000x64xf32, #tpu.memory_space<hbm>> -> memref<10000x64xf32, #tpu.memory_space<hbm>>
      tpu.enqueue_indirect_dma source(%dma_start3A_59 : memref<10000x64xf32, #tpu.memory_space<hbm>>) target(%arg20 : memref<80x64xf32, #tpu.memory_space<vmem>>) offsets(%dma_start3A_56 : memref<80xi32, #tpu.memory_space<vmem>>) semaphore(%arg26 : memref<!tpu.dma_semaphore, #tpu.memory_space<semaphore_mem>>)
      %multiple_of3A_60 = arith.constant 80 : i32
      %multiple_of3A_61 = tpu.assume_multiple %multiple_of3A_60, 8 : i32
      %dma_start3A_62 = tpu.memref_slice %arg14[%multiple_of3A_61] : memref<20000xi32, #tpu.memory_space<vmem>> -> memref<80xi32, #tpu.memory_space<vmem>>
      %dma_start3A_63 = arith.constant 0 : i32
      %dma_start3A_64 = arith.constant 0 : i32
      %dma_start3A_65 = tpu.memref_slice %arg8[%dma_start3A_63, %dma_start3A_64] : memref<10000x64xf32, #tpu.memory_space<hbm>> -> memref<10000x64xf32, #tpu.memory_space<hbm>>
      tpu.enqueue_indirect_dma source(%dma_start3A_65 : memref<10000x64xf32, #tpu.memory_space<hbm>>) target(%arg21 : memref<80x64xf32, #tpu.memory_space<vmem>>) offsets(%dma_start3A_62 : memref<80xi32, #tpu.memory_space<vmem>>) semaphore(%arg26 : memref<!tpu.dma_semaphore, #tpu.memory_space<semaphore_mem>>)
      %multiple_of3A_66 = arith.constant 0 : i32
      %multiple_of3A_67 = tpu.assume_multiple %multiple_of3A_66, 8 : i32
      %dma_wait3A = tpu.memref_slice %arg15[%multiple_of3A_67] : memref<20000xi32, #tpu.memory_space<vmem>> -> memref<80xi32, #tpu.memory_space<vmem>>
      %dma_wait3A_68 = arith.constant 0 : i32
      %dma_wait3A_69 = arith.constant 0 : i32
      %dma_wait3A_70 = tpu.memref_slice %arg6[%dma_wait3A_68, %dma_wait3A_69] : memref<10000x64xf32, #tpu.memory_space<hbm>> -> memref<10000x64xf32, #tpu.memory_space<hbm>>
      tpu.wait_indirect_dma semaphore(%arg25 : memref<!tpu.dma_semaphore, #tpu.memory_space<semaphore_mem>>) src(%dma_wait3A_70 : memref<10000x64xf32, #tpu.memory_space<hbm>>) dst(%arg16 : memref<80x64xf32, #tpu.memory_space<vmem>>)
      %multiple_of3A_71 = arith.constant 0 : i32
      %multiple_of3A_72 = tpu.assume_multiple %multiple_of3A_71, 8 : i32
      %dma_wait3A_73 = tpu.memref_slice %arg14[%multiple_of3A_72] : memref<20000xi32, #tpu.memory_space<vmem>> -> memref<80xi32, #tpu.memory_space<vmem>>
      %dma_wait3A_74 = arith.constant 0 : i32
      %dma_wait3A_75 = arith.constant 0 : i32
      %dma_wait3A_76 = tpu.memref_slice %arg7[%dma_wait3A_74, %dma_wait3A_75] : memref<10000x64xf32, #tpu.memory_space<hbm>> -> memref<10000x64xf32, #tpu.memory_space<hbm>>
      tpu.wait_indirect_dma semaphore(%arg25 : memref<!tpu.dma_semaphore, #tpu.memory_space<semaphore_mem>>) src(%dma_wait3A_76 : memref<10000x64xf32, #tpu.memory_space<hbm>>) dst(%arg17 : memref<80x64xf32, #tpu.memory_space<vmem>>)
      %multiple_of3A_77 = arith.constant 0 : i32
      %multiple_of3A_78 = tpu.assume_multiple %multiple_of3A_77, 8 : i32
      %dma_wait3A_79 = tpu.memref_slice %arg14[%multiple_of3A_78] : memref<20000xi32, #tpu.memory_space<vmem>> -> memref<80xi32, #tpu.memory_space<vmem>>
      %dma_wait3A_80 = arith.constant 0 : i32
      %dma_wait3A_81 = arith.constant 0 : i32
      %dma_wait3A_82 = tpu.memref_slice %arg8[%dma_wait3A_80, %dma_wait3A_81] : memref<10000x64xf32, #tpu.memory_space<hbm>> -> memref<10000x64xf32, #tpu.memory_space<hbm>>
      tpu.wait_indirect_dma semaphore(%arg25 : memref<!tpu.dma_semaphore, #tpu.memory_space<semaphore_mem>>) src(%dma_wait3A_82 : memref<10000x64xf32, #tpu.memory_space<hbm>>) dst(%arg18 : memref<80x64xf32, #tpu.memory_space<vmem>>)
      %multiple_of3A_83 = arith.constant 0 : i32
      %multiple_of3A_84 = tpu.assume_multiple %multiple_of3A_83, 8 : i32
      %dma_start3A_85 = tpu.memref_slice %arg15[%multiple_of3A_84] : memref<20000xi32, #tpu.memory_space<vmem>> -> memref<80xi32, #tpu.memory_space<vmem>>
      %dma_start3A_86 = arith.constant 0 : i32
      %dma_start3A_87 = arith.constant 0 : i32
      %dma_start3A_88 = tpu.memref_slice %arg13[%dma_start3A_86, %dma_start3A_87] : memref<10000x64xf32, #tpu.memory_space<vmem_shared>> -> memref<10000x64xf32, #tpu.memory_space<vmem_shared>>
      tpu.enqueue_indirect_dma source(%arg18 : memref<80x64xf32, #tpu.memory_space<vmem>>) target(%dma_start3A_88 : memref<10000x64xf32, #tpu.memory_space<vmem_shared>>) offsets(%dma_start3A_85 : memref<80xi32, #tpu.memory_space<vmem>>) semaphore(%arg28 : memref<!tpu.dma_semaphore, #tpu.memory_space<semaphore_mem>>) {add = true}
      %multiple_of3A_89 = arith.constant 160 : i32
      %multiple_of3A_90 = tpu.assume_multiple %multiple_of3A_89, 8 : i32
      %dma_start3A_91 = tpu.memref_slice %arg15[%multiple_of3A_90] : memref<20000xi32, #tpu.memory_space<vmem>> -> memref<80xi32, #tpu.memory_space<vmem>>
      %dma_start3A_92 = arith.constant 0 : i32
      %dma_start3A_93 = arith.constant 0 : i32
      %dma_start3A_94 = tpu.memref_slice %arg6[%dma_start3A_92, %dma_start3A_93] : memref<10000x64xf32, #tpu.memory_space<hbm>> -> memref<10000x64xf32, #tpu.memory_space<hbm>>
      tpu.enqueue_indirect_dma source(%dma_start3A_94 : memref<10000x64xf32, #tpu.memory_space<hbm>>) target(%arg22 : memref<80x64xf32, #tpu.memory_space<vmem>>) offsets(%dma_start3A_91 : memref<80xi32, #tpu.memory_space<vmem>>) semaphore(%arg27 : memref<!tpu.dma_semaphore, #tpu.memory_space<semaphore_mem>>)
      %multiple_of3A_95 = arith.constant 160 : i32
      %multiple_of3A_96 = tpu.assume_multiple %multiple_of3A_95, 8 : i32
      %dma_start3A_97 = tpu.memref_slice %arg14[%multiple_of3A_96] : memref<20000xi32, #tpu.memory_space<vmem>> -> memref<80xi32, #tpu.memory_space<vmem>>
      %dma_start3A_98 = arith.constant 0 : i32
      %dma_start3A_99 = arith.constant 0 : i32
      %dma_start3A_100 = tpu.memref_slice %arg7[%dma_start3A_98, %dma_start3A_99] : memref<10000x64xf32, #tpu.memory_space<hbm>> -> memref<10000x64xf32, #tpu.memory_space<hbm>>
      tpu.enqueue_indirect_dma source(%dma_start3A_100 : memref<10000x64xf32, #tpu.memory_space<hbm>>) target(%arg23 : memref<80x64xf32, #tpu.memory_space<vmem>>) offsets(%dma_start3A_97 : memref<80xi32, #tpu.memory_space<vmem>>) semaphore(%arg27 : memref<!tpu.dma_semaphore, #tpu.memory_space<semaphore_mem>>)
      %multiple_of3A_101 = arith.constant 160 : i32
      %multiple_of3A_102 = tpu.assume_multiple %multiple_of3A_101, 8 : i32
      %dma_start3A_103 = tpu.memref_slice %arg14[%multiple_of3A_102] : memref<20000xi32, #tpu.memory_space<vmem>> -> memref<80xi32, #tpu.memory_space<vmem>>
      %dma_start3A_104 = arith.constant 0 : i32
      %dma_start3A_105 = arith.constant 0 : i32
      %dma_start3A_106 = tpu.memref_slice %arg8[%dma_start3A_104, %dma_start3A_105] : memref<10000x64xf32, #tpu.memory_space<hbm>> -> memref<10000x64xf32, #tpu.memory_space<hbm>>
      tpu.enqueue_indirect_dma source(%dma_start3A_106 : memref<10000x64xf32, #tpu.memory_space<hbm>>) target(%arg24 : memref<80x64xf32, #tpu.memory_space<vmem>>) offsets(%dma_start3A_103 : memref<80xi32, #tpu.memory_space<vmem>>) semaphore(%arg27 : memref<!tpu.dma_semaphore, #tpu.memory_space<semaphore_mem>>)
      %multiple_of3A_107 = arith.constant 80 : i32
      %multiple_of3A_108 = tpu.assume_multiple %multiple_of3A_107, 8 : i32
      %dma_wait3A_109 = tpu.memref_slice %arg15[%multiple_of3A_108] : memref<20000xi32, #tpu.memory_space<vmem>> -> memref<80xi32, #tpu.memory_space<vmem>>
      %dma_wait3A_110 = arith.constant 0 : i32
      %dma_wait3A_111 = arith.constant 0 : i32
      %dma_wait3A_112 = tpu.memref_slice %arg6[%dma_wait3A_110, %dma_wait3A_111] : memref<10000x64xf32, #tpu.memory_space<hbm>> -> memref<10000x64xf32, #tpu.memory_space<hbm>>
      tpu.wait_indirect_dma semaphore(%arg26 : memref<!tpu.dma_semaphore, #tpu.memory_space<semaphore_mem>>) src(%dma_wait3A_112 : memref<10000x64xf32, #tpu.memory_space<hbm>>) dst(%arg19 : memref<80x64xf32, #tpu.memory_space<vmem>>)
      %multiple_of3A_113 = arith.constant 80 : i32
      %multiple_of3A_114 = tpu.assume_multiple %multiple_of3A_113, 8 : i32
      %dma_wait3A_115 = tpu.memref_slice %arg14[%multiple_of3A_114] : memref<20000xi32, #tpu.memory_space<vmem>> -> memref<80xi32, #tpu.memory_space<vmem>>
      %dma_wait3A_116 = arith.constant 0 : i32
      %dma_wait3A_117 = arith.constant 0 : i32
      %dma_wait3A_118 = tpu.memref_slice %arg7[%dma_wait3A_116, %dma_wait3A_117] : memref<10000x64xf32, #tpu.memory_space<hbm>> -> memref<10000x64xf32, #tpu.memory_space<hbm>>
      tpu.wait_indirect_dma semaphore(%arg26 : memref<!tpu.dma_semaphore, #tpu.memory_space<semaphore_mem>>) src(%dma_wait3A_118 : memref<10000x64xf32, #tpu.memory_space<hbm>>) dst(%arg20 : memref<80x64xf32, #tpu.memory_space<vmem>>)
      %multiple_of3A_119 = arith.constant 80 : i32
      %multiple_of3A_120 = tpu.assume_multiple %multiple_of3A_119, 8 : i32
      %dma_wait3A_121 = tpu.memref_slice %arg14[%multiple_of3A_120] : memref<20000xi32, #tpu.memory_space<vmem>> -> memref<80xi32, #tpu.memory_space<vmem>>
      %dma_wait3A_122 = arith.constant 0 : i32
      %dma_wait3A_123 = arith.constant 0 : i32
      %dma_wait3A_124 = tpu.memref_slice %arg8[%dma_wait3A_122, %dma_wait3A_123] : memref<10000x64xf32, #tpu.memory_space<hbm>> -> memref<10000x64xf32, #tpu.memory_space<hbm>>
      tpu.wait_indirect_dma semaphore(%arg26 : memref<!tpu.dma_semaphore, #tpu.memory_space<semaphore_mem>>) src(%dma_wait3A_124 : memref<10000x64xf32, #tpu.memory_space<hbm>>) dst(%arg21 : memref<80x64xf32, #tpu.memory_space<vmem>>)
      %multiple_of3A_125 = arith.constant 80 : i32
      %multiple_of3A_126 = tpu.assume_multiple %multiple_of3A_125, 8 : i32
      %dma_start3A_127 = tpu.memref_slice %arg15[%multiple_of3A_126] : memref<20000xi32, #tpu.memory_space<vmem>> -> memref<80xi32, #tpu.memory_space<vmem>>
      %dma_start3A_128 = arith.constant 0 : i32
      %dma_start3A_129 = arith.constant 0 : i32
      %dma_start3A_130 = tpu.memref_slice %arg13[%dma_start3A_128, %dma_start3A_129] : memref<10000x64xf32, #tpu.memory_space<vmem_shared>> -> memref<10000x64xf32, #tpu.memory_space<vmem_shared>>
      tpu.enqueue_indirect_dma source(%arg21 : memref<80x64xf32, #tpu.memory_space<vmem>>) target(%dma_start3A_130 : memref<10000x64xf32, #tpu.memory_space<vmem_shared>>) offsets(%dma_start3A_127 : memref<80xi32, #tpu.memory_space<vmem>>) semaphore(%arg29 : memref<!tpu.dma_semaphore, #tpu.memory_space<semaphore_mem>>) {add = true}
      %multiple_of3A_131 = arith.constant 0 : i32
      %multiple_of3A_132 = tpu.assume_multiple %multiple_of3A_131, 8 : i32
      %dma_wait3A_133 = tpu.memref_slice %arg15[%multiple_of3A_132] : memref<20000xi32, #tpu.memory_space<vmem>> -> memref<80xi32, #tpu.memory_space<vmem>>
      %dma_wait3A_134 = arith.constant 0 : i32
      %dma_wait3A_135 = arith.constant 0 : i32
      %dma_wait3A_136 = tpu.memref_slice %arg13[%dma_wait3A_134, %dma_wait3A_135] : memref<10000x64xf32, #tpu.memory_space<vmem_shared>> -> memref<10000x64xf32, #tpu.memory_space<vmem_shared>>
      tpu.wait_indirect_dma semaphore(%arg28 : memref<!tpu.dma_semaphore, #tpu.memory_space<semaphore_mem>>) src(%arg18 : memref<80x64xf32, #tpu.memory_space<vmem>>) dst(%dma_wait3A_136 : memref<10000x64xf32, #tpu.memory_space<vmem_shared>>)
      %multiple_of3A_137 = arith.constant 240 : i32
      %multiple_of3A_138 = tpu.assume_multiple %multiple_of3A_137, 8 : i32
      %dma_start3A_139 = tpu.memref_slice %arg15[%multiple_of3A_138] : memref<20000xi32, #tpu.memory_space<vmem>> -> memref<80xi32, #tpu.memory_space<vmem>>
      %dma_start3A_140 = arith.constant 0 : i32
      %dma_start3A_141 = arith.constant 0 : i32
      %dma_start3A_142 = tpu.memref_slice %arg6[%dma_start3A_140, %dma_start3A_141] : memref<10000x64xf32, #tpu.memory_space<hbm>> -> memref<10000x64xf32, #tpu.memory_space<hbm>>
      tpu.enqueue_indirect_dma source(%dma_start3A_142 : memref<10000x64xf32, #tpu.memory_space<hbm>>) target(%arg16 : memref<80x64xf32, #tpu.memory_space<vmem>>) offsets(%dma_start3A_139 : memref<80xi32, #tpu.memory_space<vmem>>) semaphore(%arg25 : memref<!tpu.dma_semaphore, #tpu.memory_space<semaphore_mem>>)
      %multiple_of3A_143 = arith.constant 240 : i32
      %multiple_of3A_144 = tpu.assume_multiple %multiple_of3A_143, 8 : i32
      %dma_start3A_145 = tpu.memref_slice %arg14[%multiple_of3A_144] : memref<20000xi32, #tpu.memory_space<vmem>> -> memref<80xi32, #tpu.memory_space<vmem>>
      %dma_start3A_146 = arith.constant 0 : i32
      %dma_start3A_147 = arith.constant 0 : i32
      %dma_start3A_148 = tpu.memref_slice %arg7[%dma_start3A_146, %dma_start3A_147] : memref<10000x64xf32, #tpu.memory_space<hbm>> -> memref<10000x64xf32, #tpu.memory_space<hbm>>
      tpu.enqueue_indirect_dma source(%dma_start3A_148 : memref<10000x64xf32, #tpu.memory_space<hbm>>) target(%arg17 : memref<80x64xf32, #tpu.memory_space<vmem>>) offsets(%dma_start3A_145 : memref<80xi32, #tpu.memory_space<vmem>>) semaphore(%arg25 : memref<!tpu.dma_semaphore, #tpu.memory_space<semaphore_mem>>)
      %multiple_of3A_149 = arith.constant 240 : i32
      %multiple_of3A_150 = tpu.assume_multiple %multiple_of3A_149, 8 : i32
      %dma_start3A_151 = tpu.memref_slice %arg14[%multiple_of3A_150] : memref<20000xi32, #tpu.memory_space<vmem>> -> memref<80xi32, #tpu.memory_space<vmem>>
      %dma_start3A_152 = arith.constant 0 : i32
      %dma_start3A_153 = arith.constant 0 : i32
      %dma_start3A_154 = tpu.memref_slice %arg8[%dma_start3A_152, %dma_start3A_153] : memref<10000x64xf32, #tpu.memory_space<hbm>> -> memref<10000x64xf32, #tpu.memory_space<hbm>>
      tpu.enqueue_indirect_dma source(%dma_start3A_154 : memref<10000x64xf32, #tpu.memory_space<hbm>>) target(%arg18 : memref<80x64xf32, #tpu.memory_space<vmem>>) offsets(%dma_start3A_151 : memref<80xi32, #tpu.memory_space<vmem>>) semaphore(%arg25 : memref<!tpu.dma_semaphore, #tpu.memory_space<semaphore_mem>>)
      %multiple_of3A_155 = arith.constant 160 : i32
      %multiple_of3A_156 = tpu.assume_multiple %multiple_of3A_155, 8 : i32
      %dma_wait3A_157 = tpu.memref_slice %arg15[%multiple_of3A_156] : memref<20000xi32, #tpu.memory_space<vmem>> -> memref<80xi32, #tpu.memory_space<vmem>>
      %dma_wait3A_158 = arith.constant 0 : i32
      %dma_wait3A_159 = arith.constant 0 : i32
      %dma_wait3A_160 = tpu.memref_slice %arg6[%dma_wait3A_158, %dma_wait3A_159] : memref<10000x64xf32, #tpu.memory_space<hbm>> -> memref<10000x64xf32, #tpu.memory_space<hbm>>
      tpu.wait_indirect_dma semaphore(%arg27 : memref<!tpu.dma_semaphore, #tpu.memory_space<semaphore_mem>>) src(%dma_wait3A_160 : memref<10000x64xf32, #tpu.memory_space<hbm>>) dst(%arg22 : memref<80x64xf32, #tpu.memory_space<vmem>>)
      %multiple_of3A_161 = arith.constant 160 : i32
      %multiple_of3A_162 = tpu.assume_multiple %multiple_of3A_161, 8 : i32
      %dma_wait3A_163 = tpu.memref_slice %arg14[%multiple_of3A_162] : memref<20000xi32, #tpu.memory_space<vmem>> -> memref<80xi32, #tpu.memory_space<vmem>>
      %dma_wait3A_164 = arith.constant 0 : i32
      %dma_wait3A_165 = arith.constant 0 : i32
      %dma_wait3A_166 = tpu.memref_slice %arg7[%dma_wait3A_164, %dma_wait3A_165] : memref<10000x64xf32, #tpu.memory_space<hbm>> -> memref<10000x64xf32, #tpu.memory_space<hbm>>
      tpu.wait_indirect_dma semaphore(%arg27 : memref<!tpu.dma_semaphore, #tpu.memory_space<semaphore_mem>>) src(%dma_wait3A_166 : memref<10000x64xf32, #tpu.memory_space<hbm>>) dst(%arg23 : memref<80x64xf32, #tpu.memory_space<vmem>>)
      %multiple_of3A_167 = arith.constant 160 : i32
      %multiple_of3A_168 = tpu.assume_multiple %multiple_of3A_167, 8 : i32
      %dma_wait3A_169 = tpu.memref_slice %arg14[%multiple_of3A_168] : memref<20000xi32, #tpu.memory_space<vmem>> -> memref<80xi32, #tpu.memory_space<vmem>>
      %dma_wait3A_170 = arith.constant 0 : i32
      %dma_wait3A_171 = arith.constant 0 : i32
      %dma_wait3A_172 = tpu.memref_slice %arg8[%dma_wait3A_170, %dma_wait3A_171] : memref<10000x64xf32, #tpu.memory_space<hbm>> -> memref<10000x64xf32, #tpu.memory_space<hbm>>
      tpu.wait_indirect_dma semaphore(%arg27 : memref<!tpu.dma_semaphore, #tpu.memory_space<semaphore_mem>>) src(%dma_wait3A_172 : memref<10000x64xf32, #tpu.memory_space<hbm>>) dst(%arg24 : memref<80x64xf32, #tpu.memory_space<vmem>>)
      %multiple_of3A_173 = arith.constant 160 : i32
      %multiple_of3A_174 = tpu.assume_multiple %multiple_of3A_173, 8 : i32
      %dma_start3A_175 = tpu.memref_slice %arg15[%multiple_of3A_174] : memref<20000xi32, #tpu.memory_space<vmem>> -> memref<80xi32, #tpu.memory_space<vmem>>
      %dma_start3A_176 = arith.constant 0 : i32
      %dma_start3A_177 = arith.constant 0 : i32
      %dma_start3A_178 = tpu.memref_slice %arg13[%dma_start3A_176, %dma_start3A_177] : memref<10000x64xf32, #tpu.memory_space<vmem_shared>> -> memref<10000x64xf32, #tpu.memory_space<vmem_shared>>
      tpu.enqueue_indirect_dma source(%arg24 : memref<80x64xf32, #tpu.memory_space<vmem>>) target(%dma_start3A_178 : memref<10000x64xf32, #tpu.memory_space<vmem_shared>>) offsets(%dma_start3A_175 : memref<80xi32, #tpu.memory_space<vmem>>) semaphore(%arg30 : memref<!tpu.dma_semaphore, #tpu.memory_space<semaphore_mem>>) {add = true}
      %multiple_of3A_179 = arith.constant 80 : i32
      %multiple_of3A_180 = tpu.assume_multiple %multiple_of3A_179, 8 : i32
      %dma_wait3A_181 = tpu.memref_slice %arg15[%multiple_of3A_180] : memref<20000xi32, #tpu.memory_space<vmem>> -> memref<80xi32, #tpu.memory_space<vmem>>
      %dma_wait3A_182 = arith.constant 0 : i32
      %dma_wait3A_183 = arith.constant 0 : i32
      %dma_wait3A_184 = tpu.memref_slice %arg13[%dma_wait3A_182, %dma_wait3A_183] : memref<10000x64xf32, #tpu.memory_space<vmem_shared>> -> memref<10000x64xf32, #tpu.memory_space<vmem_shared>>
      tpu.wait_indirect_dma semaphore(%arg29 : memref<!tpu.dma_semaphore, #tpu.memory_space<semaphore_mem>>) src(%arg21 : memref<80x64xf32, #tpu.memory_space<vmem>>) dst(%dma_wait3A_184 : memref<10000x64xf32, #tpu.memory_space<vmem_shared>>)
      %multiple_of3A_185 = arith.constant 320 : i32
      %multiple_of3A_186 = tpu.assume_multiple %multiple_of3A_185, 8 : i32
      %dma_start3A_187 = tpu.memref_slice %arg15[%multiple_of3A_186] : memref<20000xi32, #tpu.memory_space<vmem>> -> memref<80xi32, #tpu.memory_space<vmem>>
      %dma_start3A_188 = arith.constant 0 : i32
      %dma_start3A_189 = arith.constant 0 : i32
      %dma_start3A_190 = tpu.memref_slice %arg6[%dma_start3A_188, %dma_start3A_189] : memref<10000x64xf32, #tpu.memory_space<hbm>> -> memref<10000x64xf32, #tpu.memory_space<hbm>>
      tpu.enqueue_indirect_dma source(%dma_start3A_190 : memref<10000x64xf32, #tpu.memory_space<hbm>>) target(%arg19 : memref<80x64xf32, #tpu.memory_space<vmem>>) offsets(%dma_start3A_187 : memref<80xi32, #tpu.memory_space<vmem>>) semaphore(%arg26 : memref<!tpu.dma_semaphore, #tpu.memory_space<semaphore_mem>>)
      %multiple_of3A_191 = arith.constant 320 : i32
      %multiple_of3A_192 = tpu.assume_multiple %multiple_of3A_191, 8 : i32
      %dma_start3A_193 = tpu.memref_slice %arg14[%multiple_of3A_192] : memref<20000xi32, #tpu.memory_space<vmem>> -> memref<80xi32, #tpu.memory_space<vmem>>
      %dma_start3A_194 = arith.constant 0 : i32
      %dma_start3A_195 = arith.constant 0 : i32
      %dma_start3A_196 = tpu.memref_slice %arg7[%dma_start3A_194, %dma_start3A_195] : memref<10000x64xf32, #tpu.memory_space<hbm>> -> memref<10000x64xf32, #tpu.memory_space<hbm>>
      tpu.enqueue_indirect_dma source(%dma_start3A_196 : memref<10000x64xf32, #tpu.memory_space<hbm>>) target(%arg20 : memref<80x64xf32, #tpu.memory_space<vmem>>) offsets(%dma_start3A_193 : memref<80xi32, #tpu.memory_space<vmem>>) semaphore(%arg26 : memref<!tpu.dma_semaphore, #tpu.memory_space<semaphore_mem>>)
      %multiple_of3A_197 = arith.constant 320 : i32
      %multiple_of3A_198 = tpu.assume_multiple %multiple_of3A_197, 8 : i32
      %dma_start3A_199 = tpu.memref_slice %arg14[%multiple_of3A_198] : memref<20000xi32, #tpu.memory_space<vmem>> -> memref<80xi32, #tpu.memory_space<vmem>>
      %dma_start3A_200 = arith.constant 0 : i32
      %dma_start3A_201 = arith.constant 0 : i32
      %dma_start3A_202 = tpu.memref_slice %arg8[%dma_start3A_200, %dma_start3A_201] : memref<10000x64xf32, #tpu.memory_space<hbm>> -> memref<10000x64xf32, #tpu.memory_space<hbm>>
      tpu.enqueue_indirect_dma source(%dma_start3A_202 : memref<10000x64xf32, #tpu.memory_space<hbm>>) target(%arg21 : memref<80x64xf32, #tpu.memory_space<vmem>>) offsets(%dma_start3A_199 : memref<80xi32, #tpu.memory_space<vmem>>) semaphore(%arg26 : memref<!tpu.dma_semaphore, #tpu.memory_space<semaphore_mem>>)
      %multiple_of3A_203 = arith.constant 240 : i32
      %multiple_of3A_204 = tpu.assume_multiple %multiple_of3A_203, 8 : i32
      %dma_wait3A_205 = tpu.memref_slice %arg15[%multiple_of3A_204] : memref<20000xi32, #tpu.memory_space<vmem>> -> memref<80xi32, #tpu.memory_space<vmem>>
      %dma_wait3A_206 = arith.constant 0 : i32
      %dma_wait3A_207 = arith.constant 0 : i32
      %dma_wait3A_208 = tpu.memref_slice %arg6[%dma_wait3A_206, %dma_wait3A_207] : memref<10000x64xf32, #tpu.memory_space<hbm>> -> memref<10000x64xf32, #tpu.memory_space<hbm>>
      tpu.wait_indirect_dma semaphore(%arg25 : memref<!tpu.dma_semaphore, #tpu.memory_space<semaphore_mem>>) src(%dma_wait3A_208 : memref<10000x64xf32, #tpu.memory_space<hbm>>) dst(%arg16 : memref<80x64xf32, #tpu.memory_space<vmem>>)
      %multiple_of3A_209 = arith.constant 240 : i32
      %multiple_of3A_210 = tpu.assume_multiple %multiple_of3A_209, 8 : i32
      %dma_wait3A_211 = tpu.memref_slice %arg14[%multiple_of3A_210] : memref<20000xi32, #tpu.memory_space<vmem>> -> memref<80xi32, #tpu.memory_space<vmem>>
      %dma_wait3A_212 = arith.constant 0 : i32
      %dma_wait3A_213 = arith.constant 0 : i32
      %dma_wait3A_214 = tpu.memref_slice %arg7[%dma_wait3A_212, %dma_wait3A_213] : memref<10000x64xf32, #tpu.memory_space<hbm>> -> memref<10000x64xf32, #tpu.memory_space<hbm>>
      tpu.wait_indirect_dma semaphore(%arg25 : memref<!tpu.dma_semaphore, #tpu.memory_space<semaphore_mem>>) src(%dma_wait3A_214 : memref<10000x64xf32, #tpu.memory_space<hbm>>) dst(%arg17 : memref<80x64xf32, #tpu.memory_space<vmem>>)
      %multiple_of3A_215 = arith.constant 240 : i32
      %multiple_of3A_216 = tpu.assume_multiple %multiple_of3A_215, 8 : i32
      %dma_wait3A_217 = tpu.memref_slice %arg14[%multiple_of3A_216] : memref<20000xi32, #tpu.memory_space<vmem>> -> memref<80xi32, #tpu.memory_space<vmem>>
      %dma_wait3A_218 = arith.constant 0 : i32
      %dma_wait3A_219 = arith.constant 0 : i32
      %dma_wait3A_220 = tpu.memref_slice %arg8[%dma_wait3A_218, %dma_wait3A_219] : memref<10000x64xf32, #tpu.memory_space<hbm>> -> memref<10000x64xf32, #tpu.memory_space<hbm>>
      tpu.wait_indirect_dma semaphore(%arg25 : memref<!tpu.dma_semaphore, #tpu.memory_space<semaphore_mem>>) src(%dma_wait3A_220 : memref<10000x64xf32, #tpu.memory_space<hbm>>) dst(%arg18 : memref<80x64xf32, #tpu.memory_space<vmem>>)
      %multiple_of3A_221 = arith.constant 240 : i32
      %multiple_of3A_222 = tpu.assume_multiple %multiple_of3A_221, 8 : i32
      %dma_start3A_223 = tpu.memref_slice %arg15[%multiple_of3A_222] : memref<20000xi32, #tpu.memory_space<vmem>> -> memref<80xi32, #tpu.memory_space<vmem>>
      %dma_start3A_224 = arith.constant 0 : i32
      %dma_start3A_225 = arith.constant 0 : i32
      %dma_start3A_226 = tpu.memref_slice %arg13[%dma_start3A_224, %dma_start3A_225] : memref<10000x64xf32, #tpu.memory_space<vmem_shared>> -> memref<10000x64xf32, #tpu.memory_space<vmem_shared>>
      tpu.enqueue_indirect_dma source(%arg18 : memref<80x64xf32, #tpu.memory_space<vmem>>) target(%dma_start3A_226 : memref<10000x64xf32, #tpu.memory_space<vmem_shared>>) offsets(%dma_start3A_223 : memref<80xi32, #tpu.memory_space<vmem>>) semaphore(%arg28 : memref<!tpu.dma_semaphore, #tpu.memory_space<semaphore_mem>>) {add = true}
      %scan3A_227 = arith.constant 0 : i32
      %scan3A_228 = arith.constant 0 : i32
      %scan3A_229 = arith.constant 81 : i32
      %scan3A_230 = arith.addi %scan3A_228, %scan3A_229 : i32
      %scan3A_231 = arith.constant 1 : i32
      %scan3A_232 = scf.for %scan3A_373 = %scan3A_228 to %scan3A_230 step %scan3A_231 iter_args(%scan3A_374 = %scan3A_227) -> (i32)  : i32 {
        %mul3A_375 = arith.constant 3 : i32
        %mul3A_376 = arith.muli %mul3A_375, %scan3A_373 : i32
        %add3A = arith.constant 4 : i32
        %add3A_377 = arith.addi %add3A, %mul3A_376 : i32
        %sub3A = arith.constant 2 : i32
        %sub3A_378 = arith.subi %add3A_377, %sub3A : i32
        %mul3A_379 = arith.constant 80 : i32
        %mul3A_380 = arith.muli %sub3A_378, %mul3A_379 : i32
        %multiple_of3A_381 = tpu.assume_multiple %mul3A_380, 8 : i32
        %dma_wait3A_382 = tpu.memref_slice %arg15[%multiple_of3A_381] : memref<20000xi32, #tpu.memory_space<vmem>> -> memref<80xi32, #tpu.memory_space<vmem>>
        %dma_wait3A_383 = arith.constant 0 : i32
        %dma_wait3A_384 = arith.constant 0 : i32
        %dma_wait3A_385 = tpu.memref_slice %arg13[%dma_wait3A_383, %dma_wait3A_384] : memref<10000x64xf32, #tpu.memory_space<vmem_shared>> -> memref<10000x64xf32, #tpu.memory_space<vmem_shared>>
        tpu.wait_indirect_dma semaphore(%arg30 : memref<!tpu.dma_semaphore, #tpu.memory_space<semaphore_mem>>) src(%arg24 : memref<80x64xf32, #tpu.memory_space<vmem>>) dst(%dma_wait3A_385 : memref<10000x64xf32, #tpu.memory_space<vmem_shared>>)
        %add3A_386 = arith.constant 1 : i32
        %add3A_387 = arith.addi %add3A_377, %add3A_386 : i32
        %mul3A_388 = arith.constant 80 : i32
        %mul3A_389 = arith.muli %add3A_387, %mul3A_388 : i32
        %multiple_of3A_390 = tpu.assume_multiple %mul3A_389, 8 : i32
        %dma_start3A_391 = tpu.memref_slice %arg15[%multiple_of3A_390] : memref<20000xi32, #tpu.memory_space<vmem>> -> memref<80xi32, #tpu.memory_space<vmem>>
        %dma_start3A_392 = arith.constant 0 : i32
        %dma_start3A_393 = arith.constant 0 : i32
        %dma_start3A_394 = tpu.memref_slice %arg6[%dma_start3A_392, %dma_start3A_393] : memref<10000x64xf32, #tpu.memory_space<hbm>> -> memref<10000x64xf32, #tpu.memory_space<hbm>>
        tpu.enqueue_indirect_dma source(%dma_start3A_394 : memref<10000x64xf32, #tpu.memory_space<hbm>>) target(%arg22 : memref<80x64xf32, #tpu.memory_space<vmem>>) offsets(%dma_start3A_391 : memref<80xi32, #tpu.memory_space<vmem>>) semaphore(%arg27 : memref<!tpu.dma_semaphore, #tpu.memory_space<semaphore_mem>>)
        %mul3A_395 = arith.constant 80 : i32
        %mul3A_396 = arith.muli %add3A_387, %mul3A_395 : i32
        %multiple_of3A_397 = tpu.assume_multiple %mul3A_396, 8 : i32
        %dma_start3A_398 = tpu.memref_slice %arg14[%multiple_of3A_397] : memref<20000xi32, #tpu.memory_space<vmem>> -> memref<80xi32, #tpu.memory_space<vmem>>
        %dma_start3A_399 = arith.constant 0 : i32
        %dma_start3A_400 = arith.constant 0 : i32
        %dma_start3A_401 = tpu.memref_slice %arg7[%dma_start3A_399, %dma_start3A_400] : memref<10000x64xf32, #tpu.memory_space<hbm>> -> memref<10000x64xf32, #tpu.memory_space<hbm>>
        tpu.enqueue_indirect_dma source(%dma_start3A_401 : memref<10000x64xf32, #tpu.memory_space<hbm>>) target(%arg23 : memref<80x64xf32, #tpu.memory_space<vmem>>) offsets(%dma_start3A_398 : memref<80xi32, #tpu.memory_space<vmem>>) semaphore(%arg27 : memref<!tpu.dma_semaphore, #tpu.memory_space<semaphore_mem>>)
        %mul3A_402 = arith.constant 80 : i32
        %mul3A_403 = arith.muli %add3A_387, %mul3A_402 : i32
        %multiple_of3A_404 = tpu.assume_multiple %mul3A_403, 8 : i32
        %dma_start3A_405 = tpu.memref_slice %arg14[%multiple_of3A_404] : memref<20000xi32, #tpu.memory_space<vmem>> -> memref<80xi32, #tpu.memory_space<vmem>>
        %dma_start3A_406 = arith.constant 0 : i32
        %dma_start3A_407 = arith.constant 0 : i32
        %dma_start3A_408 = tpu.memref_slice %arg8[%dma_start3A_406, %dma_start3A_407] : memref<10000x64xf32, #tpu.memory_space<hbm>> -> memref<10000x64xf32, #tpu.memory_space<hbm>>
        tpu.enqueue_indirect_dma source(%dma_start3A_408 : memref<10000x64xf32, #tpu.memory_space<hbm>>) target(%arg24 : memref<80x64xf32, #tpu.memory_space<vmem>>) offsets(%dma_start3A_405 : memref<80xi32, #tpu.memory_space<vmem>>) semaphore(%arg27 : memref<!tpu.dma_semaphore, #tpu.memory_space<semaphore_mem>>)
        %mul3A_409 = arith.constant 80 : i32
        %mul3A_410 = arith.muli %add3A_377, %mul3A_409 : i32
        %multiple_of3A_411 = tpu.assume_multiple %mul3A_410, 8 : i32
        %dma_wait3A_412 = tpu.memref_slice %arg15[%multiple_of3A_411] : memref<20000xi32, #tpu.memory_space<vmem>> -> memref<80xi32, #tpu.memory_space<vmem>>
        %dma_wait3A_413 = arith.constant 0 : i32
        %dma_wait3A_414 = arith.constant 0 : i32
        %dma_wait3A_415 = tpu.memref_slice %arg6[%dma_wait3A_413, %dma_wait3A_414] : memref<10000x64xf32, #tpu.memory_space<hbm>> -> memref<10000x64xf32, #tpu.memory_space<hbm>>
        tpu.wait_indirect_dma semaphore(%arg26 : memref<!tpu.dma_semaphore, #tpu.memory_space<semaphore_mem>>) src(%dma_wait3A_415 : memref<10000x64xf32, #tpu.memory_space<hbm>>) dst(%arg19 : memref<80x64xf32, #tpu.memory_space<vmem>>)
        %mul3A_416 = arith.constant 80 : i32
        %mul3A_417 = arith.muli %add3A_377, %mul3A_416 : i32
        %multiple_of3A_418 = tpu.assume_multiple %mul3A_417, 8 : i32
        %dma_wait3A_419 = tpu.memref_slice %arg14[%multiple_of3A_418] : memref<20000xi32, #tpu.memory_space<vmem>> -> memref<80xi32, #tpu.memory_space<vmem>>
        %dma_wait3A_420 = arith.constant 0 : i32
        %dma_wait3A_421 = arith.constant 0 : i32
        %dma_wait3A_422 = tpu.memref_slice %arg7[%dma_wait3A_420, %dma_wait3A_421] : memref<10000x64xf32, #tpu.memory_space<hbm>> -> memref<10000x64xf32, #tpu.memory_space<hbm>>
        tpu.wait_indirect_dma semaphore(%arg26 : memref<!tpu.dma_semaphore, #tpu.memory_space<semaphore_mem>>) src(%dma_wait3A_422 : memref<10000x64xf32, #tpu.memory_space<hbm>>) dst(%arg20 : memref<80x64xf32, #tpu.memory_space<vmem>>)
        %mul3A_423 = arith.constant 80 : i32
        %mul3A_424 = arith.muli %add3A_377, %mul3A_423 : i32
        %multiple_of3A_425 = tpu.assume_multiple %mul3A_424, 8 : i32
        %dma_wait3A_426 = tpu.memref_slice %arg14[%multiple_of3A_425] : memref<20000xi32, #tpu.memory_space<vmem>> -> memref<80xi32, #tpu.memory_space<vmem>>
        %dma_wait3A_427 = arith.constant 0 : i32
        %dma_wait3A_428 = arith.constant 0 : i32
        %dma_wait3A_429 = tpu.memref_slice %arg8[%dma_wait3A_427, %dma_wait3A_428] : memref<10000x64xf32, #tpu.memory_space<hbm>> -> memref<10000x64xf32, #tpu.memory_space<hbm>>
        tpu.wait_indirect_dma semaphore(%arg26 : memref<!tpu.dma_semaphore, #tpu.memory_space<semaphore_mem>>) src(%dma_wait3A_429 : memref<10000x64xf32, #tpu.memory_space<hbm>>) dst(%arg21 : memref<80x64xf32, #tpu.memory_space<vmem>>)
        %mul3A_430 = arith.constant 80 : i32
        %mul3A_431 = arith.muli %add3A_377, %mul3A_430 : i32
        %multiple_of3A_432 = tpu.assume_multiple %mul3A_431, 8 : i32
        %dma_start3A_433 = tpu.memref_slice %arg15[%multiple_of3A_432] : memref<20000xi32, #tpu.memory_space<vmem>> -> memref<80xi32, #tpu.memory_space<vmem>>
        %dma_start3A_434 = arith.constant 0 : i32
        %dma_start3A_435 = arith.constant 0 : i32
        %dma_start3A_436 = tpu.memref_slice %arg13[%dma_start3A_434, %dma_start3A_435] : memref<10000x64xf32, #tpu.memory_space<vmem_shared>> -> memref<10000x64xf32, #tpu.memory_space<vmem_shared>>
        tpu.enqueue_indirect_dma source(%arg21 : memref<80x64xf32, #tpu.memory_space<vmem>>) target(%dma_start3A_436 : memref<10000x64xf32, #tpu.memory_space<vmem_shared>>) offsets(%dma_start3A_433 : memref<80xi32, #tpu.memory_space<vmem>>) semaphore(%arg29 : memref<!tpu.dma_semaphore, #tpu.memory_space<semaphore_mem>>) {add = true}
        %add3A_437 = arith.constant 1 : i32
        %add3A_438 = arith.addi %add3A_377, %add3A_437 : i32
        %sub3A_439 = arith.constant 2 : i32
        %sub3A_440 = arith.subi %add3A_438, %sub3A_439 : i32
        %mul3A_441 = arith.constant 80 : i32
        %mul3A_442 = arith.muli %sub3A_440, %mul3A_441 : i32
        %multiple_of3A_443 = tpu.assume_multiple %mul3A_442, 8 : i32
        %dma_wait3A_444 = tpu.memref_slice %arg15[%multiple_of3A_443] : memref<20000xi32, #tpu.memory_space<vmem>> -> memref<80xi32, #tpu.memory_space<vmem>>
        %dma_wait3A_445 = arith.constant 0 : i32
        %dma_wait3A_446 = arith.constant 0 : i32
        %dma_wait3A_447 = tpu.memref_slice %arg13[%dma_wait3A_445, %dma_wait3A_446] : memref<10000x64xf32, #tpu.memory_space<vmem_shared>> -> memref<10000x64xf32, #tpu.memory_space<vmem_shared>>
        tpu.wait_indirect_dma semaphore(%arg28 : memref<!tpu.dma_semaphore, #tpu.memory_space<semaphore_mem>>) src(%arg18 : memref<80x64xf32, #tpu.memory_space<vmem>>) dst(%dma_wait3A_447 : memref<10000x64xf32, #tpu.memory_space<vmem_shared>>)
        %add3A_448 = arith.constant 1 : i32
        %add3A_449 = arith.addi %add3A_438, %add3A_448 : i32
        %mul3A_450 = arith.constant 80 : i32
        %mul3A_451 = arith.muli %add3A_449, %mul3A_450 : i32
        %multiple_of3A_452 = tpu.assume_multiple %mul3A_451, 8 : i32
        %dma_start3A_453 = tpu.memref_slice %arg15[%multiple_of3A_452] : memref<20000xi32, #tpu.memory_space<vmem>> -> memref<80xi32, #tpu.memory_space<vmem>>
        %dma_start3A_454 = arith.constant 0 : i32
        %dma_start3A_455 = arith.constant 0 : i32
        %dma_start3A_456 = tpu.memref_slice %arg6[%dma_start3A_454, %dma_start3A_455] : memref<10000x64xf32, #tpu.memory_space<hbm>> -> memref<10000x64xf32, #tpu.memory_space<hbm>>
        tpu.enqueue_indirect_dma source(%dma_start3A_456 : memref<10000x64xf32, #tpu.memory_space<hbm>>) target(%arg16 : memref<80x64xf32, #tpu.memory_space<vmem>>) offsets(%dma_start3A_453 : memref<80xi32, #tpu.memory_space<vmem>>) semaphore(%arg25 : memref<!tpu.dma_semaphore, #tpu.memory_space<semaphore_mem>>)
        %mul3A_457 = arith.constant 80 : i32
        %mul3A_458 = arith.muli %add3A_449, %mul3A_457 : i32
        %multiple_of3A_459 = tpu.assume_multiple %mul3A_458, 8 : i32
        %dma_start3A_460 = tpu.memref_slice %arg14[%multiple_of3A_459] : memref<20000xi32, #tpu.memory_space<vmem>> -> memref<80xi32, #tpu.memory_space<vmem>>
        %dma_start3A_461 = arith.constant 0 : i32
        %dma_start3A_462 = arith.constant 0 : i32
        %dma_start3A_463 = tpu.memref_slice %arg7[%dma_start3A_461, %dma_start3A_462] : memref<10000x64xf32, #tpu.memory_space<hbm>> -> memref<10000x64xf32, #tpu.memory_space<hbm>>
        tpu.enqueue_indirect_dma source(%dma_start3A_463 : memref<10000x64xf32, #tpu.memory_space<hbm>>) target(%arg17 : memref<80x64xf32, #tpu.memory_space<vmem>>) offsets(%dma_start3A_460 : memref<80xi32, #tpu.memory_space<vmem>>) semaphore(%arg25 : memref<!tpu.dma_semaphore, #tpu.memory_space<semaphore_mem>>)
        %mul3A_464 = arith.constant 80 : i32
        %mul3A_465 = arith.muli %add3A_449, %mul3A_464 : i32
        %multiple_of3A_466 = tpu.assume_multiple %mul3A_465, 8 : i32
        %dma_start3A_467 = tpu.memref_slice %arg14[%multiple_of3A_466] : memref<20000xi32, #tpu.memory_space<vmem>> -> memref<80xi32, #tpu.memory_space<vmem>>
        %dma_start3A_468 = arith.constant 0 : i32
        %dma_start3A_469 = arith.constant 0 : i32
        %dma_start3A_470 = tpu.memref_slice %arg8[%dma_start3A_468, %dma_start3A_469] : memref<10000x64xf32, #tpu.memory_space<hbm>> -> memref<10000x64xf32, #tpu.memory_space<hbm>>
        tpu.enqueue_indirect_dma source(%dma_start3A_470 : memref<10000x64xf32, #tpu.memory_space<hbm>>) target(%arg18 : memref<80x64xf32, #tpu.memory_space<vmem>>) offsets(%dma_start3A_467 : memref<80xi32, #tpu.memory_space<vmem>>) semaphore(%arg25 : memref<!tpu.dma_semaphore, #tpu.memory_space<semaphore_mem>>)
        %mul3A_471 = arith.constant 80 : i32
        %mul3A_472 = arith.muli %add3A_438, %mul3A_471 : i32
        %multiple_of3A_473 = tpu.assume_multiple %mul3A_472, 8 : i32
        %dma_wait3A_474 = tpu.memref_slice %arg15[%multiple_of3A_473] : memref<20000xi32, #tpu.memory_space<vmem>> -> memref<80xi32, #tpu.memory_space<vmem>>
        %dma_wait3A_475 = arith.constant 0 : i32
        %dma_wait3A_476 = arith.constant 0 : i32
        %dma_wait3A_477 = tpu.memref_slice %arg6[%dma_wait3A_475, %dma_wait3A_476] : memref<10000x64xf32, #tpu.memory_space<hbm>> -> memref<10000x64xf32, #tpu.memory_space<hbm>>
        tpu.wait_indirect_dma semaphore(%arg27 : memref<!tpu.dma_semaphore, #tpu.memory_space<semaphore_mem>>) src(%dma_wait3A_477 : memref<10000x64xf32, #tpu.memory_space<hbm>>) dst(%arg22 : memref<80x64xf32, #tpu.memory_space<vmem>>)
        %mul3A_478 = arith.constant 80 : i32
        %mul3A_479 = arith.muli %add3A_438, %mul3A_478 : i32
        %multiple_of3A_480 = tpu.assume_multiple %mul3A_479, 8 : i32
        %dma_wait3A_481 = tpu.memref_slice %arg14[%multiple_of3A_480] : memref<20000xi32, #tpu.memory_space<vmem>> -> memref<80xi32, #tpu.memory_space<vmem>>
        %dma_wait3A_482 = arith.constant 0 : i32
        %dma_wait3A_483 = arith.constant 0 : i32
        %dma_wait3A_484 = tpu.memref_slice %arg7[%dma_wait3A_482, %dma_wait3A_483] : memref<10000x64xf32, #tpu.memory_space<hbm>> -> memref<10000x64xf32, #tpu.memory_space<hbm>>
        tpu.wait_indirect_dma semaphore(%arg27 : memref<!tpu.dma_semaphore, #tpu.memory_space<semaphore_mem>>) src(%dma_wait3A_484 : memref<10000x64xf32, #tpu.memory_space<hbm>>) dst(%arg23 : memref<80x64xf32, #tpu.memory_space<vmem>>)
        %mul3A_485 = arith.constant 80 : i32
        %mul3A_486 = arith.muli %add3A_438, %mul3A_485 : i32
        %multiple_of3A_487 = tpu.assume_multiple %mul3A_486, 8 : i32
        %dma_wait3A_488 = tpu.memref_slice %arg14[%multiple_of3A_487] : memref<20000xi32, #tpu.memory_space<vmem>> -> memref<80xi32, #tpu.memory_space<vmem>>
        %dma_wait3A_489 = arith.constant 0 : i32
        %dma_wait3A_490 = arith.constant 0 : i32
        %dma_wait3A_491 = tpu.memref_slice %arg8[%dma_wait3A_489, %dma_wait3A_490] : memref<10000x64xf32, #tpu.memory_space<hbm>> -> memref<10000x64xf32, #tpu.memory_space<hbm>>
        tpu.wait_indirect_dma semaphore(%arg27 : memref<!tpu.dma_semaphore, #tpu.memory_space<semaphore_mem>>) src(%dma_wait3A_491 : memref<10000x64xf32, #tpu.memory_space<hbm>>) dst(%arg24 : memref<80x64xf32, #tpu.memory_space<vmem>>)
        %mul3A_492 = arith.constant 80 : i32
        %mul3A_493 = arith.muli %add3A_438, %mul3A_492 : i32
        %multiple_of3A_494 = tpu.assume_multiple %mul3A_493, 8 : i32
        %dma_start3A_495 = tpu.memref_slice %arg15[%multiple_of3A_494] : memref<20000xi32, #tpu.memory_space<vmem>> -> memref<80xi32, #tpu.memory_space<vmem>>
        %dma_start3A_496 = arith.constant 0 : i32
        %dma_start3A_497 = arith.constant 0 : i32
        %dma_start3A_498 = tpu.memref_slice %arg13[%dma_start3A_496, %dma_start3A_497] : memref<10000x64xf32, #tpu.memory_space<vmem_shared>> -> memref<10000x64xf32, #tpu.memory_space<vmem_shared>>
        tpu.enqueue_indirect_dma source(%arg24 : memref<80x64xf32, #tpu.memory_space<vmem>>) target(%dma_start3A_498 : memref<10000x64xf32, #tpu.memory_space<vmem_shared>>) offsets(%dma_start3A_495 : memref<80xi32, #tpu.memory_space<vmem>>) semaphore(%arg30 : memref<!tpu.dma_semaphore, #tpu.memory_space<semaphore_mem>>) {add = true}
        %add3A_499 = arith.constant 2 : i32
        %add3A_500 = arith.addi %add3A_377, %add3A_499 : i32
        %sub3A_501 = arith.constant 2 : i32
        %sub3A_502 = arith.subi %add3A_500, %sub3A_501 : i32
        %mul3A_503 = arith.constant 80 : i32
        %mul3A_504 = arith.muli %sub3A_502, %mul3A_503 : i32
        %multiple_of3A_505 = tpu.assume_multiple %mul3A_504, 8 : i32
        %dma_wait3A_506 = tpu.memref_slice %arg15[%multiple_of3A_505] : memref<20000xi32, #tpu.memory_space<vmem>> -> memref<80xi32, #tpu.memory_space<vmem>>
        %dma_wait3A_507 = arith.constant 0 : i32
        %dma_wait3A_508 = arith.constant 0 : i32
        %dma_wait3A_509 = tpu.memref_slice %arg13[%dma_wait3A_507, %dma_wait3A_508] : memref<10000x64xf32, #tpu.memory_space<vmem_shared>> -> memref<10000x64xf32, #tpu.memory_space<vmem_shared>>
        tpu.wait_indirect_dma semaphore(%arg29 : memref<!tpu.dma_semaphore, #tpu.memory_space<semaphore_mem>>) src(%arg21 : memref<80x64xf32, #tpu.memory_space<vmem>>) dst(%dma_wait3A_509 : memref<10000x64xf32, #tpu.memory_space<vmem_shared>>)
        %add3A_510 = arith.constant 1 : i32
        %add3A_511 = arith.addi %add3A_500, %add3A_510 : i32
        %mul3A_512 = arith.constant 80 : i32
        %mul3A_513 = arith.muli %add3A_511, %mul3A_512 : i32
        %multiple_of3A_514 = tpu.assume_multiple %mul3A_513, 8 : i32
        %dma_start3A_515 = tpu.memref_slice %arg15[%multiple_of3A_514] : memref<20000xi32, #tpu.memory_space<vmem>> -> memref<80xi32, #tpu.memory_space<vmem>>
        %dma_start3A_516 = arith.constant 0 : i32
        %dma_start3A_517 = arith.constant 0 : i32
        %dma_start3A_518 = tpu.memref_slice %arg6[%dma_start3A_516, %dma_start3A_517] : memref<10000x64xf32, #tpu.memory_space<hbm>> -> memref<10000x64xf32, #tpu.memory_space<hbm>>
        tpu.enqueue_indirect_dma source(%dma_start3A_518 : memref<10000x64xf32, #tpu.memory_space<hbm>>) target(%arg19 : memref<80x64xf32, #tpu.memory_space<vmem>>) offsets(%dma_start3A_515 : memref<80xi32, #tpu.memory_space<vmem>>) semaphore(%arg26 : memref<!tpu.dma_semaphore, #tpu.memory_space<semaphore_mem>>)
        %mul3A_519 = arith.constant 80 : i32
        %mul3A_520 = arith.muli %add3A_511, %mul3A_519 : i32
        %multiple_of3A_521 = tpu.assume_multiple %mul3A_520, 8 : i32
        %dma_start3A_522 = tpu.memref_slice %arg14[%multiple_of3A_521] : memref<20000xi32, #tpu.memory_space<vmem>> -> memref<80xi32, #tpu.memory_space<vmem>>
        %dma_start3A_523 = arith.constant 0 : i32
        %dma_start3A_524 = arith.constant 0 : i32
        %dma_start3A_525 = tpu.memref_slice %arg7[%dma_start3A_523, %dma_start3A_524] : memref<10000x64xf32, #tpu.memory_space<hbm>> -> memref<10000x64xf32, #tpu.memory_space<hbm>>
        tpu.enqueue_indirect_dma source(%dma_start3A_525 : memref<10000x64xf32, #tpu.memory_space<hbm>>) target(%arg20 : memref<80x64xf32, #tpu.memory_space<vmem>>) offsets(%dma_start3A_522 : memref<80xi32, #tpu.memory_space<vmem>>) semaphore(%arg26 : memref<!tpu.dma_semaphore, #tpu.memory_space<semaphore_mem>>)
        %mul3A_526 = arith.constant 80 : i32
        %mul3A_527 = arith.muli %add3A_511, %mul3A_526 : i32
        %multiple_of3A_528 = tpu.assume_multiple %mul3A_527, 8 : i32
        %dma_start3A_529 = tpu.memref_slice %arg14[%multiple_of3A_528] : memref<20000xi32, #tpu.memory_space<vmem>> -> memref<80xi32, #tpu.memory_space<vmem>>
        %dma_start3A_530 = arith.constant 0 : i32
        %dma_start3A_531 = arith.constant 0 : i32
        %dma_start3A_532 = tpu.memref_slice %arg8[%dma_start3A_530, %dma_start3A_531] : memref<10000x64xf32, #tpu.memory_space<hbm>> -> memref<10000x64xf32, #tpu.memory_space<hbm>>
        tpu.enqueue_indirect_dma source(%dma_start3A_532 : memref<10000x64xf32, #tpu.memory_space<hbm>>) target(%arg21 : memref<80x64xf32, #tpu.memory_space<vmem>>) offsets(%dma_start3A_529 : memref<80xi32, #tpu.memory_space<vmem>>) semaphore(%arg26 : memref<!tpu.dma_semaphore, #tpu.memory_space<semaphore_mem>>)
        %mul3A_533 = arith.constant 80 : i32
        %mul3A_534 = arith.muli %add3A_500, %mul3A_533 : i32
        %multiple_of3A_535 = tpu.assume_multiple %mul3A_534, 8 : i32
        %dma_wait3A_536 = tpu.memref_slice %arg15[%multiple_of3A_535] : memref<20000xi32, #tpu.memory_space<vmem>> -> memref<80xi32, #tpu.memory_space<vmem>>
        %dma_wait3A_537 = arith.constant 0 : i32
        %dma_wait3A_538 = arith.constant 0 : i32
        %dma_wait3A_539 = tpu.memref_slice %arg6[%dma_wait3A_537, %dma_wait3A_538] : memref<10000x64xf32, #tpu.memory_space<hbm>> -> memref<10000x64xf32, #tpu.memory_space<hbm>>
        tpu.wait_indirect_dma semaphore(%arg25 : memref<!tpu.dma_semaphore, #tpu.memory_space<semaphore_mem>>) src(%dma_wait3A_539 : memref<10000x64xf32, #tpu.memory_space<hbm>>) dst(%arg16 : memref<80x64xf32, #tpu.memory_space<vmem>>)
        %mul3A_540 = arith.constant 80 : i32
        %mul3A_541 = arith.muli %add3A_500, %mul3A_540 : i32
        %multiple_of3A_542 = tpu.assume_multiple %mul3A_541, 8 : i32
        %dma_wait3A_543 = tpu.memref_slice %arg14[%multiple_of3A_542] : memref<20000xi32, #tpu.memory_space<vmem>> -> memref<80xi32, #tpu.memory_space<vmem>>
        %dma_wait3A_544 = arith.constant 0 : i32
        %dma_wait3A_545 = arith.constant 0 : i32
        %dma_wait3A_546 = tpu.memref_slice %arg7[%dma_wait3A_544, %dma_wait3A_545] : memref<10000x64xf32, #tpu.memory_space<hbm>> -> memref<10000x64xf32, #tpu.memory_space<hbm>>
        tpu.wait_indirect_dma semaphore(%arg25 : memref<!tpu.dma_semaphore, #tpu.memory_space<semaphore_mem>>) src(%dma_wait3A_546 : memref<10000x64xf32, #tpu.memory_space<hbm>>) dst(%arg17 : memref<80x64xf32, #tpu.memory_space<vmem>>)
        %mul3A_547 = arith.constant 80 : i32
        %mul3A_548 = arith.muli %add3A_500, %mul3A_547 : i32
        %multiple_of3A_549 = tpu.assume_multiple %mul3A_548, 8 : i32
        %dma_wait3A_550 = tpu.memref_slice %arg14[%multiple_of3A_549] : memref<20000xi32, #tpu.memory_space<vmem>> -> memref<80xi32, #tpu.memory_space<vmem>>
        %dma_wait3A_551 = arith.constant 0 : i32
        %dma_wait3A_552 = arith.constant 0 : i32
        %dma_wait3A_553 = tpu.memref_slice %arg8[%dma_wait3A_551, %dma_wait3A_552] : memref<10000x64xf32, #tpu.memory_space<hbm>> -> memref<10000x64xf32, #tpu.memory_space<hbm>>
        tpu.wait_indirect_dma semaphore(%arg25 : memref<!tpu.dma_semaphore, #tpu.memory_space<semaphore_mem>>) src(%dma_wait3A_553 : memref<10000x64xf32, #tpu.memory_space<hbm>>) dst(%arg18 : memref<80x64xf32, #tpu.memory_space<vmem>>)
        %mul3A_554 = arith.constant 80 : i32
        %mul3A_555 = arith.muli %add3A_500, %mul3A_554 : i32
        %multiple_of3A_556 = tpu.assume_multiple %mul3A_555, 8 : i32
        %dma_start3A_557 = tpu.memref_slice %arg15[%multiple_of3A_556] : memref<20000xi32, #tpu.memory_space<vmem>> -> memref<80xi32, #tpu.memory_space<vmem>>
        %dma_start3A_558 = arith.constant 0 : i32
        %dma_start3A_559 = arith.constant 0 : i32
        %dma_start3A_560 = tpu.memref_slice %arg13[%dma_start3A_558, %dma_start3A_559] : memref<10000x64xf32, #tpu.memory_space<vmem_shared>> -> memref<10000x64xf32, #tpu.memory_space<vmem_shared>>
        tpu.enqueue_indirect_dma source(%arg18 : memref<80x64xf32, #tpu.memory_space<vmem>>) target(%dma_start3A_560 : memref<10000x64xf32, #tpu.memory_space<vmem_shared>>) offsets(%dma_start3A_557 : memref<80xi32, #tpu.memory_space<vmem>>) semaphore(%arg28 : memref<!tpu.dma_semaphore, #tpu.memory_space<semaphore_mem>>) {add = true}
        %scan3A_561 = arith.constant 0 : i32
        scf.yield %scan3A_561 : i32
      }
      %scan3A_233 = arith.constant 81 : i32
      %multiple_of3A_234 = arith.constant 19600 : i32
      %multiple_of3A_235 = tpu.assume_multiple %multiple_of3A_234, 8 : i32
      %dma_wait3A_236 = tpu.memref_slice %arg15[%multiple_of3A_235] : memref<20000xi32, #tpu.memory_space<vmem>> -> memref<80xi32, #tpu.memory_space<vmem>>
      %dma_wait3A_237 = arith.constant 0 : i32
      %dma_wait3A_238 = arith.constant 0 : i32
      %dma_wait3A_239 = tpu.memref_slice %arg13[%dma_wait3A_237, %dma_wait3A_238] : memref<10000x64xf32, #tpu.memory_space<vmem_shared>> -> memref<10000x64xf32, #tpu.memory_space<vmem_shared>>
      tpu.wait_indirect_dma semaphore(%arg30 : memref<!tpu.dma_semaphore, #tpu.memory_space<semaphore_mem>>) src(%arg24 : memref<80x64xf32, #tpu.memory_space<vmem>>) dst(%dma_wait3A_239 : memref<10000x64xf32, #tpu.memory_space<vmem_shared>>)
      %multiple_of3A_240 = arith.constant 19840 : i32
      %multiple_of3A_241 = tpu.assume_multiple %multiple_of3A_240, 8 : i32
      %dma_start3A_242 = tpu.memref_slice %arg15[%multiple_of3A_241] : memref<20000xi32, #tpu.memory_space<vmem>> -> memref<80xi32, #tpu.memory_space<vmem>>
      %dma_start3A_243 = arith.constant 0 : i32
      %dma_start3A_244 = arith.constant 0 : i32
      %dma_start3A_245 = tpu.memref_slice %arg6[%dma_start3A_243, %dma_start3A_244] : memref<10000x64xf32, #tpu.memory_space<hbm>> -> memref<10000x64xf32, #tpu.memory_space<hbm>>
      tpu.enqueue_indirect_dma source(%dma_start3A_245 : memref<10000x64xf32, #tpu.memory_space<hbm>>) target(%arg22 : memref<80x64xf32, #tpu.memory_space<vmem>>) offsets(%dma_start3A_242 : memref<80xi32, #tpu.memory_space<vmem>>) semaphore(%arg27 : memref<!tpu.dma_semaphore, #tpu.memory_space<semaphore_mem>>)
      %multiple_of3A_246 = arith.constant 19840 : i32
      %multiple_of3A_247 = tpu.assume_multiple %multiple_of3A_246, 8 : i32
      %dma_start3A_248 = tpu.memref_slice %arg14[%multiple_of3A_247] : memref<20000xi32, #tpu.memory_space<vmem>> -> memref<80xi32, #tpu.memory_space<vmem>>
      %dma_start3A_249 = arith.constant 0 : i32
      %dma_start3A_250 = arith.constant 0 : i32
      %dma_start3A_251 = tpu.memref_slice %arg7[%dma_start3A_249, %dma_start3A_250] : memref<10000x64xf32, #tpu.memory_space<hbm>> -> memref<10000x64xf32, #tpu.memory_space<hbm>>
      tpu.enqueue_indirect_dma source(%dma_start3A_251 : memref<10000x64xf32, #tpu.memory_space<hbm>>) target(%arg23 : memref<80x64xf32, #tpu.memory_space<vmem>>) offsets(%dma_start3A_248 : memref<80xi32, #tpu.memory_space<vmem>>) semaphore(%arg27 : memref<!tpu.dma_semaphore, #tpu.memory_space<semaphore_mem>>)
      %multiple_of3A_252 = arith.constant 19840 : i32
      %multiple_of3A_253 = tpu.assume_multiple %multiple_of3A_252, 8 : i32
      %dma_start3A_254 = tpu.memref_slice %arg14[%multiple_of3A_253] : memref<20000xi32, #tpu.memory_space<vmem>> -> memref<80xi32, #tpu.memory_space<vmem>>
      %dma_start3A_255 = arith.constant 0 : i32
      %dma_start3A_256 = arith.constant 0 : i32
      %dma_start3A_257 = tpu.memref_slice %arg8[%dma_start3A_255, %dma_start3A_256] : memref<10000x64xf32, #tpu.memory_space<hbm>> -> memref<10000x64xf32, #tpu.memory_space<hbm>>
      tpu.enqueue_indirect_dma source(%dma_start3A_257 : memref<10000x64xf32, #tpu.memory_space<hbm>>) target(%arg24 : memref<80x64xf32, #tpu.memory_space<vmem>>) offsets(%dma_start3A_254 : memref<80xi32, #tpu.memory_space<vmem>>) semaphore(%arg27 : memref<!tpu.dma_semaphore, #tpu.memory_space<semaphore_mem>>)
      %multiple_of3A_258 = arith.constant 19760 : i32
      %multiple_of3A_259 = tpu.assume_multiple %multiple_of3A_258, 8 : i32
      %dma_wait3A_260 = tpu.memref_slice %arg15[%multiple_of3A_259] : memref<20000xi32, #tpu.memory_space<vmem>> -> memref<80xi32, #tpu.memory_space<vmem>>
      %dma_wait3A_261 = arith.constant 0 : i32
      %dma_wait3A_262 = arith.constant 0 : i32
      %dma_wait3A_263 = tpu.memref_slice %arg6[%dma_wait3A_261, %dma_wait3A_262] : memref<10000x64xf32, #tpu.memory_space<hbm>> -> memref<10000x64xf32, #tpu.memory_space<hbm>>
      tpu.wait_indirect_dma semaphore(%arg26 : memref<!tpu.dma_semaphore, #tpu.memory_space<semaphore_mem>>) src(%dma_wait3A_263 : memref<10000x64xf32, #tpu.memory_space<hbm>>) dst(%arg19 : memref<80x64xf32, #tpu.memory_space<vmem>>)
      %multiple_of3A_264 = arith.constant 19760 : i32
      %multiple_of3A_265 = tpu.assume_multiple %multiple_of3A_264, 8 : i32
      %dma_wait3A_266 = tpu.memref_slice %arg14[%multiple_of3A_265] : memref<20000xi32, #tpu.memory_space<vmem>> -> memref<80xi32, #tpu.memory_space<vmem>>
      %dma_wait3A_267 = arith.constant 0 : i32
      %dma_wait3A_268 = arith.constant 0 : i32
      %dma_wait3A_269 = tpu.memref_slice %arg7[%dma_wait3A_267, %dma_wait3A_268] : memref<10000x64xf32, #tpu.memory_space<hbm>> -> memref<10000x64xf32, #tpu.memory_space<hbm>>
      tpu.wait_indirect_dma semaphore(%arg26 : memref<!tpu.dma_semaphore, #tpu.memory_space<semaphore_mem>>) src(%dma_wait3A_269 : memref<10000x64xf32, #tpu.memory_space<hbm>>) dst(%arg20 : memref<80x64xf32, #tpu.memory_space<vmem>>)
      %multiple_of3A_270 = arith.constant 19760 : i32
      %multiple_of3A_271 = tpu.assume_multiple %multiple_of3A_270, 8 : i32
      %dma_wait3A_272 = tpu.memref_slice %arg14[%multiple_of3A_271] : memref<20000xi32, #tpu.memory_space<vmem>> -> memref<80xi32, #tpu.memory_space<vmem>>
      %dma_wait3A_273 = arith.constant 0 : i32
      %dma_wait3A_274 = arith.constant 0 : i32
      %dma_wait3A_275 = tpu.memref_slice %arg8[%dma_wait3A_273, %dma_wait3A_274] : memref<10000x64xf32, #tpu.memory_space<hbm>> -> memref<10000x64xf32, #tpu.memory_space<hbm>>
      tpu.wait_indirect_dma semaphore(%arg26 : memref<!tpu.dma_semaphore, #tpu.memory_space<semaphore_mem>>) src(%dma_wait3A_275 : memref<10000x64xf32, #tpu.memory_space<hbm>>) dst(%arg21 : memref<80x64xf32, #tpu.memory_space<vmem>>)
      %multiple_of3A_276 = arith.constant 19760 : i32
      %multiple_of3A_277 = tpu.assume_multiple %multiple_of3A_276, 8 : i32
      %dma_start3A_278 = tpu.memref_slice %arg15[%multiple_of3A_277] : memref<20000xi32, #tpu.memory_space<vmem>> -> memref<80xi32, #tpu.memory_space<vmem>>
      %dma_start3A_279 = arith.constant 0 : i32
      %dma_start3A_280 = arith.constant 0 : i32
      %dma_start3A_281 = tpu.memref_slice %arg13[%dma_start3A_279, %dma_start3A_280] : memref<10000x64xf32, #tpu.memory_space<vmem_shared>> -> memref<10000x64xf32, #tpu.memory_space<vmem_shared>>
      tpu.enqueue_indirect_dma source(%arg21 : memref<80x64xf32, #tpu.memory_space<vmem>>) target(%dma_start3A_281 : memref<10000x64xf32, #tpu.memory_space<vmem_shared>>) offsets(%dma_start3A_278 : memref<80xi32, #tpu.memory_space<vmem>>) semaphore(%arg29 : memref<!tpu.dma_semaphore, #tpu.memory_space<semaphore_mem>>) {add = true}
      %multiple_of3A_282 = arith.constant 19680 : i32
      %multiple_of3A_283 = tpu.assume_multiple %multiple_of3A_282, 8 : i32
      %dma_wait3A_284 = tpu.memref_slice %arg15[%multiple_of3A_283] : memref<20000xi32, #tpu.memory_space<vmem>> -> memref<80xi32, #tpu.memory_space<vmem>>
      %dma_wait3A_285 = arith.constant 0 : i32
      %dma_wait3A_286 = arith.constant 0 : i32
      %dma_wait3A_287 = tpu.memref_slice %arg13[%dma_wait3A_285, %dma_wait3A_286] : memref<10000x64xf32, #tpu.memory_space<vmem_shared>> -> memref<10000x64xf32, #tpu.memory_space<vmem_shared>>
      tpu.wait_indirect_dma semaphore(%arg28 : memref<!tpu.dma_semaphore, #tpu.memory_space<semaphore_mem>>) src(%arg18 : memref<80x64xf32, #tpu.memory_space<vmem>>) dst(%dma_wait3A_287 : memref<10000x64xf32, #tpu.memory_space<vmem_shared>>)
      %multiple_of3A_288 = arith.constant 19920 : i32
      %multiple_of3A_289 = tpu.assume_multiple %multiple_of3A_288, 8 : i32
      %dma_start3A_290 = tpu.memref_slice %arg15[%multiple_of3A_289] : memref<20000xi32, #tpu.memory_space<vmem>> -> memref<80xi32, #tpu.memory_space<vmem>>
      %dma_start3A_291 = arith.constant 0 : i32
      %dma_start3A_292 = arith.constant 0 : i32
      %dma_start3A_293 = tpu.memref_slice %arg6[%dma_start3A_291, %dma_start3A_292] : memref<10000x64xf32, #tpu.memory_space<hbm>> -> memref<10000x64xf32, #tpu.memory_space<hbm>>
      tpu.enqueue_indirect_dma source(%dma_start3A_293 : memref<10000x64xf32, #tpu.memory_space<hbm>>) target(%arg16 : memref<80x64xf32, #tpu.memory_space<vmem>>) offsets(%dma_start3A_290 : memref<80xi32, #tpu.memory_space<vmem>>) semaphore(%arg25 : memref<!tpu.dma_semaphore, #tpu.memory_space<semaphore_mem>>)
      %multiple_of3A_294 = arith.constant 19920 : i32
      %multiple_of3A_295 = tpu.assume_multiple %multiple_of3A_294, 8 : i32
      %dma_start3A_296 = tpu.memref_slice %arg14[%multiple_of3A_295] : memref<20000xi32, #tpu.memory_space<vmem>> -> memref<80xi32, #tpu.memory_space<vmem>>
      %dma_start3A_297 = arith.constant 0 : i32
      %dma_start3A_298 = arith.constant 0 : i32
      %dma_start3A_299 = tpu.memref_slice %arg7[%dma_start3A_297, %dma_start3A_298] : memref<10000x64xf32, #tpu.memory_space<hbm>> -> memref<10000x64xf32, #tpu.memory_space<hbm>>
      tpu.enqueue_indirect_dma source(%dma_start3A_299 : memref<10000x64xf32, #tpu.memory_space<hbm>>) target(%arg17 : memref<80x64xf32, #tpu.memory_space<vmem>>) offsets(%dma_start3A_296 : memref<80xi32, #tpu.memory_space<vmem>>) semaphore(%arg25 : memref<!tpu.dma_semaphore, #tpu.memory_space<semaphore_mem>>)
      %multiple_of3A_300 = arith.constant 19920 : i32
      %multiple_of3A_301 = tpu.assume_multiple %multiple_of3A_300, 8 : i32
      %dma_start3A_302 = tpu.memref_slice %arg14[%multiple_of3A_301] : memref<20000xi32, #tpu.memory_space<vmem>> -> memref<80xi32, #tpu.memory_space<vmem>>
      %dma_start3A_303 = arith.constant 0 : i32
      %dma_start3A_304 = arith.constant 0 : i32
      %dma_start3A_305 = tpu.memref_slice %arg8[%dma_start3A_303, %dma_start3A_304] : memref<10000x64xf32, #tpu.memory_space<hbm>> -> memref<10000x64xf32, #tpu.memory_space<hbm>>
      tpu.enqueue_indirect_dma source(%dma_start3A_305 : memref<10000x64xf32, #tpu.memory_space<hbm>>) target(%arg18 : memref<80x64xf32, #tpu.memory_space<vmem>>) offsets(%dma_start3A_302 : memref<80xi32, #tpu.memory_space<vmem>>) semaphore(%arg25 : memref<!tpu.dma_semaphore, #tpu.memory_space<semaphore_mem>>)
      %multiple_of3A_306 = arith.constant 19840 : i32
      %multiple_of3A_307 = tpu.assume_multiple %multiple_of3A_306, 8 : i32
      %dma_wait3A_308 = tpu.memref_slice %arg15[%multiple_of3A_307] : memref<20000xi32, #tpu.memory_space<vmem>> -> memref<80xi32, #tpu.memory_space<vmem>>
      %dma_wait3A_309 = arith.constant 0 : i32
      %dma_wait3A_310 = arith.constant 0 : i32
      %dma_wait3A_311 = tpu.memref_slice %arg6[%dma_wait3A_309, %dma_wait3A_310] : memref<10000x64xf32, #tpu.memory_space<hbm>> -> memref<10000x64xf32, #tpu.memory_space<hbm>>
      tpu.wait_indirect_dma semaphore(%arg27 : memref<!tpu.dma_semaphore, #tpu.memory_space<semaphore_mem>>) src(%dma_wait3A_311 : memref<10000x64xf32, #tpu.memory_space<hbm>>) dst(%arg22 : memref<80x64xf32, #tpu.memory_space<vmem>>)
      %multiple_of3A_312 = arith.constant 19840 : i32
      %multiple_of3A_313 = tpu.assume_multiple %multiple_of3A_312, 8 : i32
      %dma_wait3A_314 = tpu.memref_slice %arg14[%multiple_of3A_313] : memref<20000xi32, #tpu.memory_space<vmem>> -> memref<80xi32, #tpu.memory_space<vmem>>
      %dma_wait3A_315 = arith.constant 0 : i32
      %dma_wait3A_316 = arith.constant 0 : i32
      %dma_wait3A_317 = tpu.memref_slice %arg7[%dma_wait3A_315, %dma_wait3A_316] : memref<10000x64xf32, #tpu.memory_space<hbm>> -> memref<10000x64xf32, #tpu.memory_space<hbm>>
      tpu.wait_indirect_dma semaphore(%arg27 : memref<!tpu.dma_semaphore, #tpu.memory_space<semaphore_mem>>) src(%dma_wait3A_317 : memref<10000x64xf32, #tpu.memory_space<hbm>>) dst(%arg23 : memref<80x64xf32, #tpu.memory_space<vmem>>)
      %multiple_of3A_318 = arith.constant 19840 : i32
      %multiple_of3A_319 = tpu.assume_multiple %multiple_of3A_318, 8 : i32
      %dma_wait3A_320 = tpu.memref_slice %arg14[%multiple_of3A_319] : memref<20000xi32, #tpu.memory_space<vmem>> -> memref<80xi32, #tpu.memory_space<vmem>>
      %dma_wait3A_321 = arith.constant 0 : i32
      %dma_wait3A_322 = arith.constant 0 : i32
      %dma_wait3A_323 = tpu.memref_slice %arg8[%dma_wait3A_321, %dma_wait3A_322] : memref<10000x64xf32, #tpu.memory_space<hbm>> -> memref<10000x64xf32, #tpu.memory_space<hbm>>
      tpu.wait_indirect_dma semaphore(%arg27 : memref<!tpu.dma_semaphore, #tpu.memory_space<semaphore_mem>>) src(%dma_wait3A_323 : memref<10000x64xf32, #tpu.memory_space<hbm>>) dst(%arg24 : memref<80x64xf32, #tpu.memory_space<vmem>>)
      %multiple_of3A_324 = arith.constant 19840 : i32
      %multiple_of3A_325 = tpu.assume_multiple %multiple_of3A_324, 8 : i32
      %dma_start3A_326 = tpu.memref_slice %arg15[%multiple_of3A_325] : memref<20000xi32, #tpu.memory_space<vmem>> -> memref<80xi32, #tpu.memory_space<vmem>>
      %dma_start3A_327 = arith.constant 0 : i32
      %dma_start3A_328 = arith.constant 0 : i32
      %dma_start3A_329 = tpu.memref_slice %arg13[%dma_start3A_327, %dma_start3A_328] : memref<10000x64xf32, #tpu.memory_space<vmem_shared>> -> memref<10000x64xf32, #tpu.memory_space<vmem_shared>>
      tpu.enqueue_indirect_dma source(%arg24 : memref<80x64xf32, #tpu.memory_space<vmem>>) target(%dma_start3A_329 : memref<10000x64xf32, #tpu.memory_space<vmem_shared>>) offsets(%dma_start3A_326 : memref<80xi32, #tpu.memory_space<vmem>>) semaphore(%arg30 : memref<!tpu.dma_semaphore, #tpu.memory_space<semaphore_mem>>) {add = true}
      %multiple_of3A_330 = arith.constant 19760 : i32
      %multiple_of3A_331 = tpu.assume_multiple %multiple_of3A_330, 8 : i32
      %dma_wait3A_332 = tpu.memref_slice %arg15[%multiple_of3A_331] : memref<20000xi32, #tpu.memory_space<vmem>> -> memref<80xi32, #tpu.memory_space<vmem>>
      %dma_wait3A_333 = arith.constant 0 : i32
      %dma_wait3A_334 = arith.constant 0 : i32
      %dma_wait3A_335 = tpu.memref_slice %arg13[%dma_wait3A_333, %dma_wait3A_334] : memref<10000x64xf32, #tpu.memory_space<vmem_shared>> -> memref<10000x64xf32, #tpu.memory_space<vmem_shared>>
      tpu.wait_indirect_dma semaphore(%arg29 : memref<!tpu.dma_semaphore, #tpu.memory_space<semaphore_mem>>) src(%arg21 : memref<80x64xf32, #tpu.memory_space<vmem>>) dst(%dma_wait3A_335 : memref<10000x64xf32, #tpu.memory_space<vmem_shared>>)
      %multiple_of3A_336 = arith.constant 19920 : i32
      %multiple_of3A_337 = tpu.assume_multiple %multiple_of3A_336, 8 : i32
      %dma_wait3A_338 = tpu.memref_slice %arg15[%multiple_of3A_337] : memref<20000xi32, #tpu.memory_space<vmem>> -> memref<80xi32, #tpu.memory_space<vmem>>
      %dma_wait3A_339 = arith.constant 0 : i32
      %dma_wait3A_340 = arith.constant 0 : i32
      %dma_wait3A_341 = tpu.memref_slice %arg6[%dma_wait3A_339, %dma_wait3A_340] : memref<10000x64xf32, #tpu.memory_space<hbm>> -> memref<10000x64xf32, #tpu.memory_space<hbm>>
      tpu.wait_indirect_dma semaphore(%arg25 : memref<!tpu.dma_semaphore, #tpu.memory_space<semaphore_mem>>) src(%dma_wait3A_341 : memref<10000x64xf32, #tpu.memory_space<hbm>>) dst(%arg16 : memref<80x64xf32, #tpu.memory_space<vmem>>)
      %multiple_of3A_342 = arith.constant 19920 : i32
      %multiple_of3A_343 = tpu.assume_multiple %multiple_of3A_342, 8 : i32
      %dma_wait3A_344 = tpu.memref_slice %arg14[%multiple_of3A_343] : memref<20000xi32, #tpu.memory_space<vmem>> -> memref<80xi32, #tpu.memory_space<vmem>>
      %dma_wait3A_345 = arith.constant 0 : i32
      %dma_wait3A_346 = arith.constant 0 : i32
      %dma_wait3A_347 = tpu.memref_slice %arg7[%dma_wait3A_345, %dma_wait3A_346] : memref<10000x64xf32, #tpu.memory_space<hbm>> -> memref<10000x64xf32, #tpu.memory_space<hbm>>
      tpu.wait_indirect_dma semaphore(%arg25 : memref<!tpu.dma_semaphore, #tpu.memory_space<semaphore_mem>>) src(%dma_wait3A_347 : memref<10000x64xf32, #tpu.memory_space<hbm>>) dst(%arg17 : memref<80x64xf32, #tpu.memory_space<vmem>>)
      %multiple_of3A_348 = arith.constant 19920 : i32
      %multiple_of3A_349 = tpu.assume_multiple %multiple_of3A_348, 8 : i32
      %dma_wait3A_350 = tpu.memref_slice %arg14[%multiple_of3A_349] : memref<20000xi32, #tpu.memory_space<vmem>> -> memref<80xi32, #tpu.memory_space<vmem>>
      %dma_wait3A_351 = arith.constant 0 : i32
      %dma_wait3A_352 = arith.constant 0 : i32
      %dma_wait3A_353 = tpu.memref_slice %arg8[%dma_wait3A_351, %dma_wait3A_352] : memref<10000x64xf32, #tpu.memory_space<hbm>> -> memref<10000x64xf32, #tpu.memory_space<hbm>>
      tpu.wait_indirect_dma semaphore(%arg25 : memref<!tpu.dma_semaphore, #tpu.memory_space<semaphore_mem>>) src(%dma_wait3A_353 : memref<10000x64xf32, #tpu.memory_space<hbm>>) dst(%arg18 : memref<80x64xf32, #tpu.memory_space<vmem>>)
      %multiple_of3A_354 = arith.constant 19920 : i32
      %multiple_of3A_355 = tpu.assume_multiple %multiple_of3A_354, 8 : i32
      %dma_start3A_356 = tpu.memref_slice %arg15[%multiple_of3A_355] : memref<20000xi32, #tpu.memory_space<vmem>> -> memref<80xi32, #tpu.memory_space<vmem>>
      %dma_start3A_357 = arith.constant 0 : i32
      %dma_start3A_358 = arith.constant 0 : i32
      %dma_start3A_359 = tpu.memref_slice %arg13[%dma_start3A_357, %dma_start3A_358] : memref<10000x64xf32, #tpu.memory_space<vmem_shared>> -> memref<10000x64xf32, #tpu.memory_space<vmem_shared>>
      tpu.enqueue_indirect_dma source(%arg18 : memref<80x64xf32, #tpu.memory_space<vmem>>) target(%dma_start3A_359 : memref<10000x64xf32, #tpu.memory_space<vmem_shared>>) offsets(%dma_start3A_356 : memref<80xi32, #tpu.memory_space<vmem>>) semaphore(%arg28 : memref<!tpu.dma_semaphore, #tpu.memory_space<semaphore_mem>>) {add = true}
      %multiple_of3A_360 = arith.constant 19840 : i32
      %multiple_of3A_361 = tpu.assume_multiple %multiple_of3A_360, 8 : i32
      %dma_wait3A_362 = tpu.memref_slice %arg15[%multiple_of3A_361] : memref<20000xi32, #tpu.memory_space<vmem>> -> memref<80xi32, #tpu.memory_space<vmem>>
      %dma_wait3A_363 = arith.constant 0 : i32
      %dma_wait3A_364 = arith.constant 0 : i32
      %dma_wait3A_365 = tpu.memref_slice %arg13[%dma_wait3A_363, %dma_wait3A_364] : memref<10000x64xf32, #tpu.memory_space<vmem_shared>> -> memref<10000x64xf32, #tpu.memory_space<vmem_shared>>
      tpu.wait_indirect_dma semaphore(%arg30 : memref<!tpu.dma_semaphore, #tpu.memory_space<semaphore_mem>>) src(%arg24 : memref<80x64xf32, #tpu.memory_space<vmem>>) dst(%dma_wait3A_365 : memref<10000x64xf32, #tpu.memory_space<vmem_shared>>)
      %multiple_of3A_366 = arith.constant 19920 : i32
      %multiple_of3A_367 = tpu.assume_multiple %multiple_of3A_366, 8 : i32
      %dma_wait3A_368 = tpu.memref_slice %arg15[%multiple_of3A_367] : memref<20000xi32, #tpu.memory_space<vmem>> -> memref<80xi32, #tpu.memory_space<vmem>>
      %dma_wait3A_369 = arith.constant 0 : i32
      %dma_wait3A_370 = arith.constant 0 : i32
      %dma_wait3A_371 = tpu.memref_slice %arg13[%dma_wait3A_369, %dma_wait3A_370] : memref<10000x64xf32, #tpu.memory_space<vmem_shared>> -> memref<10000x64xf32, #tpu.memory_space<vmem_shared>>
      tpu.wait_indirect_dma semaphore(%arg28 : memref<!tpu.dma_semaphore, #tpu.memory_space<semaphore_mem>>) src(%arg18 : memref<80x64xf32, #tpu.memory_space<vmem>>) dst(%dma_wait3A_371 : memref<10000x64xf32, #tpu.memory_space<vmem_shared>>)
      %barrier3A_372 = arith.constant 0 : index
      tpu.barrier barrier_id(%barrier3A_372)
    } else {
    }
    %scan3A = arith.constant 0 : i32
    %scan3A_7 = arith.constant 0 : i32
    %scan3A_8 = arith.constant 7 : i32
    %scan3A_9 = arith.addi %scan3A_7, %scan3A_8 : i32
    %scan3A_10 = arith.constant 1 : i32
    %scan3A_11 = scf.for %scan3A_17 = %scan3A_7 to %scan3A_9 step %scan3A_10 iter_args(%scan3A_18 = %scan3A) -> (i32)  : i32 {
      %mul3A = arith.constant 16 : i32
      %mul3A_19 = arith.muli %mul3A, %scan3A_17 : i32
      %add3A = arith.addi %arg1, %mul3A_19 : i32
      %mul3A_20 = arith.constant 80 : i32
      %mul3A_21 = arith.muli %add3A, %mul3A_20 : i32
      "tpu.region"() ({
        %run_scoped3A = tpu.sem_alloc : memref<!tpu.dma_semaphore, #tpu.memory_space<semaphore_mem>>
        %dma_start3A = arith.constant 0 : i32
        %dma_start3A_23 = tpu.memref_slice %arg12[%arg0, %mul3A_21, %dma_start3A] : memref<2x10000x64xf32, #tpu.memory_space<hbm>> -> memref<1x80x64xf32, #tpu.memory_space<hbm>>
        %dma_start3A_24 = tpu.memref_squeeze %dma_start3A_23 : memref<1x80x64xf32, #tpu.memory_space<hbm>> -> memref<80x64xf32, #tpu.memory_space<hbm>>
        %dma_start3A_25 = arith.constant 0 : i32
        %dma_start3A_26 = tpu.memref_slice %arg13[%mul3A_21, %dma_start3A_25] : memref<10000x64xf32, #tpu.memory_space<vmem_shared>> -> memref<80x64xf32, #tpu.memory_space<vmem_shared>>
        tpu.enqueue_dma source(%dma_start3A_26 : memref<80x64xf32, #tpu.memory_space<vmem_shared>>) target(%dma_start3A_24 : memref<80x64xf32, #tpu.memory_space<hbm>>) target_semaphore(%run_scoped3A : memref<!tpu.dma_semaphore, #tpu.memory_space<semaphore_mem>>)
        %dma_wait3A = arith.constant 0 : i32
        %dma_wait3A_27 = tpu.memref_slice %arg12[%arg0, %mul3A_21, %dma_wait3A] : memref<2x10000x64xf32, #tpu.memory_space<hbm>> -> memref<1x80x64xf32, #tpu.memory_space<hbm>>
        %dma_wait3A_28 = tpu.memref_squeeze %dma_wait3A_27 : memref<1x80x64xf32, #tpu.memory_space<hbm>> -> memref<80x64xf32, #tpu.memory_space<hbm>>
        %dma_wait3A_29 = arith.constant 0 : i32
        %dma_wait3A_30 = tpu.memref_slice %arg13[%mul3A_21, %dma_wait3A_29] : memref<10000x64xf32, #tpu.memory_space<vmem_shared>> -> memref<80x64xf32, #tpu.memory_space<vmem_shared>>
        tpu.wait_dma2 semaphore(%run_scoped3A : memref<!tpu.dma_semaphore, #tpu.memory_space<semaphore_mem>>) src(%dma_wait3A_30 : memref<80x64xf32, #tpu.memory_space<vmem_shared>>) dst(%dma_wait3A_28 : memref<80x64xf32, #tpu.memory_space<hbm>>)
        tpu.yield
      }) : () -> ()
      %scan3A_22 = arith.constant 0 : i32
      scf.yield %scan3A_22 : i32
    }
    %scan3A_12 = arith.constant 7 : i32
    %lt3A = arith.constant 13 : i32
    %lt3A_13 = arith.cmpi slt, %arg1, %lt3A : i32
    %convert_element_type3A_14 = arith.extui %lt3A_13 : i1 to i32
    %cond3A_15 = arith.constant 0 : i32
    %cond3A_16 = arith.cmpi ne, %convert_element_type3A_14, %cond3A_15 : i32
    scf.if %cond3A_16 {
      %add3A = arith.constant 112 : i32
      %add3A_17 = arith.addi %arg1, %add3A : i32
      %mul3A = arith.constant 80 : i32
      %mul3A_18 = arith.muli %add3A_17, %mul3A : i32
      "tpu.region"() ({
        %run_scoped3A = tpu.sem_alloc : memref<!tpu.dma_semaphore, #tpu.memory_space<semaphore_mem>>
        %dma_start3A = arith.constant 0 : i32
        %dma_start3A_19 = tpu.memref_slice %arg12[%arg0, %mul3A_18, %dma_start3A] : memref<2x10000x64xf32, #tpu.memory_space<hbm>> -> memref<1x80x64xf32, #tpu.memory_space<hbm>>
        %dma_start3A_20 = tpu.memref_squeeze %dma_start3A_19 : memref<1x80x64xf32, #tpu.memory_space<hbm>> -> memref<80x64xf32, #tpu.memory_space<hbm>>
        %dma_start3A_21 = arith.constant 0 : i32
        %dma_start3A_22 = tpu.memref_slice %arg13[%mul3A_18, %dma_start3A_21] : memref<10000x64xf32, #tpu.memory_space<vmem_shared>> -> memref<80x64xf32, #tpu.memory_space<vmem_shared>>
        tpu.enqueue_dma source(%dma_start3A_22 : memref<80x64xf32, #tpu.memory_space<vmem_shared>>) target(%dma_start3A_20 : memref<80x64xf32, #tpu.memory_space<hbm>>) target_semaphore(%run_scoped3A : memref<!tpu.dma_semaphore, #tpu.memory_space<semaphore_mem>>)
        %dma_wait3A = arith.constant 0 : i32
        %dma_wait3A_23 = tpu.memref_slice %arg12[%arg0, %mul3A_18, %dma_wait3A] : memref<2x10000x64xf32, #tpu.memory_space<hbm>> -> memref<1x80x64xf32, #tpu.memory_space<hbm>>
        %dma_wait3A_24 = tpu.memref_squeeze %dma_wait3A_23 : memref<1x80x64xf32, #tpu.memory_space<hbm>> -> memref<80x64xf32, #tpu.memory_space<hbm>>
        %dma_wait3A_25 = arith.constant 0 : i32
        %dma_wait3A_26 = tpu.memref_slice %arg13[%mul3A_18, %dma_wait3A_25] : memref<10000x64xf32, #tpu.memory_space<vmem_shared>> -> memref<80x64xf32, #tpu.memory_space<vmem_shared>>
        tpu.wait_dma2 semaphore(%run_scoped3A : memref<!tpu.dma_semaphore, #tpu.memory_space<semaphore_mem>>) src(%dma_wait3A_26 : memref<80x64xf32, #tpu.memory_space<vmem_shared>>) dst(%dma_wait3A_24 : memref<80x64xf32, #tpu.memory_space<hbm>>)
        tpu.yield
      }) : () -> ()
    } else {
    }
    return
  }
}

module attributes {stable_mosaic.version = 14 : i64} {
  func.func @_proj_body(%arg0: i32, %arg1: memref<1000x128xf32, #tpu.memory_space<vmem>>, %arg2: memref<128x128xf32, #tpu.memory_space<vmem>>, %arg3: memref<128x128xf32, #tpu.memory_space<vmem>>, %arg4: memref<128x128xf32, #tpu.memory_space<vmem>>, %arg5: memref<128x128xf32, #tpu.memory_space<vmem>>, %arg6: memref<1x128xf32, #tpu.memory_space<vmem>>, %arg7: memref<1x128xf32, #tpu.memory_space<vmem>>, %arg8: memref<1x128xf32, #tpu.memory_space<vmem>>, %arg9: memref<1x128xf32, #tpu.memory_space<vmem>>, %arg10: memref<1000x64xf32, #tpu.memory_space<vmem>>, %arg11: memref<1000x64xf32, #tpu.memory_space<vmem>>, %arg12: memref<1000x64xf32, #tpu.memory_space<vmem>>, %arg13: memref<1000x64xf32, #tpu.memory_space<vmem>>, %arg14: memref<1000x64xf32, #tpu.memory_space<vmem>>, %arg15: memref<1000x64xf32, #tpu.memory_space<vmem>>, %arg16: memref<1000x64xf32, #tpu.memory_space<vmem>>, %arg17: memref<1000x64xf32, #tpu.memory_space<vmem>>) attributes {dimension_semantics = [#tpu.dimension_semantics<arbitrary>], iteration_bounds = array<i64: 10>, scalar_prefetch = 0 : i64, scratch_operands = 0 : i64, tpu.core_type = #tpu.core_type<tc>, window_params = [{transform_indices = @transform_0, window_bounds = array<i64: 1000, 128>}, {pipeline_mode = #tpu.pipeline_mode<synchronous>, transform_indices = @transform_1, window_bounds = array<i64: 128, 128>}, {pipeline_mode = #tpu.pipeline_mode<synchronous>, transform_indices = @transform_2, window_bounds = array<i64: 128, 128>}, {pipeline_mode = #tpu.pipeline_mode<synchronous>, transform_indices = @transform_3, window_bounds = array<i64: 128, 128>}, {pipeline_mode = #tpu.pipeline_mode<synchronous>, transform_indices = @transform_4, window_bounds = array<i64: 128, 128>}, {pipeline_mode = #tpu.pipeline_mode<synchronous>, transform_indices = @transform_5, window_bounds = array<i64: 1, 128>}, {pipeline_mode = #tpu.pipeline_mode<synchronous>, transform_indices = @transform_6, window_bounds = array<i64: 1, 128>}, {pipeline_mode = #tpu.pipeline_mode<synchronous>, transform_indices = @transform_7, window_bounds = array<i64: 1, 128>}, {pipeline_mode = #tpu.pipeline_mode<synchronous>, transform_indices = @transform_8, window_bounds = array<i64: 1, 128>}, {transform_indices = @transform_9, window_bounds = array<i64: 1000, 64>}, {transform_indices = @transform_10, window_bounds = array<i64: 1000, 64>}, {transform_indices = @transform_11, window_bounds = array<i64: 1000, 64>}, {transform_indices = @transform_12, window_bounds = array<i64: 1000, 64>}, {transform_indices = @transform_13, window_bounds = array<i64: 1000, 64>}, {transform_indices = @transform_14, window_bounds = array<i64: 1000, 64>}, {transform_indices = @transform_15, window_bounds = array<i64: 1000, 64>}, {transform_indices = @transform_16, window_bounds = array<i64: 1000, 64>}]} {
    %get3A = arith.constant 0 : index
    %get3A_0 = arith.constant 0 : index
    %get3A_1 = vector.load %arg1[%get3A, %get3A_0] : memref<1000x128xf32, #tpu.memory_space<vmem>>, vector<1000x128xf32>
    %get3A_2 = arith.constant 0 : index
    %get3A_3 = arith.constant 0 : index
    %get3A_4 = vector.load %arg2[%get3A_2, %get3A_3] : memref<128x128xf32, #tpu.memory_space<vmem>>, vector<128x128xf32>
    %dot_general3A = arith.constant dense<0.000000e+00> : vector<1000x128xf32>
    %dot_general3A_5 = tpu.matmul %get3A_1, %get3A_4, %dot_general3A {dimension_numbers = #tpu.dot_dimension_numbers<[1], [0], [0], [1], [0, 0, 1, 1], [], []>, transpose_lhs_hint = false} : vector<1000x128xf32>, vector<128x128xf32>, vector<1000x128xf32> -> vector<1000x128xf32>
    %get3A_6 = arith.constant 0 : index
    %get3A_7 = arith.constant 0 : index
    %get3A_8 = vector.load %arg6[%get3A_6, %get3A_7] : memref<1x128xf32, #tpu.memory_space<vmem>>, vector<1x128xf32>
    %add3A = vector.broadcast %get3A_8 : vector<1x128xf32> to vector<1000x128xf32>
    %add3A_9 = arith.addf %dot_general3A_5, %add3A : vector<1000x128xf32>
    %get3A_10 = arith.constant 0 : index
    %get3A_11 = arith.constant 0 : index
    %get3A_12 = vector.load %arg3[%get3A_10, %get3A_11] : memref<128x128xf32, #tpu.memory_space<vmem>>, vector<128x128xf32>
    %dot_general3A_13 = arith.constant dense<0.000000e+00> : vector<1000x128xf32>
    %dot_general3A_14 = tpu.matmul %get3A_1, %get3A_12, %dot_general3A_13 {dimension_numbers = #tpu.dot_dimension_numbers<[1], [0], [0], [1], [0, 0, 1, 1], [], []>, transpose_lhs_hint = false} : vector<1000x128xf32>, vector<128x128xf32>, vector<1000x128xf32> -> vector<1000x128xf32>
    %get3A_15 = arith.constant 0 : index
    %get3A_16 = arith.constant 0 : index
    %get3A_17 = vector.load %arg7[%get3A_15, %get3A_16] : memref<1x128xf32, #tpu.memory_space<vmem>>, vector<1x128xf32>
    %add3A_18 = vector.broadcast %get3A_17 : vector<1x128xf32> to vector<1000x128xf32>
    %add3A_19 = arith.addf %dot_general3A_14, %add3A_18 : vector<1000x128xf32>
    %get3A_20 = arith.constant 0 : index
    %get3A_21 = arith.constant 0 : index
    %get3A_22 = vector.load %arg4[%get3A_20, %get3A_21] : memref<128x128xf32, #tpu.memory_space<vmem>>, vector<128x128xf32>
    %dot_general3A_23 = arith.constant dense<0.000000e+00> : vector<1000x128xf32>
    %dot_general3A_24 = tpu.matmul %get3A_1, %get3A_22, %dot_general3A_23 {dimension_numbers = #tpu.dot_dimension_numbers<[1], [0], [0], [1], [0, 0, 1, 1], [], []>, transpose_lhs_hint = false} : vector<1000x128xf32>, vector<128x128xf32>, vector<1000x128xf32> -> vector<1000x128xf32>
    %get3A_25 = arith.constant 0 : index
    %get3A_26 = arith.constant 0 : index
    %get3A_27 = vector.load %arg8[%get3A_25, %get3A_26] : memref<1x128xf32, #tpu.memory_space<vmem>>, vector<1x128xf32>
    %add3A_28 = vector.broadcast %get3A_27 : vector<1x128xf32> to vector<1000x128xf32>
    %add3A_29 = arith.addf %dot_general3A_24, %add3A_28 : vector<1000x128xf32>
    %get3A_30 = arith.constant 0 : index
    %get3A_31 = arith.constant 0 : index
    %get3A_32 = vector.load %arg5[%get3A_30, %get3A_31] : memref<128x128xf32, #tpu.memory_space<vmem>>, vector<128x128xf32>
    %dot_general3A_33 = arith.constant dense<0.000000e+00> : vector<1000x128xf32>
    %dot_general3A_34 = tpu.matmul %get3A_1, %get3A_32, %dot_general3A_33 {dimension_numbers = #tpu.dot_dimension_numbers<[1], [0], [0], [1], [0, 0, 1, 1], [], []>, transpose_lhs_hint = false} : vector<1000x128xf32>, vector<128x128xf32>, vector<1000x128xf32> -> vector<1000x128xf32>
    %get3A_35 = arith.constant 0 : index
    %get3A_36 = arith.constant 0 : index
    %get3A_37 = vector.load %arg9[%get3A_35, %get3A_36] : memref<1x128xf32, #tpu.memory_space<vmem>>, vector<1x128xf32>
    %add3A_38 = vector.broadcast %get3A_37 : vector<1x128xf32> to vector<1000x128xf32>
    %add3A_39 = arith.addf %dot_general3A_34, %add3A_38 : vector<1000x128xf32>
    %slice3A = vector.extract_strided_slice %add3A_9 {offsets = [0, 0], sizes = [1000, 64], strides = [1, 1]} : vector<1000x128xf32> to vector<1000x64xf32>
    %swap3A = arith.constant 0 : index
    %swap3A_40 = arith.constant 0 : index
    %swap3A_41 = vector.load %arg10[%swap3A, %swap3A_40] : memref<1000x64xf32, #tpu.memory_space<vmem>>, vector<1000x64xf32>
    tpu.vector_store %arg10[%swap3A, %swap3A_40], %slice3A {strides = array<i32>} : memref<1000x64xf32, #tpu.memory_space<vmem>>, vector<1000x64xf32>,
    %slice3A_42 = vector.extract_strided_slice %add3A_9 {offsets = [0, 64], sizes = [1000, 64], strides = [1, 1]} : vector<1000x128xf32> to vector<1000x64xf32>
    %swap3A_43 = arith.constant 0 : index
    %swap3A_44 = arith.constant 0 : index
    %swap3A_45 = vector.load %arg14[%swap3A_43, %swap3A_44] : memref<1000x64xf32, #tpu.memory_space<vmem>>, vector<1000x64xf32>
    tpu.vector_store %arg14[%swap3A_43, %swap3A_44], %slice3A_42 {strides = array<i32>} : memref<1000x64xf32, #tpu.memory_space<vmem>>, vector<1000x64xf32>,
    %slice3A_46 = vector.extract_strided_slice %add3A_19 {offsets = [0, 0], sizes = [1000, 64], strides = [1, 1]} : vector<1000x128xf32> to vector<1000x64xf32>
    %swap3A_47 = arith.constant 0 : index
    %swap3A_48 = arith.constant 0 : index
    %swap3A_49 = vector.load %arg11[%swap3A_47, %swap3A_48] : memref<1000x64xf32, #tpu.memory_space<vmem>>, vector<1000x64xf32>
    tpu.vector_store %arg11[%swap3A_47, %swap3A_48], %slice3A_46 {strides = array<i32>} : memref<1000x64xf32, #tpu.memory_space<vmem>>, vector<1000x64xf32>,
    %slice3A_50 = vector.extract_strided_slice %add3A_19 {offsets = [0, 64], sizes = [1000, 64], strides = [1, 1]} : vector<1000x128xf32> to vector<1000x64xf32>
    %swap3A_51 = arith.constant 0 : index
    %swap3A_52 = arith.constant 0 : index
    %swap3A_53 = vector.load %arg15[%swap3A_51, %swap3A_52] : memref<1000x64xf32, #tpu.memory_space<vmem>>, vector<1000x64xf32>
    tpu.vector_store %arg15[%swap3A_51, %swap3A_52], %slice3A_50 {strides = array<i32>} : memref<1000x64xf32, #tpu.memory_space<vmem>>, vector<1000x64xf32>,
    %slice3A_54 = vector.extract_strided_slice %add3A_29 {offsets = [0, 0], sizes = [1000, 64], strides = [1, 1]} : vector<1000x128xf32> to vector<1000x64xf32>
    %swap3A_55 = arith.constant 0 : index
    %swap3A_56 = arith.constant 0 : index
    %swap3A_57 = vector.load %arg12[%swap3A_55, %swap3A_56] : memref<1000x64xf32, #tpu.memory_space<vmem>>, vector<1000x64xf32>
    tpu.vector_store %arg12[%swap3A_55, %swap3A_56], %slice3A_54 {strides = array<i32>} : memref<1000x64xf32, #tpu.memory_space<vmem>>, vector<1000x64xf32>,
    %slice3A_58 = vector.extract_strided_slice %add3A_29 {offsets = [0, 64], sizes = [1000, 64], strides = [1, 1]} : vector<1000x128xf32> to vector<1000x64xf32>
    %swap3A_59 = arith.constant 0 : index
    %swap3A_60 = arith.constant 0 : index
    %swap3A_61 = vector.load %arg16[%swap3A_59, %swap3A_60] : memref<1000x64xf32, #tpu.memory_space<vmem>>, vector<1000x64xf32>
    tpu.vector_store %arg16[%swap3A_59, %swap3A_60], %slice3A_58 {strides = array<i32>} : memref<1000x64xf32, #tpu.memory_space<vmem>>, vector<1000x64xf32>,
    %slice3A_62 = vector.extract_strided_slice %add3A_39 {offsets = [0, 0], sizes = [1000, 64], strides = [1, 1]} : vector<1000x128xf32> to vector<1000x64xf32>
    %swap3A_63 = arith.constant 0 : index
    %swap3A_64 = arith.constant 0 : index
    %swap3A_65 = vector.load %arg13[%swap3A_63, %swap3A_64] : memref<1000x64xf32, #tpu.memory_space<vmem>>, vector<1000x64xf32>
    tpu.vector_store %arg13[%swap3A_63, %swap3A_64], %slice3A_62 {strides = array<i32>} : memref<1000x64xf32, #tpu.memory_space<vmem>>, vector<1000x64xf32>,
    %slice3A_66 = vector.extract_strided_slice %add3A_39 {offsets = [0, 64], sizes = [1000, 64], strides = [1, 1]} : vector<1000x128xf32> to vector<1000x64xf32>
    %swap3A_67 = arith.constant 0 : index
    %swap3A_68 = arith.constant 0 : index
    %swap3A_69 = vector.load %arg17[%swap3A_67, %swap3A_68] : memref<1000x64xf32, #tpu.memory_space<vmem>>, vector<1000x64xf32>
    tpu.vector_store %arg17[%swap3A_67, %swap3A_68], %slice3A_66 {strides = array<i32>} : memref<1000x64xf32, #tpu.memory_space<vmem>>, vector<1000x64xf32>,
    return
  }
  func.func @transform_0(%arg0: i32) -> (i32, i32) {
    %c0_i32 = arith.constant 0 : i32
    %c0_i32_0 = arith.constant 0 : i32
    return %arg0, %c0_i32 : i32, i32
  }
  func.func @transform_1(%arg0: i32) -> (i32, i32) {
    %c0_i32 = arith.constant 0 : i32
    %c0_i32_0 = arith.constant 0 : i32
    %c0_i32_1 = arith.constant 0 : i32
    return %c0_i32, %c0_i32_0 : i32, i32
  }
  func.func @transform_2(%arg0: i32) -> (i32, i32) {
    %c0_i32 = arith.constant 0 : i32
    %c0_i32_0 = arith.constant 0 : i32
    %c0_i32_1 = arith.constant 0 : i32
    return %c0_i32, %c0_i32_0 : i32, i32
  }
  func.func @transform_3(%arg0: i32) -> (i32, i32) {
    %c0_i32 = arith.constant 0 : i32
    %c0_i32_0 = arith.constant 0 : i32
    %c0_i32_1 = arith.constant 0 : i32
    return %c0_i32, %c0_i32_0 : i32, i32
  }
  func.func @transform_4(%arg0: i32) -> (i32, i32) {
    %c0_i32 = arith.constant 0 : i32
    %c0_i32_0 = arith.constant 0 : i32
    %c0_i32_1 = arith.constant 0 : i32
    return %c0_i32, %c0_i32_0 : i32, i32
  }
  func.func @transform_5(%arg0: i32) -> (i32, i32) {
    %c0_i32 = arith.constant 0 : i32
    %c0_i32_0 = arith.constant 0 : i32
    %c0_i32_1 = arith.constant 0 : i32
    return %c0_i32, %c0_i32_0 : i32, i32
  }
  func.func @transform_6(%arg0: i32) -> (i32, i32) {
    %c0_i32 = arith.constant 0 : i32
    %c0_i32_0 = arith.constant 0 : i32
    %c0_i32_1 = arith.constant 0 : i32
    return %c0_i32, %c0_i32_0 : i32, i32
  }
  func.func @transform_7(%arg0: i32) -> (i32, i32) {
    %c0_i32 = arith.constant 0 : i32
    %c0_i32_0 = arith.constant 0 : i32
    %c0_i32_1 = arith.constant 0 : i32
    return %c0_i32, %c0_i32_0 : i32, i32
  }
  func.func @transform_8(%arg0: i32) -> (i32, i32) {
    %c0_i32 = arith.constant 0 : i32
    %c0_i32_0 = arith.constant 0 : i32
    %c0_i32_1 = arith.constant 0 : i32
    return %c0_i32, %c0_i32_0 : i32, i32
  }
  func.func @transform_9(%arg0: i32) -> (i32, i32) {
    %c0_i32 = arith.constant 0 : i32
    %c0_i32_0 = arith.constant 0 : i32
    return %arg0, %c0_i32 : i32, i32
  }
  func.func @transform_10(%arg0: i32) -> (i32, i32) {
    %c0_i32 = arith.constant 0 : i32
    %c0_i32_0 = arith.constant 0 : i32
    return %arg0, %c0_i32 : i32, i32
  }
  func.func @transform_11(%arg0: i32) -> (i32, i32) {
    %c0_i32 = arith.constant 0 : i32
    %c0_i32_0 = arith.constant 0 : i32
    return %arg0, %c0_i32 : i32, i32
  }
  func.func @transform_12(%arg0: i32) -> (i32, i32) {
    %c0_i32 = arith.constant 0 : i32
    %c0_i32_0 = arith.constant 0 : i32
    return %arg0, %c0_i32 : i32, i32
  }
  func.func @transform_13(%arg0: i32) -> (i32, i32) {
    %c0_i32 = arith.constant 0 : i32
    %c0_i32_0 = arith.constant 0 : i32
    return %arg0, %c0_i32 : i32, i32
  }
  func.func @transform_14(%arg0: i32) -> (i32, i32) {
    %c0_i32 = arith.constant 0 : i32
    %c0_i32_0 = arith.constant 0 : i32
    return %arg0, %c0_i32 : i32, i32
  }
  func.func @transform_15(%arg0: i32) -> (i32, i32) {
    %c0_i32 = arith.constant 0 : i32
    %c0_i32_0 = arith.constant 0 : i32
    return %arg0, %c0_i32 : i32, i32
  }
  func.func @transform_16(%arg0: i32) -> (i32, i32) {
    %c0_i32 = arith.constant 0 : i32
    %c0_i32_0 = arith.constant 0 : i32
    return %arg0, %c0_i32 : i32, i32
  }
}

</mosaic_0001>

<sc_bundles>
// kernel: kernel.4.cloned.1.call-start
scs
__scs_entry_jumppad:
0x0: {  	(pc) =	sbr.rel $0x88, $3  }
0x1: {  	(tag) =	ssettag $0x0;
	lr =	simm.s32 $0x1  }
0x2: {  	[smem:$0x3F97] =	sst lr;
	_ =	strace $0xD0000000  }
0x3: {  	_ = 	snop  }
0x4: {  	_ = 	snop  }
0x5: {  	_ = 	snop  }
0x6: {  	_ = 	snop  }
0x7: {  	_ = 	snop  }
__scs_overlays_trampoline_lowered:
0x8: {  	[smem:$0x3FA6] =	sst s0  }
0x9: {  	[smem:$0x3FA7] =	sst s1  }
0xa: {  	[smem:$0x3FA8] =	sst s2  }
0xb: {  	[smem:$0x3FA9] =	sst s3  }
0xc: {  	[smem:$0x3FAA] =	sst s4  }
0xd: {  	[smem:$0x3FAB] =	sst s5  }
0xe: {  	[smem:$0x3FAC] =	sst s6  }
0xf: {  	[smem:$0x3FAD] =	sst s7  }
0x10: {  	[smem:$0x3FAE] =	sst s8  }
0x11: {  	[smem:$0x3FAF] =	sst s9;
	s0 =	simm.s32 @!p0 $0x0  }
0x12: {  	s1 =	sld [smem:$0x3F95];
	s0 =	simm.s32 @p0 $0x1  }
0x13: {  	[smem:$0x3FB0] =	sst s0;
	s0 =	simm.s32 @!p1 $0x0  }
0x14: {  	s2 =	sld [smem:$0x3F94];
	s0 =	simm.s32 @p1 $0x1  }
0x15: {  	[smem:$0x3FB1] =	sst s0;
	s0 =	simm.s32 @!p2 $0x0  }
0x16: {  	s3 =	sld [smem:$0x3FDB];
	s0 =	simm.s32 @p2 $0x1  }
0x17: {  	s4 =	simm.s32 $0x1BF5;
	[smem:$0x3FB3] =	sst s0  }
0x18: {  	s0 =	sld [smem:$0x3F96];
	_ =	swait.ge [sflag:s4], $0x0  }
0x19: {  	s7 =	sld [smem:$0x3F97]  }
0x1a: {  	s8 =	sadd.s32 $0xFFFFE003, lr  }
0x1b: {  	s9 =	sadd.s32 $0xFFFFFEF7, lr;
	s5 =	simm.s32 $0xFFFFFFFF;
	p2 =	slt.u32 s8, $0xFFFFF086  }
0x1c: {  	p1 =	slt.u32 s9, $0xF7A;
	s5 =	simm.s32 @!p2 $0x0  }
0x1d: {  	s5 =	simm.s32 @p1 $0x1;
	p0 =	seq.s32 s7, s2  }
0x1e: {  	s7 =	smul.u32 @!p0 $0xF7A, s2;
	p2 =	seq.s32 @!p0 s5, $0x0  }
0x1f: {  	s9 =	smul.u32 $0xF7A, s1;
	s8 =	simm.s32 @!p0 $0x1BF5;
	p2 =	por !p2, p0  }
0x20: {  	[sflag:s8] =	ssyncset.s32 @!p0 $0xFFFFF086;
	s6 =	sadd.s32 @!p0 s3, s7;
	s7 =	simm.s32 @!p0 $0x108  }
0x21: {  	s3 =	sadd.s32 s3, s9;
	s6 =	sadd.s32 @!p0 $0x88, s6;
	s7 =	simm.s32 @p2 $0x1082  }
0x22: {  	[simem:s7], [sflag:s8] =	dma.local @!p0 [hbm:s6], $0xF7A  }
0x23: {  	s9 =	sor.u32 $0xD0000000, s2;
	s6 =	simm.s32 $0x108;
	_ =	swait.ge @!p0 [sflag:s8], $0x0  }
0x24: {  	s3 =	sadd.s32 $0x88, s3;
	s6 =	simm.s32 @!p1 $0x1082;
	[sflag:s4] =	ssyncset.s32 $0xFFFFF086  }
0x25: {  	[simem:s6], [sflag:s4] =	dma.local [hbm:s3], $0xF7A  }
0x26: {  	[smem:$0x3F97] =	sst s1;
	(tag) =	ssettag s2;
	_ =	strace s9  }
0x27: {  	s1 =	sld [smem:$0x3FA7]  }
0x28: {  	s2 =	sld [smem:$0x3FA8]  }
0x29: {  	s4 =	sld [smem:$0x3FAA]  }
0x2a: {  	p0 =	seq.s32 s5, $0x0;
	s5 =	sld [smem:$0x3FAB]  }
0x2b: {  	s6 =	sld [smem:$0x3FAC]  }
0x2c: {  	s7 =	sld [smem:$0x3FAD]  }
0x2d: {  	s3 =	simm.s32 $0x108;
	s8 =	sld [smem:$0x3FAE]  }
0x2e: {  	s3 =	simm.s32 @!p0 $0x1082;
	s9 =	sld [smem:$0x3FAF]  }
0x2f: {  	lr =	sadd.s32 s0, s3;
	s0 =	sld [smem:$0x3FA6]  }
0x30: {  	s3 =	sld [smem:$0x3FA9]  }
0x31: {  	[smem:$0x3FB2] =	sst s10  }
0x32: {  	s10 =	sld [smem:$0x3FB0];
	_ =	sdelay $0x3  }
0x33: {  	p0 =	seq.s32 s10, $0x1;
	s10 =	sld [smem:$0x3FB2];
	_ =	sdelay $0x3  }
0x34: {  	[smem:$0x3FB2] =	sst s10  }
0x35: {  	s10 =	sld [smem:$0x3FB1];
	_ =	sdelay $0x3  }
0x36: {  	p1 =	seq.s32 s10, $0x1;
	s10 =	sld [smem:$0x3FB2];
	_ =	sdelay $0x3  }
0x37: {  	[smem:$0x3FB2] =	sst s10  }
0x38: {  	s10 =	sld [smem:$0x3FB3]  }
0x39: {  	_ = 	snop;
	(pc) =	sbr.ind lr, $3  }
0x3a: {  	_ = 	snop  }
0x3b: {  	_ = 	snop  }
0x3c: {  	p2 =	seq.s32 s10, $0x1;
	s10 =	sld [smem:$0x3FB2]  }
0x3d: {  	_ =	shalt  }
0x3e: {  	_ =	shalt  }
0x3f: {  	_ =	shalt  }
0x40: {  	_ =	shalt  }
0x41: {  	_ =	shalt  }
0x42: {  	_ =	shalt  }
0x43: {  	_ =	shalt  }
0x44: {  	_ =	shalt  }
0x45: {  	_ =	shalt  }
0x46: {  	_ =	shalt  }
0x47: {  	_ =	shalt  }
0x48: {  	_ =	shalt  }
0x49: {  	_ =	shalt  }
0x4a: {  	_ =	shalt  }
0x4b: {  	_ =	shalt  }
0x4c: {  	_ =	shalt  }
0x4d: {  	_ =	shalt  }
0x4e: {  	_ =	shalt  }
0x4f: {  	_ =	shalt  }
0x50: {  	_ =	shalt  }
0x51: {  	_ =	shalt  }
0x52: {  	_ =	shalt  }
0x53: {  	_ =	shalt  }
0x54: {  	_ =	shalt  }
0x55: {  	_ =	shalt  }
0x56: {  	_ =	shalt  }
0x57: {  	_ =	shalt  }
0x58: {  	_ =	shalt  }
0x59: {  	_ =	shalt  }
0x5a: {  	_ =	shalt  }
0x5b: {  	_ =	shalt  }
0x5c: {  	_ =	shalt  }
0x5d: {  	_ =	shalt  }
0x5e: {  	_ =	shalt  }
0x5f: {  	_ =	shalt  }
0x60: {  	_ =	shalt  }
0x61: {  	_ =	shalt  }
0x62: {  	_ =	shalt  }
0x63: {  	_ =	shalt  }
0x64: {  	_ =	shalt  }
0x65: {  	_ =	shalt  }
0x66: {  	_ =	shalt  }
0x67: {  	_ =	shalt  }
0x68: {  	_ =	shalt  }
0x69: {  	_ =	shalt  }
0x6a: {  	_ =	shalt  }
0x6b: {  	_ =	shalt  }
0x6c: {  	_ =	shalt  }
0x6d: {  	_ =	shalt  }
0x6e: {  	_ =	shalt  }
0x6f: {  	_ =	shalt  }
0x70: {  	_ =	shalt  }
0x71: {  	_ =	shalt  }
0x72: {  	_ =	shalt  }
0x73: {  	_ =	shalt  }
0x74: {  	_ =	shalt  }
0x75: {  	_ =	shalt  }
0x76: {  	_ =	shalt  }
0x77: {  	_ =	shalt  }
0x78: {  	_ =	shalt  }
0x79: {  	_ =	shalt  }
0x7a: {  	_ =	shalt  }
0x7b: {  	_ =	shalt  }
0x7c: {  	_ =	shalt  }
0x7d: {  	_ =	shalt  }
0x7e: {  	_ =	shalt  }
0x7f: {  	_ =	shalt  }
0x80: {  	_ =	shalt  }
0x81: {  	_ =	shalt  }
0x82: {  	_ =	shalt  }
0x83: {  	_ =	shalt  }
0x84: {  	_ =	shalt  }
0x85: {  	_ =	shalt  }
0x86: {  	_ =	shalt  }
0x87: {  	_ =	shalt  }
.Lfunc_end0:
.L_simem_size_0:
called_computation_lowered:
.L_overlay_start_0:
0x88: {  	s2 =	sld [smem:$0x3FD9]  }
0x89: {  	s3 =	sld [smem:$0x3FFE];
	_ =	sdelay $0x1  }
0x8a: {  	s1 =	srdreg.scid  }
0x8b: {  	s0 =	sand.u32 $0x1, s1  }
0x8c: {  	s17 =	sshll.u32 s0, $0xA;
	s2 =	sadd.s32 s3, s2  }
0x8d: {  	s2 =	sadd.s32 s2, s17  }
0x8e: {  	[smem:$0x3FBE] =	sst s2  }
0x8f: {  	_ = 	snop  }
0x90: {  	s2 =	sld [smem:$0x3FD0];
	(tm) =	ssettm $0x1  }
0x91: {  	s18 =	sld [smem:$0x3FFB];
	_ =	sdelay $0x3  }
0x92: {  	_ =	strace s18  }
0x93: {  	s3 =	sld [smem:$0x3FFC];
	_ =	sdelay $0x3  }
0x94: {  	_ =	strace s3  }
0x95: {  	s3 =	sld [smem:$0x3FFD];
	_ =	sdelay $0x3  }
0x96: {  	_ =	strace s3  }
0x97: {  	_ =	strace $0x8FFFFFFF  }
0x98: {  	s19 =	sld [smem:$0x3FDB];
	_ =	sdelay $0x1  }
0x99: {  	s4 =	simm.s32 $_scs_section_size  }
0x9a: {  	s5 =	simm.s32 $_size__tile_overlayer_lowered;
	s6 =	simm.s32 $_tile_overlayer_lowered  }
0x9b: {  	s22 =	simm.s32 $0x1BFF;
	s21 =	sshll.u32 s6, $0x1;
	s3 =	sadd.s32 s4, s19  }
0x9c: {  	s7 =	simm.s32 $0x0;
	s20 =	sshll.u32 s5, $0x1;
	s5 =	sadd.s32 s21, s3  }
0x9d: {  	[timem:s7], [sflag:s22] =	dma.local [hbm:s5], s20  }
0x9e: {  	_ =	swait.ge [sflag:s22], s20  }
0x9f: {  	s4 =	ssub.s32 $0x0, s20;
	[sflag:s22] =	ssyncset.done $0x0  }
0xa0: {  	[sflag:s22] =	ssyncadd.s32 s4;
	_ =	sdelay $0x1  }
0xa1: {  	s23 =	simm.s32 $0x1B8B  }
0xa2: {  	_ =	swait.ge [sflag:s23], $0x1  }
0xa3: {  	[sflag:s23] =	ssyncset.done $0x0  }
0xa4: {  	s25 =	simm.s32 $0x1B8E;
	s24 =	sld [smem:$0x3FFE];
	[sflag:s23] =	ssyncadd.s32 $0xFFFFFFFF  }
0xa5: {  	s26 =	simm.s32 $execute0_lowered;
	[smem:$0x3FD2] =	sst s25  }
0xa6: {  	s5 =	sshll.u32 s26, $0x1;
	_ =	strace $0x80000046;
	[dreg:$0x1] =	wrdreg $0xFFFFFFFF  }
0xa7: {  	s28 =	simm.s32 $_size_execute0_lowered;
	s3 =	sadd.s32 s3, s5;
	[dreg:$0x0] =	wrdreg $0x0  }
0xa8: {  	s5 =	sshll.u32 s28, $0x1;
	[dreg:$0x2] =	wrdreg s3  }
0xa9: {  	[dreg:$0x3] =	wrdreg s5  }
0xaa: {  	[dreg:$0x4] =	wrdreg $0xC0  }
0xab: {  	_ =	task [dreg:s7], $0x5FFFF  }
0xac: {  	[dreg:$0x1] =	wrdreg $0xFFFFFFFF  }
0xad: {  	[dreg:$0x0] =	wrdreg $0x60  }
0xae: {  	[dreg:$0x2] =	wrdreg s24  }
0xaf: {  	[dreg:$0x3] =	wrdreg s2  }
0xb0: {  	[dreg:$0x4] =	wrdreg $0x0  }
0xb1: {  	[dreg:$0x5] =	wrdreg $0x9  }
0xb2: {  	_ =	task.clear_ibuf [dreg:s7], $0x6FFFF;
	_ =	strace $0x90000046  }
0xb3: {  	s29 =	simm.s32 $0x9;
	_ =	strace $0x80000048  }
0xb4: {  	_ =	swait.ge [sflag:s29], $0x1  }
0xb5: {  	[sflag:s29] =	ssyncadd.s32 $0xFFFFFFFF  }
0xb6: {  	_ =	strace $0x90000048  }
0xb7: {  	_ =	sfence  }
0xb8: {  	s30 =	sld [smem:$0x0];
	_ =	sdelay $0x2  }
0xb9: {  	s31 =	sshll.u32 s1, $0xD;
	s1 =	sshrl.u32 s1, $0x2  }
0xba: {  	s3 =	sand.u32 $0x4000, s31;
	s1 =	sadd.s32 s1, s30  }
0xbb: {  	s0 =	sor.u32 s3, s0;
	s1 =	sshll.u32 s1, $0x11  }
0xbc: {  	s0 =	sor.u32 s1, s0  }
0xbd: {  	s0 =	sadd.s32 $0x8F2B, s0  }
0xbe: {  	[sflag:s0] =	ssyncadd.remote.s32 $0x1  }
0xbf: {  	_ =	sfence.sel $0xFFFF  }
0xc0: {  	[dreg:$0x0] =	wrdreg $0xFFFFFFFF;
	(pc) =	sbr.abs _section_cstart, $3  }
0xc1: {  	[dreg:$0x1] =	wrdreg $0xFFFFFFFF  }
0xc2: {  	_ =	task.clear_ibuf [dreg:s7], $0x2FFFF;
	_ =	strace $0x9FFFFFFF  }
0xc3: {  	(tm) =	ssettm $0x7FFFFFFF  }
tec
execute0_lowered:
.L_overlay_start_1:
0x0: {  	(tag) =	ssettag $0x1  }
0x1: {  	s0 =	rddreg [dreg:$0x0]  }
0x2: {  	s14 =	stileid.u32;
	s1 =	srdreg.scid  }
0x3: {  	s2 =	simm.s32 $0x0;
	s1 =	sand.u32 $0x1, s1;
	s4 =	smul.u32 $0x1400, s14  }
0x4: {  	[smem:$0x7FF] =	sst s2;
	s26 =	sadd.s32 $0x51200, s0;
	s3 =	ssub.s32 $0x2, s1  }
0x5: {  	s5 =	sadd.s32 $0x2A00, s0;
	s6 =	sshrl.u32 s3, $0x1;
	s7 =	sadd.s32 $0x8C000, s4  }
0x6: {  	s8 =	sshrl.u32 s4, $0x3;
	s15 =	sadd.s32 $0x14000, s4;
	s17 =	sadd.s32 $0x3C000, s4  }
0x7: {  	s19 =	sadd.s32 $0x50000, s4;
	s20 =	sshrl.u32 s7, $0x3;
	s21 =	sadd.s32 s26, s8  }
0x8: {  	s6 =	ssub.s32 s3, s6;
	s9 =	sadd.s32 s26, s20;
	[dreg:$0x6] =	wrdreg s21  }
0x9: {  	s10 =	sshrl.u32 s17, $0x3;
	s3 =	sadd.s32 s5, s20;
	[dreg:$0x4] =	wrdreg s9  }
0xa: {  	s24 =	sshrl.u32 s19, $0x3;
	s23 =	sadd.s32 s26, s10;
	[dreg:$0x5] =	wrdreg s3  }
0xb: {  	s16 =	sadd.s32 $0x28000, s4;
	s18 =	sadd.s32 s26, s24;
	[dreg:$0xc] =	wrdreg s23  }
0xc: {  	s20 =	sadd.s32 $0x64000, s4;
	s10 =	sadd.s32 s5, s10;
	[dreg:$0x10] =	wrdreg s18  }
0xd: {  	s21 =	sadd.s32 $0x78000, s4;
	s3 =	sshrl.u32 s15, $0x3;
	[dreg:$0x16] =	wrdreg s10  }
0xe: {  	s9 =	sshrl.u32 s16, $0x3;
	s23 =	rddreg [dreg:$0x2];
	s11 =	sadd.s32 s26, s3  }
0xf: {  	s12 =	sshrl.u32 s20, $0x3;
	s22 =	sadd.s32 s26, s9;
	[dreg:$0xa] =	wrdreg s11  }
0x10: {  	s13 =	sshrl.u32 s21, $0x3;
	s25 =	sadd.s32 s26, s12;
	[dreg:$0xb] =	wrdreg s22  }
0x11: {  	s2 =	sadd.s32 s26, s13;
	[dreg:$0x11] =	wrdreg s25  }
0x12: {  	s26 =	sadd.s32 s5, s8;
	[dreg:$0x12] =	wrdreg s2  }
0x13: {  	s8 =	sadd.s32 s5, s3;
	[dreg:$0x13] =	wrdreg s26  }
0x14: {  	[dreg:$0x14] =	wrdreg s8  }
0x15: {  	s9 =	sadd.s32 s5, s9;
	s8 =	rddreg [dreg:$0x1]  }
0x16: {  	s18 =	smul.u32 $0x9C4, s14;
	[dreg:$0x15] =	wrdreg s9;
	s11 =	sadd.s32 s5, s24  }
0x17: {  	s22 =	sadd.s32 s5, s12;
	[dreg:$0x17] =	wrdreg s11  }
0x18: {  	s24 =	sadd.s32 s5, s13;
	s25 =	sadd.s32 s18, s0;
	[dreg:$0x18] =	wrdreg s22  }
0x19: {  	p0 =	seq.s32 s1, $0x1;
	[dreg:$0x19] =	wrdreg s24;
	s26 =	sadd.s32 $0xB2E00, s25  }
0x1a: {  	s5 =	sadd.s32 $0x64C00, s25;
	_ =	strace $0x80000047;
	[dreg:$0x1b] =	wrdreg s26  }
0x1b: {  	s1 =	smul.u32 $0x9C400, s1;
	s10 =	sadd.s32 s7, s23;
	[dreg:$0x1c] =	wrdreg s5  }
0x1c: {  	[dreg:$0x1d] =	wrdreg s10  }
0x1d: {  	s11 =	smax.u32 s6, $0x1;
	[dreg:$0x1a] =	wrdreg s1  }
0x1e: {  	s29 =	sadd.s32 $0x8BA00, s0;
	s13 =	sadd.s32 s4, s23;
	[dreg:$0x1f] =	wrdreg s11  }
0x1f: {  	s30 =	sadd.s32 $0x78000, s0;
	s31 =	sadd.s32 $0x9F400, s0;
	[smem:$0x7F6] =	sst s13  }
0x20: {  	p1 =	sgt.u32 s14, $0xC;
	s14 =	simm.s32 $0x17480;
	[dreg:$0x7] =	wrdreg s15  }
0x21: {  	s3 =	sadd.s32 $0x16400, s0;
	s22 =	sadd.s32 s16, s23;
	[dreg:$0x8] =	wrdreg s16  }
0x22: {  	s28 =	sadd.s32 s15, s23;
	s18 =	sadd.s32 $0x3D800, s0;
	[smem:$0x7F8] =	sst s22  }
0x23: {  	s2 =	sadd.s32 $0x29E00, s0;
	s24 =	sadd.s32 s17, s23;
	[dreg:$0x9] =	wrdreg s17  }
0x24: {  	s9 =	sadd.s32 s1, s7;
	s7 =	simm.s32 $0x18880;
	[smem:$0x7F9] =	sst s24  }
0x25: {  	s0 =	sshrl.u32 s9, $0x3;
	s25 =	sadd.s32 s19, s23;
	[dreg:$0xd] =	wrdreg s19  }
0x26: {  	s9 =	simm.s32 $0x14C80;
	s6 =	simm.s32 $0x4;
	[smem:$0x7FA] =	sst s25  }
0x27: {  	s1 =	sadd.s32 s1, s4;
	s0 =	sadd.s32 s8, s0;
	[dreg:$0xe] =	wrdreg s20  }
0x28: {  	s26 =	sadd.s32 s20, s23;
	[dreg:$0xf] =	wrdreg s21;
	s24 =	sadd.s32 s21, s23  }
0x29: {  	s25 =	simm.s32 $0x9C40;
	s19 =	simm.s32 $0xEA60;
	s4 =	simm.s32 $0x50  }
0x2a: {  	s10 =	simm.s32 $0x16080;
	s15 =	simm.s32 $0x19C80;
	s16 =	simm.s32 $0x1  }
0x2b: {  	s11 =	simm.s32 $0x1B080;
	s13 =	simm.s32 $0x1D880;
	s5 =	simm.s32 $0x2  }
.Ltmp0:
0x2c: {  	s17 =	simm.s32 $0x6;
	[smem:$0x7FC] =	sst s28;
	(pc) =	sbr.rel .LBB2_1-.Ltmp0, $4  }
0x2d: {  	s22 =	simm.s32 $0x0;
	[dreg:$0x1e] =	wrdreg s0;
	s12 =	sshrl.u32 s1, $0x3  }
0x2e: {  	[smem:$0x7FB] =	sst s26;
	s26 =	simm.s32 $0x3;
	s1 =	simm.s32 $0x5  }
0x2f: {  	[smem:$0x7FD] =	sst s24;
	s0 =	sadd.s32 s8, s12;
	s8 =	simm.s32 $0x13880  }
0x30: {  	s12 =	simm.s32 $0x1C480;
	[smem:$0x7F7] =	sst s0;
	s0 =	simm.s32 $0x7  }
.LBB2_7:
0x31: {  	[spmem:s23] =	stream.indirect.scatter.add.f32 [tilespmem:s10], [sflag:$0x4], $0x40, s20, s4, $0xb8;
	[tilespmem:$0x1EC80] =	vst v63  }
0x32: {  	s20 =	smov.u32 s18  }
0x33: {  	s21 =	smov.u32 s2;
	s24 =	smov.u32 s3;
	s22 =	sld [smem:$0x7F2]  }
.LBB2_8:
0x34: {  	_ =	swait.ge [sflag:s17], $0x1400  }
0x35: {  	[sflag:s17] =	ssyncset.done $0x0  }
0x36: {  	s19 =	simm.s32 $0x137E0;
	[sflag:s17] =	ssyncadd.s32 $0xFFFFEC00  }
0x37: {  	[tilespmem:s11], [sflag:$0x3] =	stream.indirect.gather [hbm4b:s20+s4], $0x40, s19, s4, $0xb8;
	[tilespmem:$0x1EC80] =	vst v63  }
0x38: {  	s25 =	simm.s32 $0xE9C0  }
0x39: {  	[tilespmem:s12], [sflag:$0x3] =	stream.indirect.gather [hbm4b:s21+s4], $0x40, s25, s4, $0xb8;
	[tilespmem:$0x1EC80] =	vst v63  }
0x3a: {  	_ = 	snop  }
0x3b: {  	[tilespmem:s13], [sflag:$0x3] =	stream.indirect.gather [hbm4b:s24+s4], $0x40, s25, s4, $0xb8;
	[tilespmem:$0x1EC80] =	vst v63  }
0x3c: {  	_ =	swait.ge [sflag:s5], $0x1400  }
0x3d: {  	[sflag:s5] =	ssyncset.done $0x0  }
0x3e: {  	[sflag:s5] =	ssyncadd.s32 $0xFFFFEC00  }
0x3f: {  	_ =	swait.ge [sflag:s5], $0x1400  }
0x40: {  	[sflag:s5] =	ssyncset.done $0x0  }
0x41: {  	[sflag:s5] =	ssyncadd.s32 $0xFFFFEC00  }
0x42: {  	_ =	swait.ge [sflag:s5], $0x1400  }
0x43: {  	[sflag:s5] =	ssyncset.done $0x0  }
0x44: {  	s0 =	simm.s32 $0x13790;
	[sflag:s5] =	ssyncadd.s32 $0xFFFFEC00  }
0x45: {  	[spmem:s23] =	stream.indirect.scatter.add.f32 [tilespmem:s15], [sflag:$0x5], $0x40, s0, s4, $0xb8;
	[tilespmem:$0x1EC80] =	vst v63  }
0x46: {  	_ =	swait.ge [sflag:s6], $0x1400  }
0x47: {  	[sflag:s6] =	ssyncset.done $0x0  }
0x48: {  	s25 =	simm.s32 $0x13830;
	[sflag:s6] =	ssyncadd.s32 $0xFFFFEC00  }
0x49: {  	[tilespmem:s8], [sflag:$0x1] =	stream.indirect.gather [hbm4b:s20+s4], $0x40, s25, s4, $0xb8;
	[tilespmem:$0x1EC80] =	vst v63  }
0x4a: {  	s0 =	simm.s32 $0xEA10  }
0x4b: {  	[tilespmem:s9], [sflag:$0x1] =	stream.indirect.gather [hbm4b:s21+s4], $0x40, s0, s4, $0xb8;
	[tilespmem:$0x1EC80] =	vst v63  }
0x4c: {  	_ = 	snop  }
0x4d: {  	[tilespmem:s10], [sflag:$0x1] =	stream.indirect.gather [hbm4b:s24+s4], $0x40, s0, s4, $0xb8;
	[tilespmem:$0x1EC80] =	vst v63  }
0x4e: {  	_ =	swait.ge [sflag:s26], $0x1400  }
0x4f: {  	[sflag:s26] =	ssyncset.done $0x0  }
0x50: {  	[sflag:s26] =	ssyncadd.s32 $0xFFFFEC00  }
0x51: {  	_ =	swait.ge [sflag:s26], $0x1400  }
0x52: {  	[sflag:s26] =	ssyncset.done $0x0  }
0x53: {  	[sflag:s26] =	ssyncadd.s32 $0xFFFFEC00  }
0x54: {  	_ =	swait.ge [sflag:s26], $0x1400  }
0x55: {  	[sflag:s26] =	ssyncset.done $0x0  }
0x56: {  	[sflag:s26] =	ssyncadd.s32 $0xFFFFEC00  }
0x57: {  	[spmem:s23] =	stream.indirect.scatter.add.f32 [tilespmem:s13], [sflag:$0x6], $0x40, s19, s4, $0xb8;
	[tilespmem:$0x1EC80] =	vst v63  }
0x58: {  	_ =	swait.ge [sflag:s1], $0x1400  }
0x59: {  	[sflag:s1] =	ssyncset.done $0x0  }
0x5a: {  	[sflag:s1] =	ssyncadd.s32 $0xFFFFEC00  }
0x5b: {  	_ =	swait.ge [sflag:s16], $0x1400  }
0x5c: {  	[sflag:s16] =	ssyncset.done $0x0  }
0x5d: {  	[sflag:s16] =	ssyncadd.s32 $0xFFFFEC00  }
0x5e: {  	_ =	swait.ge [sflag:s16], $0x1400  }
0x5f: {  	[sflag:s16] =	ssyncset.done $0x0  }
0x60: {  	[sflag:s16] =	ssyncadd.s32 $0xFFFFEC00  }
0x61: {  	_ =	swait.ge [sflag:s16], $0x1400  }
0x62: {  	[sflag:s16] =	ssyncset.done $0x0  }
0x63: {  	[sflag:s16] =	ssyncadd.s32 $0xFFFFEC00  }
0x64: {  	[spmem:s23] =	stream.indirect.scatter.add.f32 [tilespmem:s10], [sflag:$0x4], $0x40, s25, s4, $0xb8;
	[tilespmem:$0x1EC80] =	vst v63  }
0x65: {  	_ =	swait.ge [sflag:s17], $0x1400  }
0x66: {  	[sflag:s17] =	ssyncset.done $0x0  }
0x67: {  	[sflag:s17] =	ssyncadd.s32 $0xFFFFEC00  }
0x68: {  	_ =	swait.ge [sflag:s6], $0x1400  }
0x69: {  	[sflag:s6] =	ssyncset.done $0x0  }
0x6a: {  	[sflag:s6] =	ssyncadd.s32 $0xFFFFEC00  }
0x6b: {  	[bflag:$0x0] =	sbarrier.arrive $0xFFFF  }
0x6c: {  	s19 =	sld [smem:$0x7F7]  }
0x6d: {  	s0 =	sld [smem:$0x7F4]  }
0x6e: {  	s21 =	sld [smem:$0x7F5];
	_ =	sdelay $0x2  }
0x6f: {  	[hbm:s19], [sflag:s0] =	dma.local [spmem:s21], $0x280  }
0x70: {  	s19 =	simm.s32 $0x7  }
0x71: {  	_ =	swait.ge [sflag:s19], $0x280  }
0x72: {  	s24 =	rddreg [dreg:$0x7]  }
0x73: {  	s25 =	rddreg [dreg:$0x1a]  }
0x74: {  	[sflag:s19] =	ssyncset.done $0x0;
	s28 =	sld [smem:$0x7FC]  }
0x75: {  	s20 =	sadd.s32 s25, s24;
	[sflag:s19] =	ssyncadd.s32 $0xFFFFFD80  }
0x76: {  	s20 =	sshrl.u32 s20, $0x3;
	s24 =	rddreg [dreg:$0x1]  }
0x77: {  	s20 =	sadd.s32 s24, s20;
	s21 =	sshrl.u32 s28, $0x3  }
0x78: {  	[hbm:s20], [sflag:s0] =	dma.local [spmem:s21], $0x280  }
0x79: {  	_ =	swait.ge [sflag:s19], $0x280  }
0x7a: {  	s21 =	rddreg [dreg:$0x8]  }
0x7b: {  	s20 =	sadd.s32 s25, s21;
	s21 =	sld [smem:$0x7F8];
	_ =	sdelay $0x1  }
0x7c: {  	[sflag:s19] =	ssyncset.done $0x0;
	s20 =	sshrl.u32 s20, $0x3  }
0x7d: {  	[sflag:s19] =	ssyncadd.s32 $0xFFFFFD80;
	s20 =	sadd.s32 s24, s20;
	s21 =	sshrl.u32 s21, $0x3  }
0x7e: {  	[hbm:s20], [sflag:s0] =	dma.local [spmem:s21], $0x280  }
0x7f: {  	_ =	swait.ge [sflag:s19], $0x280  }
0x80: {  	s21 =	rddreg [dreg:$0x9]  }
0x81: {  	s20 =	sadd.s32 s25, s21;
	s21 =	sld [smem:$0x7F9];
	_ =	sdelay $0x1  }
0x82: {  	[sflag:s19] =	ssyncset.done $0x0;
	s20 =	sshrl.u32 s20, $0x3  }
0x83: {  	[sflag:s19] =	ssyncadd.s32 $0xFFFFFD80;
	s20 =	sadd.s32 s24, s20;
	s21 =	sshrl.u32 s21, $0x3  }
0x84: {  	[hbm:s20], [sflag:s0] =	dma.local [spmem:s21], $0x280  }
0x85: {  	_ =	swait.ge [sflag:s19], $0x280  }
0x86: {  	s21 =	rddreg [dreg:$0xd]  }
0x87: {  	s20 =	sadd.s32 s25, s21;
	s21 =	sld [smem:$0x7FA];
	_ =	sdelay $0x1  }
0x88: {  	[sflag:s19] =	ssyncset.done $0x0;
	s20 =	sshrl.u32 s20, $0x3  }
0x89: {  	[sflag:s19] =	ssyncadd.s32 $0xFFFFFD80;
	s20 =	sadd.s32 s24, s20;
	s21 =	sshrl.u32 s21, $0x3  }
0x8a: {  	[hbm:s20], [sflag:s0] =	dma.local [spmem:s21], $0x280  }
0x8b: {  	_ =	swait.ge [sflag:s19], $0x280  }
0x8c: {  	s21 =	rddreg [dreg:$0xe]  }
0x8d: {  	s20 =	sadd.s32 s25, s21;
	s21 =	sld [smem:$0x7FB];
	_ =	sdelay $0x1  }
0x8e: {  	[sflag:s19] =	ssyncset.done $0x0;
	s20 =	sshrl.u32 s20, $0x3  }
0x8f: {  	[sflag:s19] =	ssyncadd.s32 $0xFFFFFD80;
	s20 =	sadd.s32 s24, s20;
	s21 =	sshrl.u32 s21, $0x3  }
0x90: {  	[hbm:s20], [sflag:s0] =	dma.local [spmem:s21], $0x280  }
0x91: {  	_ =	swait.ge [sflag:s19], $0x280  }
0x92: {  	s21 =	rddreg [dreg:$0xf]  }
0x93: {  	s20 =	sadd.s32 s25, s21  }
0x94: {  	s20 =	sshrl.u32 s20, $0x3  }
0x95: {  	s20 =	sadd.s32 s24, s20;
	s24 =	sld [smem:$0x7FD];
	_ =	sdelay $0x1  }
0x96: {  	[sflag:s19] =	ssyncset.done $0x0  }
0x97: {  	[sflag:s19] =	ssyncadd.s32 $0xFFFFFD80;
	s25 =	sshrl.u32 s24, $0x3  }
0x98: {  	[hbm:s20], [sflag:s0] =	dma.local [spmem:s25], $0x280  }
0x99: {  	_ =	swait.ge [sflag:s19], $0x280  }
0x9a: {  	[sflag:s19] =	ssyncset.done $0x0  }
0x9b: {  	[sflag:s19] =	ssyncadd.s32 $0xFFFFFD80;
	s19 =	sld [smem:$0x7F3];
	_ =	sdelay $0x1  }
0x9c: {  	s20 =	rddreg [dreg:$0x1e]  }
0x9d: {  	[hbm:s20], [sflag:s0] =	dma.local @!p1 [spmem:s19], $0x280  }
0x9e: {  	s20 =	simm.s32 @!p1 $0x7  }
0x9f: {  	_ =	swait.ge @!p1 [sflag:s20], $0x280  }
0xa0: {  	s22 =	sadd.s32 $0x1, s22;
	s25 =	rddreg [dreg:$0x1f]  }
0xa1: {  	p2 =	sne.s32 s22, s25  }
.Ltmp1:
0xa2: {  	_ = 	snop;
	(pc) =	sbr.rel @!p2 .LBB2_9-.Ltmp1, $3  }
0xa3: {  	_ =	sdelay $0x1  }
0xa4: {  	s0 =	simm.s32 $0x7;
	[sflag:s20] =	ssyncset.done @!p1 $0x0  }
0xa5: {  	s19 =	simm.s32 $0xEA60;
	[sflag:s20] =	ssyncadd.s32 @!p1 $0xFFFFFD80;
	s25 =	simm.s32 $0x9C40  }
.LBB2_1:
0xa6: {  	[smem:$0x7F2] =	sst s22  }
0xa7: {  	s20 =	simm.s32 $0x0;
	s21 =	rddreg [dreg:$0x1b]  }
0xa8: {  	[tilespmem:s25], [sflag:$0x7] =	stream.linear.gather [hbm4b:s21+s20], $0x4E20, $0x38;
	[tilespmem:$0x1EC80] =	vst v63  }
0xa9: {  	_ =	swait.ge [sflag:s0], $0x4E20  }
0xaa: {  	[sflag:s0] =	ssyncset.done $0x0  }
0xab: {  	s22 =	rddreg [dreg:$0x1c];
	[sflag:s0] =	ssyncadd.s32 $0xFFFFB1E0  }
0xac: {  	[tilespmem:s19], [sflag:$0x7] =	stream.linear.gather [hbm4b:s22+s20], $0x4E20, $0x38;
	[tilespmem:$0x1EC80] =	vst v63  }
0xad: {  	_ =	swait.ge [sflag:s0], $0x4E20  }
0xae: {  	s22 =	stileid.u32;
	s21 =	rddreg [dreg:$0x1d]  }
.Ltmp2:
0xaf: {  	s19 =	sld [smem:$0x7F6];
	(pc) =	sbr.rel @!p0 .LBB2_2-.Ltmp2, $4  }
0xb0: {  	s20 =	sshll.u32 s22, $0x6;
	s22 =	sshrl.u32 @!p1 s21, $0x3  }
0xb1: {  	s21 =	sor.u32 $0x1C07, s20;
	[smem:$0x7F3] =	sst s22  }
0xb2: {  	[sflag:s0] =	ssyncset.done $0x0;
	[smem:$0x7F4] =	sst s21;
	s19 =	sshrl.u32 s19, $0x3  }
0xb3: {  	[sflag:s0] =	ssyncadd.s32 $0xFFFFB1E0;
	[smem:$0x7F5] =	sst s19  }
0xb4: {  	s20 =	rddreg [dreg:$0x13]  }
0xb5: {  	[spmem:s19], [sflag:s21] =	dma.local [hbm:s20], $0x280  }
0xb6: {  	_ =	swait.ge [sflag:s0], $0x280  }
0xb7: {  	s20 =	sshrl.u32 s28, $0x3;
	[sflag:s0] =	ssyncset.done $0x0  }
0xb8: {  	s28 =	smov.u32 s21;
	s19 =	rddreg [dreg:$0x14];
	[sflag:s0] =	ssyncadd.s32 $0xFFFFFD80  }
0xb9: {  	[spmem:s20], [sflag:s28] =	dma.local [hbm:s19], $0x280  }
0xba: {  	_ =	swait.ge [sflag:s0], $0x280  }
0xbb: {  	s21 =	sld [smem:$0x7F8];
	_ =	sdelay $0x1  }
0xbc: {  	[sflag:s0] =	ssyncset.done $0x0  }
0xbd: {  	s19 =	rddreg [dreg:$0x15];
	[sflag:s0] =	ssyncadd.s32 $0xFFFFFD80;
	s20 =	sshrl.u32 s21, $0x3  }
0xbe: {  	[spmem:s20], [sflag:s28] =	dma.local [hbm:s19], $0x280  }
0xbf: {  	_ =	swait.ge [sflag:s0], $0x280  }
0xc0: {  	s21 =	sld [smem:$0x7F9];
	_ =	sdelay $0x1  }
0xc1: {  	[sflag:s0] =	ssyncset.done $0x0  }
0xc2: {  	s19 =	rddreg [dreg:$0x16];
	[sflag:s0] =	ssyncadd.s32 $0xFFFFFD80;
	s20 =	sshrl.u32 s21, $0x3  }
0xc3: {  	[spmem:s20], [sflag:s28] =	dma.local [hbm:s19], $0x280  }
0xc4: {  	_ =	swait.ge [sflag:s0], $0x280  }
0xc5: {  	s21 =	sld [smem:$0x7FA];
	_ =	sdelay $0x1  }
0xc6: {  	[sflag:s0] =	ssyncset.done $0x0  }
0xc7: {  	s19 =	rddreg [dreg:$0x17];
	[sflag:s0] =	ssyncadd.s32 $0xFFFFFD80;
	s20 =	sshrl.u32 s21, $0x3  }
0xc8: {  	[spmem:s20], [sflag:s28] =	dma.local [hbm:s19], $0x280  }
0xc9: {  	_ =	swait.ge [sflag:s0], $0x280  }
0xca: {  	s21 =	sld [smem:$0x7FB];
	_ =	sdelay $0x1  }
0xcb: {  	[sflag:s0] =	ssyncset.done $0x0  }
0xcc: {  	s19 =	rddreg [dreg:$0x18];
	[sflag:s0] =	ssyncadd.s32 $0xFFFFFD80;
	s20 =	sshrl.u32 s21, $0x3  }
0xcd: {  	[spmem:s20], [sflag:s28] =	dma.local [hbm:s19], $0x280  }
0xce: {  	_ =	swait.ge [sflag:s0], $0x280  }
0xcf: {  	[sflag:s0] =	ssyncset.done $0x0  }
0xd0: {  	s24 =	sshrl.u32 s24, $0x3;
	s19 =	rddreg [dreg:$0x19];
	[sflag:s0] =	ssyncadd.s32 $0xFFFFFD80  }
0xd1: {  	[spmem:s24], [sflag:s28] =	dma.local [hbm:s19], $0x280  }
0xd2: {  	_ =	swait.ge [sflag:s0], $0x280  }
0xd3: {  	[sflag:s0] =	ssyncset.done $0x0  }
0xd4: {  	s20 =	rddreg [dreg:$0x5];
	[sflag:s0] =	ssyncadd.s32 $0xFFFFFD80  }
0xd5: {  	[spmem:s22], [sflag:s28] =	dma.local @!p1 [hbm:s20], $0x280  }
0xd6: {  	s20 =	simm.s32 @!p1 $0x7  }
0xd7: {  	_ =	swait.ge @!p1 [sflag:s20], $0x280  }
0xd8: {  	[sflag:s20] =	ssyncset.done @!p1 $0x0  }
0xd9: {  	[sflag:s20] =	ssyncadd.s32 @!p1 $0xFFFFFD80  }
0xda: {  	s20 =	simm.s32 $0xEA60;
	[bflag:$0x0] =	sbarrier.arrive $0xFFFF  }
0xdb: {  	[tilespmem:s8], [sflag:$0x1] =	stream.indirect.gather [hbm4b:s18+s4], $0x40, s20, s4, $0xb8;
	[tilespmem:$0x1EC80] =	vst v63  }
0xdc: {  	_ = 	snop  }
0xdd: {  	[tilespmem:s9], [sflag:$0x1] =	stream.indirect.gather [hbm4b:s2+s4], $0x40, s25, s4, $0xb8;
	[tilespmem:$0x1EC80] =	vst v63  }
0xde: {  	_ = 	snop  }
0xdf: {  	[tilespmem:s10], [sflag:$0x1] =	stream.indirect.gather [hbm4b:s3+s4], $0x40, s25, s4, $0xb8;
	[tilespmem:$0x1EC80] =	vst v63  }
0xe0: {  	s22 =	simm.s32 $0xEAB0  }
0xe1: {  	[tilespmem:s14], [sflag:$0x2] =	stream.indirect.gather [hbm4b:s18+s4], $0x40, s22, s4, $0xb8;
	[tilespmem:$0x1EC80] =	vst v63  }
0xe2: {  	s24 =	simm.s32 $0x9C90  }
0xe3: {  	[tilespmem:s7], [sflag:$0x2] =	stream.indirect.gather [hbm4b:s2+s4], $0x40, s24, s4, $0xb8;
	[tilespmem:$0x1EC80] =	vst v63  }
0xe4: {  	_ = 	snop  }
0xe5: {  	[tilespmem:s15], [sflag:$0x2] =	stream.indirect.gather [hbm4b:s3+s4], $0x40, s24, s4, $0xb8;
	[tilespmem:$0x1EC80] =	vst v63  }
0xe6: {  	_ =	swait.ge [sflag:s16], $0x1400  }
0xe7: {  	[sflag:s16] =	ssyncset.done $0x0  }
0xe8: {  	[sflag:s16] =	ssyncadd.s32 $0xFFFFEC00  }
0xe9: {  	_ =	swait.ge [sflag:s16], $0x1400  }
0xea: {  	[sflag:s16] =	ssyncset.done $0x0  }
0xeb: {  	[sflag:s16] =	ssyncadd.s32 $0xFFFFEC00  }
0xec: {  	_ =	swait.ge [sflag:s16], $0x1400  }
0xed: {  	[sflag:s16] =	ssyncset.done $0x0  }
0xee: {  	[sflag:s16] =	ssyncadd.s32 $0xFFFFEC00  }
0xef: {  	[spmem:s23] =	stream.indirect.scatter.add.f32 [tilespmem:s10], [sflag:$0x4], $0x40, s20, s4, $0xb8;
	[tilespmem:$0x1EC80] =	vst v63  }
0xf0: {  	s25 =	simm.s32 $0xEB00  }
0xf1: {  	[tilespmem:s11], [sflag:$0x3] =	stream.indirect.gather [hbm4b:s18+s4], $0x40, s25, s4, $0xb8;
	[tilespmem:$0x1EC80] =	vst v63  }
0xf2: {  	s28 =	simm.s32 $0x9CE0  }
0xf3: {  	[tilespmem:s12], [sflag:$0x3] =	stream.indirect.gather [hbm4b:s2+s4], $0x40, s28, s4, $0xb8;
	[tilespmem:$0x1EC80] =	vst v63  }
0xf4: {  	_ = 	snop  }
0xf5: {  	[tilespmem:s13], [sflag:$0x3] =	stream.indirect.gather [hbm4b:s3+s4], $0x40, s28, s4, $0xb8;
	[tilespmem:$0x1EC80] =	vst v63  }
0xf6: {  	_ =	swait.ge [sflag:s5], $0x1400  }
0xf7: {  	[sflag:s5] =	ssyncset.done $0x0  }
0xf8: {  	[sflag:s5] =	ssyncadd.s32 $0xFFFFEC00  }
0xf9: {  	_ =	swait.ge [sflag:s5], $0x1400  }
0xfa: {  	[sflag:s5] =	ssyncset.done $0x0  }
0xfb: {  	[sflag:s5] =	ssyncadd.s32 $0xFFFFEC00  }
0xfc: {  	_ =	swait.ge [sflag:s5], $0x1400  }
0xfd: {  	[sflag:s5] =	ssyncset.done $0x0  }
0xfe: {  	[sflag:s5] =	ssyncadd.s32 $0xFFFFEC00  }
0xff: {  	[spmem:s23] =	stream.indirect.scatter.add.f32 [tilespmem:s15], [sflag:$0x5], $0x40, s22, s4, $0xb8;
	[tilespmem:$0x1EC80] =	vst v63  }
0x100: {  	_ =	swait.ge [sflag:s6], $0x1400  }
0x101: {  	[sflag:s6] =	ssyncset.done $0x0  }
0x102: {  	s0 =	simm.s32 $0xEB50;
	[sflag:s6] =	ssyncadd.s32 $0xFFFFEC00  }
0x103: {  	[tilespmem:s8], [sflag:$0x1] =	stream.indirect.gather [hbm4b:s18+s4], $0x40, s0, s4, $0xb8;
	[tilespmem:$0x1EC80] =	vst v63  }
0x104: {  	s22 =	simm.s32 $0x9D30  }
0x105: {  	[tilespmem:s9], [sflag:$0x1] =	stream.indirect.gather [hbm4b:s2+s4], $0x40, s22, s4, $0xb8;
	[tilespmem:$0x1EC80] =	vst v63  }
0x106: {  	_ = 	snop  }
0x107: {  	[tilespmem:s10], [sflag:$0x1] =	stream.indirect.gather [hbm4b:s3+s4], $0x40, s22, s4, $0xb8;
	[tilespmem:$0x1EC80] =	vst v63  }
0x108: {  	_ =	swait.ge [sflag:s26], $0x1400  }
0x109: {  	[sflag:s26] =	ssyncset.done $0x0  }
0x10a: {  	[sflag:s26] =	ssyncadd.s32 $0xFFFFEC00  }
0x10b: {  	_ =	swait.ge [sflag:s26], $0x1400  }
0x10c: {  	[sflag:s26] =	ssyncset.done $0x0  }
0x10d: {  	[sflag:s26] =	ssyncadd.s32 $0xFFFFEC00  }
0x10e: {  	_ =	swait.ge [sflag:s26], $0x1400  }
0x10f: {  	[sflag:s26] =	ssyncset.done $0x0  }
0x110: {  	[sflag:s26] =	ssyncadd.s32 $0xFFFFEC00  }
0x111: {  	[spmem:s23] =	stream.indirect.scatter.add.f32 [tilespmem:s13], [sflag:$0x6], $0x40, s25, s4, $0xb8;
	[tilespmem:$0x1EC80] =	vst v63  }
0x112: {  	_ =	swait.ge [sflag:s1], $0x1400  }
0x113: {  	[sflag:s1] =	ssyncset.done $0x0  }
0x114: {  	s24 =	simm.s32 $0xEBA0;
	[sflag:s1] =	ssyncadd.s32 $0xFFFFEC00  }
0x115: {  	[tilespmem:s14], [sflag:$0x2] =	stream.indirect.gather [hbm4b:s18+s4], $0x40, s24, s4, $0xb8;
	[tilespmem:$0x1EC80] =	vst v63  }
0x116: {  	s25 =	simm.s32 $0x9D80  }
0x117: {  	[tilespmem:s7], [sflag:$0x2] =	stream.indirect.gather [hbm4b:s2+s4], $0x40, s25, s4, $0xb8;
	[tilespmem:$0x1EC80] =	vst v63  }
0x118: {  	_ = 	snop  }
0x119: {  	[tilespmem:s15], [sflag:$0x2] =	stream.indirect.gather [hbm4b:s3+s4], $0x40, s25, s4, $0xb8;
	[tilespmem:$0x1EC80] =	vst v63  }
0x11a: {  	_ =	swait.ge [sflag:s16], $0x1400  }
0x11b: {  	[sflag:s16] =	ssyncset.done $0x0  }
0x11c: {  	[sflag:s16] =	ssyncadd.s32 $0xFFFFEC00  }
0x11d: {  	_ =	swait.ge [sflag:s16], $0x1400  }
0x11e: {  	[sflag:s16] =	ssyncset.done $0x0  }
0x11f: {  	[sflag:s16] =	ssyncadd.s32 $0xFFFFEC00  }
0x120: {  	_ =	swait.ge [sflag:s16], $0x1400  }
0x121: {  	[sflag:s16] =	ssyncset.done $0x0  }
0x122: {  	[sflag:s16] =	ssyncadd.s32 $0xFFFFEC00  }
0x123: {  	[spmem:s23] =	stream.indirect.scatter.add.f32 [tilespmem:s10], [sflag:$0x4], $0x40, s0, s4, $0xb8;
	[tilespmem:$0x1EC80] =	vst v63  }
0x124: {  	_ =	swait.ge [sflag:s17], $0x1400  }
0x125: {  	[sflag:s17] =	ssyncset.done $0x0  }
0x126: {  	s28 =	simm.s32 $0xEBF0;
	[sflag:s17] =	ssyncadd.s32 $0xFFFFEC00  }
0x127: {  	[tilespmem:s11], [sflag:$0x3] =	stream.indirect.gather [hbm4b:s18+s4], $0x40, s28, s4, $0xb8;
	[tilespmem:$0x1EC80] =	vst v63  }
0x128: {  	s0 =	simm.s32 $0x9DD0  }
0x129: {  	[tilespmem:s12], [sflag:$0x3] =	stream.indirect.gather [hbm4b:s2+s4], $0x40, s0, s4, $0xb8;
	[tilespmem:$0x1EC80] =	vst v63  }
0x12a: {  	_ = 	snop  }
0x12b: {  	[tilespmem:s13], [sflag:$0x3] =	stream.indirect.gather [hbm4b:s3+s4], $0x40, s0, s4, $0xb8;
	[tilespmem:$0x1EC80] =	vst v63  }
0x12c: {  	_ =	swait.ge [sflag:s5], $0x1400  }
0x12d: {  	[sflag:s5] =	ssyncset.done $0x0  }
0x12e: {  	[sflag:s5] =	ssyncadd.s32 $0xFFFFEC00  }
0x12f: {  	_ =	swait.ge [sflag:s5], $0x1400  }
0x130: {  	[sflag:s5] =	ssyncset.done $0x0  }
0x131: {  	[sflag:s5] =	ssyncadd.s32 $0xFFFFEC00  }
0x132: {  	_ =	swait.ge [sflag:s5], $0x1400  }
0x133: {  	[sflag:s5] =	ssyncset.done $0x0  }
0x134: {  	s19 =	simm.s32 $0xEBA0;
	[sflag:s5] =	ssyncadd.s32 $0xFFFFEC00  }
0x135: {  	[spmem:s23] =	stream.indirect.scatter.add.f32 [tilespmem:s15], [sflag:$0x5], $0x40, s19, s4, $0xb8;
	[tilespmem:$0x1EC80] =	vst v63  }
0x136: {  	_ =	swait.ge [sflag:s6], $0x1400  }
0x137: {  	[sflag:s6] =	ssyncset.done $0x0  }
0x138: {  	s20 =	simm.s32 $0xEC40;
	[sflag:s6] =	ssyncadd.s32 $0xFFFFEC00  }
0x139: {  	[tilespmem:s8], [sflag:$0x1] =	stream.indirect.gather [hbm4b:s18+s4], $0x40, s20, s4, $0xb8;
	[tilespmem:$0x1EC80] =	vst v63  }
0x13a: {  	s22 =	simm.s32 $0x9E20  }
0x13b: {  	[tilespmem:s9], [sflag:$0x1] =	stream.indirect.gather [hbm4b:s2+s4], $0x40, s22, s4, $0xb8;
	[tilespmem:$0x1EC80] =	vst v63  }
0x13c: {  	_ = 	snop  }
0x13d: {  	[tilespmem:s10], [sflag:$0x1] =	stream.indirect.gather [hbm4b:s3+s4], $0x40, s22, s4, $0xb8;
	[tilespmem:$0x1EC80] =	vst v63  }
0x13e: {  	_ =	swait.ge [sflag:s26], $0x1400  }
0x13f: {  	[sflag:s26] =	ssyncset.done $0x0  }
0x140: {  	[sflag:s26] =	ssyncadd.s32 $0xFFFFEC00  }
0x141: {  	_ =	swait.ge [sflag:s26], $0x1400  }
0x142: {  	[sflag:s26] =	ssyncset.done $0x0  }
0x143: {  	[sflag:s26] =	ssyncadd.s32 $0xFFFFEC00  }
0x144: {  	_ =	swait.ge [sflag:s26], $0x1400  }
0x145: {  	[sflag:s26] =	ssyncset.done $0x0  }
0x146: {  	[sflag:s26] =	ssyncadd.s32 $0xFFFFEC00  }
0x147: {  	[spmem:s23] =	stream.indirect.scatter.add.f32 [tilespmem:s13], [sflag:$0x6], $0x40, s28, s4, $0xb8;
	[tilespmem:$0x1EC80] =	vst v63  }
0x148: {  	_ =	swait.ge [sflag:s1], $0x1400  }
0x149: {  	[sflag:s1] =	ssyncset.done $0x0  }
0x14a: {  	s25 =	simm.s32 $0xEC90;
	[sflag:s1] =	ssyncadd.s32 $0xFFFFEC00  }
0x14b: {  	[tilespmem:s14], [sflag:$0x2] =	stream.indirect.gather [hbm4b:s18+s4], $0x40, s25, s4, $0xb8;
	[tilespmem:$0x1EC80] =	vst v63  }
0x14c: {  	s28 =	simm.s32 $0x9E70  }
0x14d: {  	[tilespmem:s7], [sflag:$0x2] =	stream.indirect.gather [hbm4b:s2+s4], $0x40, s28, s4, $0xb8;
	[tilespmem:$0x1EC80] =	vst v63  }
0x14e: {  	_ = 	snop  }
0x14f: {  	[tilespmem:s15], [sflag:$0x2] =	stream.indirect.gather [hbm4b:s3+s4], $0x40, s28, s4, $0xb8;
	[tilespmem:$0x1EC80] =	vst v63  }
0x150: {  	_ =	swait.ge [sflag:s16], $0x1400  }
0x151: {  	[sflag:s16] =	ssyncset.done $0x0  }
0x152: {  	[sflag:s16] =	ssyncadd.s32 $0xFFFFEC00  }
0x153: {  	_ =	swait.ge [sflag:s16], $0x1400  }
0x154: {  	[sflag:s16] =	ssyncset.done $0x0  }
0x155: {  	[sflag:s16] =	ssyncadd.s32 $0xFFFFEC00  }
0x156: {  	_ =	swait.ge [sflag:s16], $0x1400  }
0x157: {  	[sflag:s16] =	ssyncset.done $0x0  }
0x158: {  	s25 =	simm.s32 $0x3C0;
	[sflag:s16] =	ssyncadd.s32 $0xFFFFEC00  }
.LBB2_6:
0x159: {  	[spmem:s23] =	stream.indirect.scatter.add.f32 [tilespmem:s10], [sflag:$0x4], $0x40, s20, s4, $0xb8;
	[tilespmem:$0x1EC80] =	vst v63  }
0x15a: {  	s20 =	smov.u32 s25  }
0x15b: {  	p2 =	sne.s32 s25, $0x12C00;
	s25 =	sadd.s32 $0x3C0, s25;
	_ =	swait.ge [sflag:s17], $0x1400  }
0x15c: {  	s21 =	sshra.s32 s20, $0x2;
	[sflag:s17] =	ssyncset.done $0x0  }
0x15d: {  	s24 =	sadd.s32 $0xEBF0, s21;
	[sflag:s17] =	ssyncadd.s32 $0xFFFFEC00  }
0x15e: {  	[tilespmem:s11], [sflag:$0x3] =	stream.indirect.gather [hbm4b:s18+s4], $0x40, s24, s4, $0xb8;
	[tilespmem:$0x1EC80] =	vst v63  }
0x15f: {  	s20 =	sadd.s32 $0x9DD0, s21  }
0x160: {  	[tilespmem:s12], [sflag:$0x3] =	stream.indirect.gather [hbm4b:s2+s4], $0x40, s20, s4, $0xb8;
	[tilespmem:$0x1EC80] =	vst v63  }
0x161: {  	_ = 	snop  }
0x162: {  	[tilespmem:s13], [sflag:$0x3] =	stream.indirect.gather [hbm4b:s3+s4], $0x40, s20, s4, $0xb8;
	[tilespmem:$0x1EC80] =	vst v63  }
0x163: {  	_ =	swait.ge [sflag:s5], $0x1400  }
0x164: {  	[sflag:s5] =	ssyncset.done $0x0  }
0x165: {  	[sflag:s5] =	ssyncadd.s32 $0xFFFFEC00  }
0x166: {  	_ =	swait.ge [sflag:s5], $0x1400  }
0x167: {  	[sflag:s5] =	ssyncset.done $0x0  }
0x168: {  	[sflag:s5] =	ssyncadd.s32 $0xFFFFEC00  }
0x169: {  	_ =	swait.ge [sflag:s5], $0x1400  }
0x16a: {  	[sflag:s5] =	ssyncset.done $0x0  }
0x16b: {  	s20 =	sadd.s32 $0xEBA0, s21;
	[sflag:s5] =	ssyncadd.s32 $0xFFFFEC00  }
0x16c: {  	[spmem:s23] =	stream.indirect.scatter.add.f32 [tilespmem:s15], [sflag:$0x5], $0x40, s20, s4, $0xb8;
	[tilespmem:$0x1EC80] =	vst v63  }
0x16d: {  	_ =	swait.ge [sflag:s6], $0x1400  }
0x16e: {  	[sflag:s6] =	ssyncset.done $0x0  }
0x16f: {  	s20 =	sadd.s32 $0xEC40, s21;
	[sflag:s6] =	ssyncadd.s32 $0xFFFFEC00  }
0x170: {  	[tilespmem:s8], [sflag:$0x1] =	stream.indirect.gather [hbm4b:s18+s4], $0x40, s20, s4, $0xb8;
	[tilespmem:$0x1EC80] =	vst v63  }
0x171: {  	s28 =	sadd.s32 $0x9E20, s21  }
0x172: {  	[tilespmem:s9], [sflag:$0x1] =	stream.indirect.gather [hbm4b:s2+s4], $0x40, s28, s4, $0xb8;
	[tilespmem:$0x1EC80] =	vst v63  }
0x173: {  	_ = 	snop  }
0x174: {  	[tilespmem:s10], [sflag:$0x1] =	stream.indirect.gather [hbm4b:s3+s4], $0x40, s28, s4, $0xb8;
	[tilespmem:$0x1EC80] =	vst v63  }
0x175: {  	_ =	swait.ge [sflag:s26], $0x1400  }
0x176: {  	[sflag:s26] =	ssyncset.done $0x0  }
0x177: {  	[sflag:s26] =	ssyncadd.s32 $0xFFFFEC00  }
0x178: {  	_ =	swait.ge [sflag:s26], $0x1400  }
0x179: {  	[sflag:s26] =	ssyncset.done $0x0  }
0x17a: {  	[sflag:s26] =	ssyncadd.s32 $0xFFFFEC00  }
0x17b: {  	_ =	swait.ge [sflag:s26], $0x1400  }
0x17c: {  	[sflag:s26] =	ssyncset.done $0x0  }
0x17d: {  	[sflag:s26] =	ssyncadd.s32 $0xFFFFEC00  }
0x17e: {  	[spmem:s23] =	stream.indirect.scatter.add.f32 [tilespmem:s13], [sflag:$0x6], $0x40, s24, s4, $0xb8;
	[tilespmem:$0x1EC80] =	vst v63  }
0x17f: {  	_ =	swait.ge [sflag:s1], $0x1400  }
0x180: {  	[sflag:s1] =	ssyncset.done $0x0  }
0x181: {  	s24 =	sadd.s32 $0xEC90, s21;
	[sflag:s1] =	ssyncadd.s32 $0xFFFFEC00  }
0x182: {  	[tilespmem:s14], [sflag:$0x2] =	stream.indirect.gather [hbm4b:s18+s4], $0x40, s24, s4, $0xb8;
	[tilespmem:$0x1EC80] =	vst v63  }
0x183: {  	s21 =	sadd.s32 $0x9E70, s21  }
0x184: {  	[tilespmem:s7], [sflag:$0x2] =	stream.indirect.gather [hbm4b:s2+s4], $0x40, s21, s4, $0xb8;
	[tilespmem:$0x1EC80] =	vst v63  }
0x185: {  	_ = 	snop  }
0x186: {  	[tilespmem:s15], [sflag:$0x2] =	stream.indirect.gather [hbm4b:s3+s4], $0x40, s21, s4, $0xb8;
	[tilespmem:$0x1EC80] =	vst v63  }
0x187: {  	_ =	swait.ge [sflag:s16], $0x1400  }
0x188: {  	[sflag:s16] =	ssyncset.done $0x0  }
0x189: {  	[sflag:s16] =	ssyncadd.s32 $0xFFFFEC00  }
0x18a: {  	_ =	swait.ge [sflag:s16], $0x1400  }
.Ltmp3:
0x18b: {  	[sflag:s16] =	ssyncset.done $0x0;
	(pc) =	sbr.rel @p2 .LBB2_6-.Ltmp3, $4  }
0x18c: {  	[sflag:s16] =	ssyncadd.s32 $0xFFFFEC00  }
0x18d: {  	_ =	swait.ge [sflag:s16], $0x1400  }
0x18e: {  	[sflag:s16] =	ssyncset.done $0x0  }
0x18f: {  	[sflag:s16] =	ssyncadd.s32 $0xFFFFEC00  }
.Ltmp4:
0x190: {  	_ = 	snop;
	(pc) =	sbr.rel .LBB2_7-.Ltmp4, $1  }
0x191: {  	_ =	sdelay $0x3  }
.LBB2_2:
0x192: {  	s20 =	rddreg [dreg:$0x6]  }
0x193: {  	[spmem:s19], [sflag:s21] =	dma.local [hbm:s20], $0x280  }
0x194: {  	_ =	swait.ge [sflag:s0], $0x280  }
0x195: {  	s20 =	sshrl.u32 s28, $0x3;
	[sflag:s0] =	ssyncset.done $0x0  }
0x196: {  	s28 =	smov.u32 s21;
	s19 =	rddreg [dreg:$0xa];
	[sflag:s0] =	ssyncadd.s32 $0xFFFFFD80  }
0x197: {  	[spmem:s20], [sflag:s28] =	dma.local [hbm:s19], $0x280  }
0x198: {  	_ =	swait.ge [sflag:s0], $0x280  }
0x199: {  	s21 =	sld [smem:$0x7F8];
	_ =	sdelay $0x1  }
0x19a: {  	[sflag:s0] =	ssyncset.done $0x0  }
0x19b: {  	s19 =	rddreg [dreg:$0xb];
	[sflag:s0] =	ssyncadd.s32 $0xFFFFFD80;
	s20 =	sshrl.u32 s21, $0x3  }
0x19c: {  	[spmem:s20], [sflag:s28] =	dma.local [hbm:s19], $0x280  }
0x19d: {  	_ =	swait.ge [sflag:s0], $0x280  }
0x19e: {  	s21 =	sld [smem:$0x7F9];
	_ =	sdelay $0x1  }
0x19f: {  	[sflag:s0] =	ssyncset.done $0x0  }
0x1a0: {  	s19 =	rddreg [dreg:$0xc];
	[sflag:s0] =	ssyncadd.s32 $0xFFFFFD80;
	s20 =	sshrl.u32 s21, $0x3  }
0x1a1: {  	[spmem:s20], [sflag:s28] =	dma.local [hbm:s19], $0x280  }
0x1a2: {  	_ =	swait.ge [sflag:s0], $0x280  }
0x1a3: {  	s21 =	sld [smem:$0x7FA];
	_ =	sdelay $0x1  }
0x1a4: {  	[sflag:s0] =	ssyncset.done $0x0  }
0x1a5: {  	s19 =	rddreg [dreg:$0x10];
	[sflag:s0] =	ssyncadd.s32 $0xFFFFFD80;
	s20 =	sshrl.u32 s21, $0x3  }
0x1a6: {  	[spmem:s20], [sflag:s28] =	dma.local [hbm:s19], $0x280  }
0x1a7: {  	_ =	swait.ge [sflag:s0], $0x280  }
0x1a8: {  	s21 =	sld [smem:$0x7FB];
	_ =	sdelay $0x1  }
0x1a9: {  	[sflag:s0] =	ssyncset.done $0x0  }
0x1aa: {  	s19 =	rddreg [dreg:$0x11];
	[sflag:s0] =	ssyncadd.s32 $0xFFFFFD80;
	s20 =	sshrl.u32 s21, $0x3  }
0x1ab: {  	[spmem:s20], [sflag:s28] =	dma.local [hbm:s19], $0x280  }
0x1ac: {  	_ =	swait.ge [sflag:s0], $0x280  }
0x1ad: {  	[sflag:s0] =	ssyncset.done $0x0  }
0x1ae: {  	s24 =	sshrl.u32 s24, $0x3;
	s19 =	rddreg [dreg:$0x12];
	[sflag:s0] =	ssyncadd.s32 $0xFFFFFD80  }
0x1af: {  	[spmem:s24], [sflag:s28] =	dma.local [hbm:s19], $0x280  }
0x1b0: {  	_ =	swait.ge [sflag:s0], $0x280  }
0x1b1: {  	[sflag:s0] =	ssyncset.done $0x0  }
0x1b2: {  	s20 =	rddreg [dreg:$0x4];
	[sflag:s0] =	ssyncadd.s32 $0xFFFFFD80  }
0x1b3: {  	[spmem:s22], [sflag:s28] =	dma.local @!p1 [hbm:s20], $0x280  }
0x1b4: {  	s20 =	simm.s32 @!p1 $0x7  }
0x1b5: {  	_ =	swait.ge @!p1 [sflag:s20], $0x280  }
0x1b6: {  	[sflag:s20] =	ssyncset.done @!p1 $0x0  }
0x1b7: {  	[sflag:s20] =	ssyncadd.s32 @!p1 $0xFFFFFD80  }
0x1b8: {  	s20 =	simm.s32 $0xEA60;
	[bflag:$0x0] =	sbarrier.arrive $0xFFFF  }
0x1b9: {  	[tilespmem:s8], [sflag:$0x1] =	stream.indirect.gather [hbm4b:s29+s4], $0x40, s20, s4, $0xb8;
	[tilespmem:$0x1EC80] =	vst v63  }
0x1ba: {  	_ = 	snop  }
0x1bb: {  	[tilespmem:s9], [sflag:$0x1] =	stream.indirect.gather [hbm4b:s30+s4], $0x40, s25, s4, $0xb8;
	[tilespmem:$0x1EC80] =	vst v63  }
0x1bc: {  	_ = 	snop  }
0x1bd: {  	[tilespmem:s10], [sflag:$0x1] =	stream.indirect.gather [hbm4b:s31+s4], $0x40, s25, s4, $0xb8;
	[tilespmem:$0x1EC80] =	vst v63  }
0x1be: {  	s22 =	simm.s32 $0xEAB0  }
0x1bf: {  	[tilespmem:s14], [sflag:$0x2] =	stream.indirect.gather [hbm4b:s29+s4], $0x40, s22, s4, $0xb8;
	[tilespmem:$0x1EC80] =	vst v63  }
0x1c0: {  	s24 =	simm.s32 $0x9C90  }
0x1c1: {  	[tilespmem:s7], [sflag:$0x2] =	stream.indirect.gather [hbm4b:s30+s4], $0x40, s24, s4, $0xb8;
	[tilespmem:$0x1EC80] =	vst v63  }
0x1c2: {  	_ = 	snop  }
0x1c3: {  	[tilespmem:s15], [sflag:$0x2] =	stream.indirect.gather [hbm4b:s31+s4], $0x40, s24, s4, $0xb8;
	[tilespmem:$0x1EC80] =	vst v63  }
0x1c4: {  	_ =	swait.ge [sflag:s16], $0x1400  }
0x1c5: {  	[sflag:s16] =	ssyncset.done $0x0  }
0x1c6: {  	[sflag:s16] =	ssyncadd.s32 $0xFFFFEC00  }
0x1c7: {  	_ =	swait.ge [sflag:s16], $0x1400  }
0x1c8: {  	[sflag:s16] =	ssyncset.done $0x0  }
0x1c9: {  	[sflag:s16] =	ssyncadd.s32 $0xFFFFEC00  }
0x1ca: {  	_ =	swait.ge [sflag:s16], $0x1400  }
0x1cb: {  	[sflag:s16] =	ssyncset.done $0x0  }
0x1cc: {  	[sflag:s16] =	ssyncadd.s32 $0xFFFFEC00  }
0x1cd: {  	[spmem:s23] =	stream.indirect.scatter.add.f32 [tilespmem:s10], [sflag:$0x4], $0x40, s20, s4, $0xb8;
	[tilespmem:$0x1EC80] =	vst v63  }
0x1ce: {  	s25 =	simm.s32 $0xEB00  }
0x1cf: {  	[tilespmem:s11], [sflag:$0x3] =	stream.indirect.gather [hbm4b:s29+s4], $0x40, s25, s4, $0xb8;
	[tilespmem:$0x1EC80] =	vst v63  }
0x1d0: {  	s28 =	simm.s32 $0x9CE0  }
0x1d1: {  	[tilespmem:s12], [sflag:$0x3] =	stream.indirect.gather [hbm4b:s30+s4], $0x40, s28, s4, $0xb8;
	[tilespmem:$0x1EC80] =	vst v63  }
0x1d2: {  	_ = 	snop  }
0x1d3: {  	[tilespmem:s13], [sflag:$0x3] =	stream.indirect.gather [hbm4b:s31+s4], $0x40, s28, s4, $0xb8;
	[tilespmem:$0x1EC80] =	vst v63  }
0x1d4: {  	_ =	swait.ge [sflag:s5], $0x1400  }
0x1d5: {  	[sflag:s5] =	ssyncset.done $0x0  }
0x1d6: {  	[sflag:s5] =	ssyncadd.s32 $0xFFFFEC00  }
0x1d7: {  	_ =	swait.ge [sflag:s5], $0x1400  }
0x1d8: {  	[sflag:s5] =	ssyncset.done $0x0  }
0x1d9: {  	[sflag:s5] =	ssyncadd.s32 $0xFFFFEC00  }
0x1da: {  	_ =	swait.ge [sflag:s5], $0x1400  }
0x1db: {  	[sflag:s5] =	ssyncset.done $0x0  }
0x1dc: {  	[sflag:s5] =	ssyncadd.s32 $0xFFFFEC00  }
0x1dd: {  	[spmem:s23] =	stream.indirect.scatter.add.f32 [tilespmem:s15], [sflag:$0x5], $0x40, s22, s4, $0xb8;
	[tilespmem:$0x1EC80] =	vst v63  }
0x1de: {  	_ =	swait.ge [sflag:s6], $0x1400  }
0x1df: {  	[sflag:s6] =	ssyncset.done $0x0  }
0x1e0: {  	s0 =	simm.s32 $0xEB50;
	[sflag:s6] =	ssyncadd.s32 $0xFFFFEC00  }
0x1e1: {  	[tilespmem:s8], [sflag:$0x1] =	stream.indirect.gather [hbm4b:s29+s4], $0x40, s0, s4, $0xb8;
	[tilespmem:$0x1EC80] =	vst v63  }
0x1e2: {  	s22 =	simm.s32 $0x9D30  }
0x1e3: {  	[tilespmem:s9], [sflag:$0x1] =	stream.indirect.gather [hbm4b:s30+s4], $0x40, s22, s4, $0xb8;
	[tilespmem:$0x1EC80] =	vst v63  }
0x1e4: {  	_ = 	snop  }
0x1e5: {  	[tilespmem:s10], [sflag:$0x1] =	stream.indirect.gather [hbm4b:s31+s4], $0x40, s22, s4, $0xb8;
	[tilespmem:$0x1EC80] =	vst v63  }
0x1e6: {  	_ =	swait.ge [sflag:s26], $0x1400  }
0x1e7: {  	[sflag:s26] =	ssyncset.done $0x0  }
0x1e8: {  	[sflag:s26] =	ssyncadd.s32 $0xFFFFEC00  }
0x1e9: {  	_ =	swait.ge [sflag:s26], $0x1400  }
0x1ea: {  	[sflag:s26] =	ssyncset.done $0x0  }
0x1eb: {  	[sflag:s26] =	ssyncadd.s32 $0xFFFFEC00  }
0x1ec: {  	_ =	swait.ge [sflag:s26], $0x1400  }
0x1ed: {  	[sflag:s26] =	ssyncset.done $0x0  }
0x1ee: {  	[sflag:s26] =	ssyncadd.s32 $0xFFFFEC00  }
0x1ef: {  	[spmem:s23] =	stream.indirect.scatter.add.f32 [tilespmem:s13], [sflag:$0x6], $0x40, s25, s4, $0xb8;
	[tilespmem:$0x1EC80] =	vst v63  }
0x1f0: {  	_ =	swait.ge [sflag:s1], $0x1400  }
0x1f1: {  	[sflag:s1] =	ssyncset.done $0x0  }
0x1f2: {  	s24 =	simm.s32 $0xEBA0;
	[sflag:s1] =	ssyncadd.s32 $0xFFFFEC00  }
0x1f3: {  	[tilespmem:s14], [sflag:$0x2] =	stream.indirect.gather [hbm4b:s29+s4], $0x40, s24, s4, $0xb8;
	[tilespmem:$0x1EC80] =	vst v63  }
0x1f4: {  	s25 =	simm.s32 $0x9D80  }
0x1f5: {  	[tilespmem:s7], [sflag:$0x2] =	stream.indirect.gather [hbm4b:s30+s4], $0x40, s25, s4, $0xb8;
	[tilespmem:$0x1EC80] =	vst v63  }
0x1f6: {  	_ = 	snop  }
0x1f7: {  	[tilespmem:s15], [sflag:$0x2] =	stream.indirect.gather [hbm4b:s31+s4], $0x40, s25, s4, $0xb8;
	[tilespmem:$0x1EC80] =	vst v63  }
0x1f8: {  	_ =	swait.ge [sflag:s16], $0x1400  }
0x1f9: {  	[sflag:s16] =	ssyncset.done $0x0  }
0x1fa: {  	[sflag:s16] =	ssyncadd.s32 $0xFFFFEC00  }
0x1fb: {  	_ =	swait.ge [sflag:s16], $0x1400  }
0x1fc: {  	[sflag:s16] =	ssyncset.done $0x0  }
0x1fd: {  	[sflag:s16] =	ssyncadd.s32 $0xFFFFEC00  }
0x1fe: {  	_ =	swait.ge [sflag:s16], $0x1400  }
0x1ff: {  	[sflag:s16] =	ssyncset.done $0x0  }
0x200: {  	[sflag:s16] =	ssyncadd.s32 $0xFFFFEC00  }
0x201: {  	[spmem:s23] =	stream.indirect.scatter.add.f32 [tilespmem:s10], [sflag:$0x4], $0x40, s0, s4, $0xb8;
	[tilespmem:$0x1EC80] =	vst v63  }
0x202: {  	_ =	swait.ge [sflag:s17], $0x1400  }
0x203: {  	[sflag:s17] =	ssyncset.done $0x0  }
0x204: {  	s28 =	simm.s32 $0xEBF0;
	[sflag:s17] =	ssyncadd.s32 $0xFFFFEC00  }
0x205: {  	[tilespmem:s11], [sflag:$0x3] =	stream.indirect.gather [hbm4b:s29+s4], $0x40, s28, s4, $0xb8;
	[tilespmem:$0x1EC80] =	vst v63  }
0x206: {  	s0 =	simm.s32 $0x9DD0  }
0x207: {  	[tilespmem:s12], [sflag:$0x3] =	stream.indirect.gather [hbm4b:s30+s4], $0x40, s0, s4, $0xb8;
	[tilespmem:$0x1EC80] =	vst v63  }
0x208: {  	_ = 	snop  }
0x209: {  	[tilespmem:s13], [sflag:$0x3] =	stream.indirect.gather [hbm4b:s31+s4], $0x40, s0, s4, $0xb8;
	[tilespmem:$0x1EC80] =	vst v63  }
0x20a: {  	_ =	swait.ge [sflag:s5], $0x1400  }
0x20b: {  	[sflag:s5] =	ssyncset.done $0x0  }
0x20c: {  	[sflag:s5] =	ssyncadd.s32 $0xFFFFEC00  }
0x20d: {  	_ =	swait.ge [sflag:s5], $0x1400  }
0x20e: {  	[sflag:s5] =	ssyncset.done $0x0  }
0x20f: {  	[sflag:s5] =	ssyncadd.s32 $0xFFFFEC00  }
0x210: {  	_ =	swait.ge [sflag:s5], $0x1400  }
0x211: {  	[sflag:s5] =	ssyncset.done $0x0  }
0x212: {  	s19 =	simm.s32 $0xEBA0;
	[sflag:s5] =	ssyncadd.s32 $0xFFFFEC00  }
0x213: {  	[spmem:s23] =	stream.indirect.scatter.add.f32 [tilespmem:s15], [sflag:$0x5], $0x40, s19, s4, $0xb8;
	[tilespmem:$0x1EC80] =	vst v63  }
0x214: {  	_ =	swait.ge [sflag:s6], $0x1400  }
0x215: {  	[sflag:s6] =	ssyncset.done $0x0  }
0x216: {  	s20 =	simm.s32 $0xEC40;
	[sflag:s6] =	ssyncadd.s32 $0xFFFFEC00  }
0x217: {  	[tilespmem:s8], [sflag:$0x1] =	stream.indirect.gather [hbm4b:s29+s4], $0x40, s20, s4, $0xb8;
	[tilespmem:$0x1EC80] =	vst v63  }
0x218: {  	s22 =	simm.s32 $0x9E20  }
0x219: {  	[tilespmem:s9], [sflag:$0x1] =	stream.indirect.gather [hbm4b:s30+s4], $0x40, s22, s4, $0xb8;
	[tilespmem:$0x1EC80] =	vst v63  }
0x21a: {  	_ = 	snop  }
0x21b: {  	[tilespmem:s10], [sflag:$0x1] =	stream.indirect.gather [hbm4b:s31+s4], $0x40, s22, s4, $0xb8;
	[tilespmem:$0x1EC80] =	vst v63  }
0x21c: {  	_ =	swait.ge [sflag:s26], $0x1400  }
0x21d: {  	[sflag:s26] =	ssyncset.done $0x0  }
0x21e: {  	[sflag:s26] =	ssyncadd.s32 $0xFFFFEC00  }
0x21f: {  	_ =	swait.ge [sflag:s26], $0x1400  }
0x220: {  	[sflag:s26] =	ssyncset.done $0x0  }
0x221: {  	[sflag:s26] =	ssyncadd.s32 $0xFFFFEC00  }
0x222: {  	_ =	swait.ge [sflag:s26], $0x1400  }
0x223: {  	[sflag:s26] =	ssyncset.done $0x0  }
0x224: {  	[sflag:s26] =	ssyncadd.s32 $0xFFFFEC00  }
0x225: {  	[spmem:s23] =	stream.indirect.scatter.add.f32 [tilespmem:s13], [sflag:$0x6], $0x40, s28, s4, $0xb8;
	[tilespmem:$0x1EC80] =	vst v63  }
0x226: {  	_ =	swait.ge [sflag:s1], $0x1400  }
0x227: {  	[sflag:s1] =	ssyncset.done $0x0  }
0x228: {  	s25 =	simm.s32 $0xEC90;
	[sflag:s1] =	ssyncadd.s32 $0xFFFFEC00  }
0x229: {  	[tilespmem:s14], [sflag:$0x2] =	stream.indirect.gather [hbm4b:s29+s4], $0x40, s25, s4, $0xb8;
	[tilespmem:$0x1EC80] =	vst v63  }
0x22a: {  	s28 =	simm.s32 $0x9E70  }
0x22b: {  	[tilespmem:s7], [sflag:$0x2] =	stream.indirect.gather [hbm4b:s30+s4], $0x40, s28, s4, $0xb8;
	[tilespmem:$0x1EC80] =	vst v63  }
0x22c: {  	_ = 	snop  }
0x22d: {  	[tilespmem:s15], [sflag:$0x2] =	stream.indirect.gather [hbm4b:s31+s4], $0x40, s28, s4, $0xb8;
	[tilespmem:$0x1EC80] =	vst v63  }
0x22e: {  	_ =	swait.ge [sflag:s16], $0x1400  }
0x22f: {  	[sflag:s16] =	ssyncset.done $0x0  }
0x230: {  	[sflag:s16] =	ssyncadd.s32 $0xFFFFEC00  }
0x231: {  	_ =	swait.ge [sflag:s16], $0x1400  }
0x232: {  	[sflag:s16] =	ssyncset.done $0x0  }
0x233: {  	[sflag:s16] =	ssyncadd.s32 $0xFFFFEC00  }
0x234: {  	_ =	swait.ge [sflag:s16], $0x1400  }
0x235: {  	[sflag:s16] =	ssyncset.done $0x0  }
0x236: {  	s25 =	simm.s32 $0x3C0;
	[sflag:s16] =	ssyncadd.s32 $0xFFFFEC00  }
.LBB2_3:
0x237: {  	[spmem:s23] =	stream.indirect.scatter.add.f32 [tilespmem:s10], [sflag:$0x4], $0x40, s20, s4, $0xb8;
	[tilespmem:$0x1EC80] =	vst v63  }
0x238: {  	s20 =	smov.u32 s25  }
0x239: {  	p2 =	seq.s32 s25, $0x12C00;
	s25 =	sadd.s32 $0x3C0, s25;
	_ =	swait.ge [sflag:s17], $0x1400  }
0x23a: {  	s21 =	sshra.s32 s20, $0x2;
	[sflag:s17] =	ssyncset.done $0x0  }
0x23b: {  	s24 =	sadd.s32 $0xEBF0, s21;
	[sflag:s17] =	ssyncadd.s32 $0xFFFFEC00  }
0x23c: {  	[tilespmem:s11], [sflag:$0x3] =	stream.indirect.gather [hbm4b:s29+s4], $0x40, s24, s4, $0xb8;
	[tilespmem:$0x1EC80] =	vst v63  }
0x23d: {  	s20 =	sadd.s32 $0x9DD0, s21  }
0x23e: {  	[tilespmem:s12], [sflag:$0x3] =	stream.indirect.gather [hbm4b:s30+s4], $0x40, s20, s4, $0xb8;
	[tilespmem:$0x1EC80] =	vst v63  }
0x23f: {  	_ = 	snop  }
0x240: {  	[tilespmem:s13], [sflag:$0x3] =	stream.indirect.gather [hbm4b:s31+s4], $0x40, s20, s4, $0xb8;
	[tilespmem:$0x1EC80] =	vst v63  }
0x241: {  	_ =	swait.ge [sflag:s5], $0x1400  }
0x242: {  	[sflag:s5] =	ssyncset.done $0x0  }
0x243: {  	[sflag:s5] =	ssyncadd.s32 $0xFFFFEC00  }
0x244: {  	_ =	swait.ge [sflag:s5], $0x1400  }
0x245: {  	[sflag:s5] =	ssyncset.done $0x0  }
0x246: {  	[sflag:s5] =	ssyncadd.s32 $0xFFFFEC00  }
0x247: {  	_ =	swait.ge [sflag:s5], $0x1400  }
0x248: {  	[sflag:s5] =	ssyncset.done $0x0  }
0x249: {  	s20 =	sadd.s32 $0xEBA0, s21;
	[sflag:s5] =	ssyncadd.s32 $0xFFFFEC00  }
0x24a: {  	[spmem:s23] =	stream.indirect.scatter.add.f32 [tilespmem:s15], [sflag:$0x5], $0x40, s20, s4, $0xb8;
	[tilespmem:$0x1EC80] =	vst v63  }
0x24b: {  	_ =	swait.ge [sflag:s6], $0x1400  }
0x24c: {  	[sflag:s6] =	ssyncset.done $0x0  }
0x24d: {  	s20 =	sadd.s32 $0xEC40, s21;
	[sflag:s6] =	ssyncadd.s32 $0xFFFFEC00  }
0x24e: {  	[tilespmem:s8], [sflag:$0x1] =	stream.indirect.gather [hbm4b:s29+s4], $0x40, s20, s4, $0xb8;
	[tilespmem:$0x1EC80] =	vst v63  }
0x24f: {  	s28 =	sadd.s32 $0x9E20, s21  }
0x250: {  	[tilespmem:s9], [sflag:$0x1] =	stream.indirect.gather [hbm4b:s30+s4], $0x40, s28, s4, $0xb8;
	[tilespmem:$0x1EC80] =	vst v63  }
0x251: {  	_ = 	snop  }
0x252: {  	[tilespmem:s10], [sflag:$0x1] =	stream.indirect.gather [hbm4b:s31+s4], $0x40, s28, s4, $0xb8;
	[tilespmem:$0x1EC80] =	vst v63  }
0x253: {  	_ =	swait.ge [sflag:s26], $0x1400  }
0x254: {  	[sflag:s26] =	ssyncset.done $0x0  }
0x255: {  	[sflag:s26] =	ssyncadd.s32 $0xFFFFEC00  }
0x256: {  	_ =	swait.ge [sflag:s26], $0x1400  }
0x257: {  	[sflag:s26] =	ssyncset.done $0x0  }
0x258: {  	[sflag:s26] =	ssyncadd.s32 $0xFFFFEC00  }
0x259: {  	_ =	swait.ge [sflag:s26], $0x1400  }
0x25a: {  	[sflag:s26] =	ssyncset.done $0x0  }
0x25b: {  	[sflag:s26] =	ssyncadd.s32 $0xFFFFEC00  }
0x25c: {  	[spmem:s23] =	stream.indirect.scatter.add.f32 [tilespmem:s13], [sflag:$0x6], $0x40, s24, s4, $0xb8;
	[tilespmem:$0x1EC80] =	vst v63  }
0x25d: {  	_ =	swait.ge [sflag:s1], $0x1400  }
0x25e: {  	[sflag:s1] =	ssyncset.done $0x0  }
0x25f: {  	s24 =	sadd.s32 $0xEC90, s21;
	[sflag:s1] =	ssyncadd.s32 $0xFFFFEC00  }
0x260: {  	[tilespmem:s14], [sflag:$0x2] =	stream.indirect.gather [hbm4b:s29+s4], $0x40, s24, s4, $0xb8;
	[tilespmem:$0x1EC80] =	vst v63  }
0x261: {  	s21 =	sadd.s32 $0x9E70, s21  }
0x262: {  	[tilespmem:s7], [sflag:$0x2] =	stream.indirect.gather [hbm4b:s30+s4], $0x40, s21, s4, $0xb8;
	[tilespmem:$0x1EC80] =	vst v63  }
0x263: {  	_ = 	snop  }
0x264: {  	[tilespmem:s15], [sflag:$0x2] =	stream.indirect.gather [hbm4b:s31+s4], $0x40, s21, s4, $0xb8;
	[tilespmem:$0x1EC80] =	vst v63  }
0x265: {  	_ =	swait.ge [sflag:s16], $0x1400  }
0x266: {  	[sflag:s16] =	ssyncset.done $0x0  }
0x267: {  	[sflag:s16] =	ssyncadd.s32 $0xFFFFEC00  }
0x268: {  	_ =	swait.ge [sflag:s16], $0x1400  }
.Ltmp5:
0x269: {  	[sflag:s16] =	ssyncset.done $0x0;
	(pc) =	sbr.rel @!p2 .LBB2_3-.Ltmp5, $4  }
0x26a: {  	[sflag:s16] =	ssyncadd.s32 $0xFFFFEC00  }
0x26b: {  	_ =	swait.ge [sflag:s16], $0x1400  }
0x26c: {  	[sflag:s16] =	ssyncset.done $0x0  }
0x26d: {  	[sflag:s16] =	ssyncadd.s32 $0xFFFFEC00  }
.Ltmp6:
0x26e: {  	(pc) =	sbr.rel .LBB2_8-.Ltmp6, $4  }
0x26f: {  	_ = 	snop  }
0x270: {  	[spmem:s23] =	stream.indirect.scatter.add.f32 [tilespmem:s10], [sflag:$0x4], $0x40, s20, s4, $0xb8;
	[tilespmem:$0x1EC80] =	vst v63  }
0x271: {  	s20 =	smov.u32 s29  }
0x272: {  	s21 =	smov.u32 s30;
	s24 =	smov.u32 s31;
	s22 =	sld [smem:$0x7F2]  }
.LBB2_9:
0x273: {  	_ =	sfence.sel $0x180000  }
0x274: {  	[bflag:$0x0] =	sbarrier.arrive $0xFFFF  }
0x275: {  	_ =	strace $0x90000047  }
0x276: {  	s0 =	stileid.u32;
	[bflag:$0x2] =	sbarrier.arrive $0xFFFF  }
0x277: {  	p0 =	sne.s32 s0, $0x0;
	s0 =	rddreg [dreg:$0x3]  }
0x278: {  	s0 =	sadd.s32 @!p0 $0x100000, s0  }
0x279: {  	[sflag:s0] =	ssyncadd.tile.s32 @!p0 $0x1;
	_ =	shalt  }
.Lfunc_end2:
_tile_overlayer_lowered:
.L_overlay_start_2:
0x27a: {  	(tag) =	ssettag $0x2  }
0x27b: {  	s0 =	rddreg [dreg:$0x0];
	s2 =	stileid.u32  }
0x27c: {  	s1 =	rddreg [dreg:$0x1];
	p0 =	sne.s32 s2, $0x0  }
0x27d: {  	s3 =	rddreg [dreg:$0x2];
	[bflag:$0x3] =	sbarrier.arrive $0xFFFF;
	s2 =	simm.s32 @!p0 $0x1C07  }
0x27e: {  	[timem:s3], [sflag:s2] =	dma.local @!p0 [hbm:s0], s1  }
0x27f: {  	s0 =	simm.s32 @!p0 $0x7  }
0x280: {  	_ =	swait.ge @!p0 [sflag:s0], s1  }
0x281: {  	s1 =	ssub.s32 @!p0 $0x0, s1;
	[sflag:s0] =	ssyncset.done @!p0 $0x0  }
0x282: {  	[sflag:s0] =	ssyncadd.s32 @!p0 s1  }
0x283: {  	[bflag:$0x3] =	sbarrier.arrive $0xFFFF  }
0x284: {  	_ =	shalt  }

</sc_bundles>
